<compile_context>
chip_gen: v7x
topology: tpu7x:2x2x1
jax: 0.10.2.dev20260603
libtpu: 0.0.44.dev20260713+nightly
codegen_flags: <defaults>
</compile_context>

<pallas_src>
import functools

import jax
import jax.numpy as jnp
from jax import lax
from jax.experimental import pallas as pl
from jax.experimental.pallas import tpu as pltpu
from jax.experimental.pallas import tpu_sc as plsc

NC = 2
NS = 16
NW = NC * NS
L = 16
BATCH = 16384
EMB = 16
PACK = 128 // EMB
CH = 128
ROWS = BATCH // CH
NCH = BATCH // (NW * CH)
NV = 1000000
NPK = 131072


def _sc_body(uidx, ridx, uemb, ubias, vemb, vbias, part_out, ubrb_out,
             uidx_v, ridx_v, upk_v, rpk_v, urows_v, vrows_v,
             ub_v, rb_v, ubrb_v, part_v, sem, bsem):
    wid = lax.axis_index("s") * NC + lax.axis_index("c")
    base = wid * NCH
    pltpu.sync_copy(uidx.at[pl.ds(base, NCH)], uidx_v)
    pltpu.sync_copy(ridx.at[pl.ds(base, NCH)], ridx_v)

    for j in range(NCH):
        for g in range(CH // L):
            sl = pl.ds(g * L, L)
            upk_v[j, sl] = ((uidx_v[j, sl] & (NPK - 1)) << 3) | lax.shift_right_logical(uidx_v[j, sl], 17)
            rpk_v[j, sl] = ((ridx_v[j, sl] & (NPK - 1)) << 3) | lax.shift_right_logical(ridx_v[j, sl], 17)

    bias_copies = []
    for j in range(NCH):
        bias_copies.append(pltpu.async_copy(ubias.at[uidx_v.at[j]], ub_v.at[j], bsem))
        bias_copies.append(pltpu.async_copy(vbias.at[ridx_v.at[j]], rb_v.at[j], bsem))

    def fire(j, buf):
        return (
            pltpu.async_copy(uemb.at[upk_v.at[j]], urows_v.at[buf], sem),
            pltpu.async_copy(vemb.at[rpk_v.at[j]], vrows_v.at[buf], sem),
        )

    inflight = fire(0, 0)
    acc = jnp.zeros((L,), jnp.float32)
    for j in range(NCH):
        buf = j % 2
        for cp in inflight:
            cp.wait()
        if j + 1 < NCH:
            inflight = fire(j + 1, (j + 1) % 2)

        def row_body(r, a):
            return a + urows_v[buf, r, :] * vrows_v[buf, r, :]

        acc = lax.fori_loop(0, CH, row_body, acc)

    part_v[...] = acc
    pltpu.sync_copy(part_v, part_out.at[wid])

    for cp in bias_copies:
        cp.wait()
    for j in range(NCH):
        for g in range(CH // L):
            sl = pl.ds(g * L, L)
            ubrb_v[j, sl] = ub_v[j, sl] + rb_v[j, sl]
    pltpu.sync_copy(ubrb_v, ubrb_out.at[pl.ds(base, NCH)])


_sc_gather_dot = pl.kernel(
    _sc_body,
    out_type=(
        jax.ShapeDtypeStruct((NW, L), jnp.float32),
        jax.ShapeDtypeStruct((ROWS, CH), jnp.float32),
    ),
    mesh=plsc.VectorSubcoreMesh(core_axis_name="c", subcore_axis_name="s"),
    scratch_types=[
        pltpu.VMEM((NCH, CH), jnp.int32),
        pltpu.VMEM((NCH, CH), jnp.int32),
        pltpu.VMEM((NCH, CH), jnp.int32),
        pltpu.VMEM((NCH, CH), jnp.int32),
        pltpu.VMEM((2, CH, EMB), jnp.float32),
        pltpu.VMEM((2, CH, EMB), jnp.float32),
        pltpu.VMEM((NCH, CH), jnp.float32),
        pltpu.VMEM((NCH, CH), jnp.float32),
        pltpu.VMEM((NCH, CH), jnp.float32),
        pltpu.VMEM((L,), jnp.float32),
        pltpu.SemaphoreType.DMA,
        pltpu.SemaphoreType.DMA,
    ],
    compiler_params=pltpu.CompilerParams(
        use_tc_tiling_on_sc=False, needs_layout_passes=False
    ),
)


def _combine_body(part_ref, ubrb_ref, out_ref):
    s = jnp.sum(part_ref[...])
    out_ref[...] = jax.nn.sigmoid(s + ubrb_ref[...])


_combine = pl.pallas_call(
    _combine_body,
    out_shape=jax.ShapeDtypeStruct((ROWS, CH), jnp.float32),
)

RB = 4096
RJ = NPK // RB
_IN_BLOCKS = -(-NV // RB)
BCH = 32768
NBL = RJ * (BCH // 128)
_BIAS_BLOCKS = -(-NV // BCH)


def _bias_in_map(j):
    return (0, jnp.minimum(j, _BIAS_BLOCKS - 1))


def _make_in_map(w):
    def in_map(j):
        return (0, jnp.minimum(w * RJ + j, _IN_BLOCKS - 1))
    return in_map


def _repack_body(*refs):
    in_refs = refs[: 2 * PACK]
    ub_ref, vb_ref = refs[2 * PACK: 2 * PACK + 2]
    out_refs = refs[2 * PACK + 2: 2 * PACK + 4]
    ubp_ref, vbp_ref = refs[2 * PACK + 4: 2 * PACK + 6]
    scratch = refs[-1]
    for t in range(2):
        for w in range(PACK):
            scratch[pl.ds(w * EMB, EMB), :] = in_refs[t * PACK + w][...]
        out_refs[t][...] = scratch[...].T
    ubp_ref[...] = ub_ref[...].reshape(BCH // 128, 128)
    vbp_ref[...] = vb_ref[...].reshape(BCH // 128, 128)


_repack = pl.pallas_call(
    _repack_body,
    grid=(RJ,),
    in_specs=[
        pl.BlockSpec((EMB, RB), _make_in_map(w))
        for _ in range(2)
        for w in range(PACK)
    ] + [
        pl.BlockSpec((1, BCH), _bias_in_map),
        pl.BlockSpec((1, BCH), _bias_in_map),
    ],
    out_specs=[
        pl.BlockSpec((RB, 128), lambda j: (j, 0)),
        pl.BlockSpec((RB, 128), lambda j: (j, 0)),
        pl.BlockSpec((BCH // 128, 128), lambda j: (j, 0)),
        pl.BlockSpec((BCH // 128, 128), lambda j: (j, 0)),
    ],
    out_shape=[
        jax.ShapeDtypeStruct((NPK, 128), jnp.float32),
        jax.ShapeDtypeStruct((NPK, 128), jnp.float32),
        jax.ShapeDtypeStruct((NBL, 128), jnp.float32),
        jax.ShapeDtypeStruct((NBL, 128), jnp.float32),
    ],
    scratch_shapes=[pltpu.VMEM((128, RB), jnp.float32)],
)


@jax.jit
def kernel(inputs, user_embedding, user_bias, movie_embedding, movie_bias):
    uidx = inputs[:, 0].astype(jnp.int32).reshape(ROWS, CH)
    ridx = inputs[:, 1].astype(jnp.int32).reshape(ROWS, CH)
    ut = user_embedding.T
    vt = movie_embedding.T
    upk, vpk, ubp, vbp = _repack(
        *([ut] * PACK), *([vt] * PACK), user_bias.T, movie_bias.T)
    part, ubrb = _sc_gather_dot(
        uidx, ridx,
        upk.reshape(-1, EMB), ubp.reshape(-1),
        vpk.reshape(-1, EMB), vbp.reshape(-1),
    )
    return _combine(part, ubrb).reshape(BATCH, 1)

# --- scband reference (transcript-rebuilt; emitter-appended) ---
"""Pipeline reference for scband-recommendation-model-34419867910638 (READ-ONLY COPY).

The authoritative reference and input builder live on the scoring server;
editing this copy changes nothing except your own understanding.
"""

import jax, jax.numpy as jnp
import numpy as np

NUM_CUSTOMERS = 1000000
NUM_RESTO = 1000000
EMB = 16
B = 16384


def setup_inputs(seed: int = 0) -> dict:
    key = jax.random.key(seed)
    k1, k2, k3, k4, k5 = jax.random.split(key, 5)
    inputs = jax.random.randint(k1, (B, 2), 0, NUM_CUSTOMERS)
    # he_normal-ish initialization for embedding tables
    user_embedding = jax.random.normal(k2, (NUM_CUSTOMERS, EMB), dtype=jnp.float32) * np.sqrt(2.0 / EMB)
    user_bias = jax.random.normal(k3, (NUM_CUSTOMERS, 1), dtype=jnp.float32) * 0.05
    movie_embedding = jax.random.normal(k4, (NUM_RESTO, EMB), dtype=jnp.float32) * np.sqrt(2.0 / EMB)
    movie_bias = jax.random.normal(k5, (NUM_RESTO, 1), dtype=jnp.float32) * 0.05
    return {
        "inputs": inputs,
        "user_embedding": user_embedding,
        "user_bias": user_bias,
        "movie_embedding": movie_embedding,
        "movie_bias": movie_bias,
    }


def reference(inputs, user_embedding, user_bias, movie_embedding, movie_bias):
    user_idx = inputs[:, 0]
    resto_idx = inputs[:, 1]
    user_vector = jnp.take(user_embedding, user_idx, axis=0)      # [B, EMB]
    ub = jnp.take(user_bias, user_idx, axis=0)                    # [B, 1]
    resto_vector = jnp.take(movie_embedding, resto_idx, axis=0)   # [B, EMB]
    rb = jnp.take(movie_bias, resto_idx, axis=0)                  # [B, 1]
    # Faithful to keras.ops.tensordot(u, v, 2): contracts over BOTH axes -> scalar
    dot_user_restaurant = jnp.tensordot(user_vector, resto_vector, 2)
    x = dot_user_restaurant + ub + rb                             # broadcast -> [B, 1]
    return jax.nn.sigmoid(x)

if __name__ == "__main__":
    import jax
    _d = setup_inputs()
    print(jax.jit(kernel)(*tuple(_d.values())))

</pallas_src>

<mosaic_0001>
#map = affine_map<(d0, d1) -> (0, 0)>
#map1 = affine_map<(d0, d1) -> (0)>
module attributes {stable_mosaic.version = 14 : i64} {
  func.func @_sc_body(%arg0: i32, %arg1: i32, %arg2: memref<128x128xi32, #tpu.memory_space<hbm>>, %arg3: memref<128x128xi32, #tpu.memory_space<hbm>>, %arg4: memref<1048576x16xf32, #tpu.memory_space<hbm>>, %arg5: memref<1048576xf32, #tpu.memory_space<hbm>>, %arg6: memref<1048576x16xf32, #tpu.memory_space<hbm>>, %arg7: memref<1048576xf32, #tpu.memory_space<hbm>>, %arg8: memref<32x16xf32, #tpu.memory_space<hbm>>, %arg9: memref<128x128xf32, #tpu.memory_space<hbm>>, %arg10: memref<4x128xi32, #tpu.memory_space<vmem>>, %arg11: memref<4x128xi32, #tpu.memory_space<vmem>>, %arg12: memref<4x128xi32, #tpu.memory_space<vmem>>, %arg13: memref<4x128xi32, #tpu.memory_space<vmem>>, %arg14: memref<2x128x16xf32, #tpu.memory_space<vmem>>, %arg15: memref<2x128x16xf32, #tpu.memory_space<vmem>>, %arg16: memref<4x128xf32, #tpu.memory_space<vmem>>, %arg17: memref<4x128xf32, #tpu.memory_space<vmem>>, %arg18: memref<4x128xf32, #tpu.memory_space<vmem>>, %arg19: memref<16xf32, #tpu.memory_space<vmem>>, %arg20: memref<!tpu.dma_semaphore, #tpu.memory_space<semaphore_mem>>, %arg21: memref<!tpu.dma_semaphore, #tpu.memory_space<semaphore_mem>>) attributes {dimension_semantics = [#tpu.dimension_semantics<core_parallel>, #tpu.dimension_semantics<subcore_parallel>], iteration_bounds = array<i64: 2, 16>, scalar_prefetch = 0 : i64, scratch_operands = 12 : i64, tpu.core_type = #tpu.core_type<sc_vector_subcore>, window_params = [{transform_indices = #map}, {transform_indices = #map}, {transform_indices = #map}, {transform_indices = #map1}, {transform_indices = #map}, {transform_indices = #map1}, {transform_indices = #map}, {transform_indices = #map}]} {
    %mul3A = arith.constant 2 : i32
    %mul3A_0 = arith.muli %arg1, %mul3A : i32
    %add3A = arith.addi %mul3A_0, %arg0 : i32
    %mul3A_1 = arith.constant 4 : i32
    %mul3A_2 = arith.muli %add3A, %mul3A_1 : i32
    "tpu.region"() ({
      %run_scoped3A = tpu.sem_alloc : memref<!tpu.dma_semaphore, #tpu.memory_space<semaphore_mem>>
      %dma_start3A_2197 = arith.constant 0 : i32
      %dma_start3A_2198 = tpu.memref_slice %arg2[%mul3A_2, %dma_start3A_2197] : memref<128x128xi32, #tpu.memory_space<hbm>> -> memref<4x128xi32, #tpu.memory_space<hbm>>
      %dma_start3A_2199 = arith.constant 0 : i32
      %dma_start3A_2200 = tpu.memref_slice %arg2[%mul3A_2, %dma_start3A_2199] : memref<128x128xi32, #tpu.memory_space<hbm>> -> memref<4x128xi32, #tpu.memory_space<hbm>>
      tpu.enqueue_dma source(%dma_start3A_2200 : memref<4x128xi32, #tpu.memory_space<hbm>>) target(%arg10 : memref<4x128xi32, #tpu.memory_space<vmem>>) target_semaphore(%run_scoped3A : memref<!tpu.dma_semaphore, #tpu.memory_space<semaphore_mem>>)
      %dma_wait3A_2201 = arith.constant 0 : i32
      %dma_wait3A_2202 = tpu.memref_slice %arg2[%mul3A_2, %dma_wait3A_2201] : memref<128x128xi32, #tpu.memory_space<hbm>> -> memref<4x128xi32, #tpu.memory_space<hbm>>
      %dma_wait3A_2203 = arith.constant 0 : i32
      %dma_wait3A_2204 = tpu.memref_slice %arg2[%mul3A_2, %dma_wait3A_2203] : memref<128x128xi32, #tpu.memory_space<hbm>> -> memref<4x128xi32, #tpu.memory_space<hbm>>
      tpu.wait_dma2 semaphore(%run_scoped3A : memref<!tpu.dma_semaphore, #tpu.memory_space<semaphore_mem>>) src(%dma_wait3A_2204 : memref<4x128xi32, #tpu.memory_space<hbm>>) dst(%arg10 : memref<4x128xi32, #tpu.memory_space<vmem>>)
      tpu.yield
    }) : () -> ()
    "tpu.region"() ({
      %run_scoped3A = tpu.sem_alloc : memref<!tpu.dma_semaphore, #tpu.memory_space<semaphore_mem>>
      %dma_start3A_2197 = arith.constant 0 : i32
      %dma_start3A_2198 = tpu.memref_slice %arg3[%mul3A_2, %dma_start3A_2197] : memref<128x128xi32, #tpu.memory_space<hbm>> -> memref<4x128xi32, #tpu.memory_space<hbm>>
      %dma_start3A_2199 = arith.constant 0 : i32
      %dma_start3A_2200 = tpu.memref_slice %arg3[%mul3A_2, %dma_start3A_2199] : memref<128x128xi32, #tpu.memory_space<hbm>> -> memref<4x128xi32, #tpu.memory_space<hbm>>
      tpu.enqueue_dma source(%dma_start3A_2200 : memref<4x128xi32, #tpu.memory_space<hbm>>) target(%arg11 : memref<4x128xi32, #tpu.memory_space<vmem>>) target_semaphore(%run_scoped3A : memref<!tpu.dma_semaphore, #tpu.memory_space<semaphore_mem>>)
      %dma_wait3A_2201 = arith.constant 0 : i32
      %dma_wait3A_2202 = tpu.memref_slice %arg3[%mul3A_2, %dma_wait3A_2201] : memref<128x128xi32, #tpu.memory_space<hbm>> -> memref<4x128xi32, #tpu.memory_space<hbm>>
      %dma_wait3A_2203 = arith.constant 0 : i32
      %dma_wait3A_2204 = tpu.memref_slice %arg3[%mul3A_2, %dma_wait3A_2203] : memref<128x128xi32, #tpu.memory_space<hbm>> -> memref<4x128xi32, #tpu.memory_space<hbm>>
      tpu.wait_dma2 semaphore(%run_scoped3A : memref<!tpu.dma_semaphore, #tpu.memory_space<semaphore_mem>>) src(%dma_wait3A_2204 : memref<4x128xi32, #tpu.memory_space<hbm>>) dst(%arg11 : memref<4x128xi32, #tpu.memory_space<vmem>>)
      tpu.yield
    }) : () -> ()
    %get3A = arith.constant 0 : i32
    %get3A_3 = arith.index_cast %get3A : i32 to index
    %get3A_4 = arith.constant 0 : index
    %get3A_5 = tpu.vector_load %arg10[%get3A_3, %get3A_4] {strides = array<i32>} : memref<4x128xi32, #tpu.memory_space<vmem>>, vector<16xi32>,
    %and3A = arith.constant 131071 : i32
    %and3A_6 = vector.broadcast %and3A : i32 to vector<16xi32>
    %and3A_7 = arith.andi %get3A_5, %and3A_6 : vector<16xi32>
    %shift_left3A = arith.constant 3 : i32
    %shift_left3A_8 = vector.broadcast %shift_left3A : i32 to vector<16xi32>
    %shift_left3A_9 = arith.shli %and3A_7, %shift_left3A_8 : vector<16xi32>
    %get3A_10 = arith.constant 0 : i32
    %get3A_11 = arith.index_cast %get3A_10 : i32 to index
    %get3A_12 = arith.constant 0 : index
    %get3A_13 = tpu.vector_load %arg10[%get3A_11, %get3A_12] {strides = array<i32>} : memref<4x128xi32, #tpu.memory_space<vmem>>, vector<16xi32>,
    %shift_right_logical3A = arith.constant 17 : i32
    %shift_right_logical3A_14 = vector.broadcast %shift_right_logical3A : i32 to vector<16xi32>
    %shift_right_logical3A_15 = arith.shrui %get3A_13, %shift_right_logical3A_14 : vector<16xi32>
    %or3A = arith.ori %shift_left3A_9, %shift_right_logical3A_15 : vector<16xi32>
    %swap3A = arith.constant 0 : i32
    %swap3A_16 = arith.index_cast %swap3A : i32 to index
    %swap3A_17 = arith.constant 0 : index
    %swap3A_18 = tpu.vector_load %arg12[%swap3A_16, %swap3A_17] {strides = array<i32>} : memref<4x128xi32, #tpu.memory_space<vmem>>, vector<16xi32>,
    tpu.vector_store %arg12[%swap3A_16, %swap3A_17], %or3A {strides = array<i32>} : memref<4x128xi32, #tpu.memory_space<vmem>>, vector<16xi32>,
    %get3A_19 = arith.constant 0 : i32
    %get3A_20 = arith.index_cast %get3A_19 : i32 to index
    %get3A_21 = arith.constant 0 : index
    %get3A_22 = tpu.vector_load %arg11[%get3A_20, %get3A_21] {strides = array<i32>} : memref<4x128xi32, #tpu.memory_space<vmem>>, vector<16xi32>,
    %and3A_23 = arith.constant 131071 : i32
    %and3A_24 = vector.broadcast %and3A_23 : i32 to vector<16xi32>
    %and3A_25 = arith.andi %get3A_22, %and3A_24 : vector<16xi32>
    %shift_left3A_26 = arith.constant 3 : i32
    %shift_left3A_27 = vector.broadcast %shift_left3A_26 : i32 to vector<16xi32>
    %shift_left3A_28 = arith.shli %and3A_25, %shift_left3A_27 : vector<16xi32>
    %get3A_29 = arith.constant 0 : i32
    %get3A_30 = arith.index_cast %get3A_29 : i32 to index
    %get3A_31 = arith.constant 0 : index
    %get3A_32 = tpu.vector_load %arg11[%get3A_30, %get3A_31] {strides = array<i32>} : memref<4x128xi32, #tpu.memory_space<vmem>>, vector<16xi32>,
    %shift_right_logical3A_33 = arith.constant 17 : i32
    %shift_right_logical3A_34 = vector.broadcast %shift_right_logical3A_33 : i32 to vector<16xi32>
    %shift_right_logical3A_35 = arith.shrui %get3A_32, %shift_right_logical3A_34 : vector<16xi32>
    %or3A_36 = arith.ori %shift_left3A_28, %shift_right_logical3A_35 : vector<16xi32>
    %swap3A_37 = arith.constant 0 : i32
    %swap3A_38 = arith.index_cast %swap3A_37 : i32 to index
    %swap3A_39 = arith.constant 0 : index
    %swap3A_40 = tpu.vector_load %arg13[%swap3A_38, %swap3A_39] {strides = array<i32>} : memref<4x128xi32, #tpu.memory_space<vmem>>, vector<16xi32>,
    tpu.vector_store %arg13[%swap3A_38, %swap3A_39], %or3A_36 {strides = array<i32>} : memref<4x128xi32, #tpu.memory_space<vmem>>, vector<16xi32>,
    %get3A_41 = arith.constant 0 : i32
    %get3A_42 = arith.index_cast %get3A_41 : i32 to index
    %get3A_43 = arith.constant 16 : index
    %get3A_44 = tpu.vector_load %arg10[%get3A_42, %get3A_43] {strides = array<i32>} : memref<4x128xi32, #tpu.memory_space<vmem>>, vector<16xi32>,
    %and3A_45 = arith.constant 131071 : i32
    %and3A_46 = vector.broadcast %and3A_45 : i32 to vector<16xi32>
    %and3A_47 = arith.andi %get3A_44, %and3A_46 : vector<16xi32>
    %shift_left3A_48 = arith.constant 3 : i32
    %shift_left3A_49 = vector.broadcast %shift_left3A_48 : i32 to vector<16xi32>
    %shift_left3A_50 = arith.shli %and3A_47, %shift_left3A_49 : vector<16xi32>
    %get3A_51 = arith.constant 0 : i32
    %get3A_52 = arith.index_cast %get3A_51 : i32 to index
    %get3A_53 = arith.constant 16 : index
    %get3A_54 = tpu.vector_load %arg10[%get3A_52, %get3A_53] {strides = array<i32>} : memref<4x128xi32, #tpu.memory_space<vmem>>, vector<16xi32>,
    %shift_right_logical3A_55 = arith.constant 17 : i32
    %shift_right_logical3A_56 = vector.broadcast %shift_right_logical3A_55 : i32 to vector<16xi32>
    %shift_right_logical3A_57 = arith.shrui %get3A_54, %shift_right_logical3A_56 : vector<16xi32>
    %or3A_58 = arith.ori %shift_left3A_50, %shift_right_logical3A_57 : vector<16xi32>
    %swap3A_59 = arith.constant 0 : i32
    %swap3A_60 = arith.index_cast %swap3A_59 : i32 to index
    %swap3A_61 = arith.constant 16 : index
    %swap3A_62 = tpu.vector_load %arg12[%swap3A_60, %swap3A_61] {strides = array<i32>} : memref<4x128xi32, #tpu.memory_space<vmem>>, vector<16xi32>,
    tpu.vector_store %arg12[%swap3A_60, %swap3A_61], %or3A_58 {strides = array<i32>} : memref<4x128xi32, #tpu.memory_space<vmem>>, vector<16xi32>,
    %get3A_63 = arith.constant 0 : i32
    %get3A_64 = arith.index_cast %get3A_63 : i32 to index
    %get3A_65 = arith.constant 16 : index
    %get3A_66 = tpu.vector_load %arg11[%get3A_64, %get3A_65] {strides = array<i32>} : memref<4x128xi32, #tpu.memory_space<vmem>>, vector<16xi32>,
    %and3A_67 = arith.constant 131071 : i32
    %and3A_68 = vector.broadcast %and3A_67 : i32 to vector<16xi32>
    %and3A_69 = arith.andi %get3A_66, %and3A_68 : vector<16xi32>
    %shift_left3A_70 = arith.constant 3 : i32
    %shift_left3A_71 = vector.broadcast %shift_left3A_70 : i32 to vector<16xi32>
    %shift_left3A_72 = arith.shli %and3A_69, %shift_left3A_71 : vector<16xi32>
    %get3A_73 = arith.constant 0 : i32
    %get3A_74 = arith.index_cast %get3A_73 : i32 to index
    %get3A_75 = arith.constant 16 : index
    %get3A_76 = tpu.vector_load %arg11[%get3A_74, %get3A_75] {strides = array<i32>} : memref<4x128xi32, #tpu.memory_space<vmem>>, vector<16xi32>,
    %shift_right_logical3A_77 = arith.constant 17 : i32
    %shift_right_logical3A_78 = vector.broadcast %shift_right_logical3A_77 : i32 to vector<16xi32>
    %shift_right_logical3A_79 = arith.shrui %get3A_76, %shift_right_logical3A_78 : vector<16xi32>
    %or3A_80 = arith.ori %shift_left3A_72, %shift_right_logical3A_79 : vector<16xi32>
    %swap3A_81 = arith.constant 0 : i32
    %swap3A_82 = arith.index_cast %swap3A_81 : i32 to index
    %swap3A_83 = arith.constant 16 : index
    %swap3A_84 = tpu.vector_load %arg13[%swap3A_82, %swap3A_83] {strides = array<i32>} : memref<4x128xi32, #tpu.memory_space<vmem>>, vector<16xi32>,
    tpu.vector_store %arg13[%swap3A_82, %swap3A_83], %or3A_80 {strides = array<i32>} : memref<4x128xi32, #tpu.memory_space<vmem>>, vector<16xi32>,
    %get3A_85 = arith.constant 0 : i32
    %get3A_86 = arith.index_cast %get3A_85 : i32 to index
    %get3A_87 = arith.constant 32 : index
    %get3A_88 = tpu.vector_load %arg10[%get3A_86, %get3A_87] {strides = array<i32>} : memref<4x128xi32, #tpu.memory_space<vmem>>, vector<16xi32>,
    %and3A_89 = arith.constant 131071 : i32
    %and3A_90 = vector.broadcast %and3A_89 : i32 to vector<16xi32>
    %and3A_91 = arith.andi %get3A_88, %and3A_90 : vector<16xi32>
    %shift_left3A_92 = arith.constant 3 : i32
    %shift_left3A_93 = vector.broadcast %shift_left3A_92 : i32 to vector<16xi32>
    %shift_left3A_94 = arith.shli %and3A_91, %shift_left3A_93 : vector<16xi32>
    %get3A_95 = arith.constant 0 : i32
    %get3A_96 = arith.index_cast %get3A_95 : i32 to index
    %get3A_97 = arith.constant 32 : index
    %get3A_98 = tpu.vector_load %arg10[%get3A_96, %get3A_97] {strides = array<i32>} : memref<4x128xi32, #tpu.memory_space<vmem>>, vector<16xi32>,
    %shift_right_logical3A_99 = arith.constant 17 : i32
    %shift_right_logical3A_100 = vector.broadcast %shift_right_logical3A_99 : i32 to vector<16xi32>
    %shift_right_logical3A_101 = arith.shrui %get3A_98, %shift_right_logical3A_100 : vector<16xi32>
    %or3A_102 = arith.ori %shift_left3A_94, %shift_right_logical3A_101 : vector<16xi32>
    %swap3A_103 = arith.constant 0 : i32
    %swap3A_104 = arith.index_cast %swap3A_103 : i32 to index
    %swap3A_105 = arith.constant 32 : index
    %swap3A_106 = tpu.vector_load %arg12[%swap3A_104, %swap3A_105] {strides = array<i32>} : memref<4x128xi32, #tpu.memory_space<vmem>>, vector<16xi32>,
    tpu.vector_store %arg12[%swap3A_104, %swap3A_105], %or3A_102 {strides = array<i32>} : memref<4x128xi32, #tpu.memory_space<vmem>>, vector<16xi32>,
    %get3A_107 = arith.constant 0 : i32
    %get3A_108 = arith.index_cast %get3A_107 : i32 to index
    %get3A_109 = arith.constant 32 : index
    %get3A_110 = tpu.vector_load %arg11[%get3A_108, %get3A_109] {strides = array<i32>} : memref<4x128xi32, #tpu.memory_space<vmem>>, vector<16xi32>,
    %and3A_111 = arith.constant 131071 : i32
    %and3A_112 = vector.broadcast %and3A_111 : i32 to vector<16xi32>
    %and3A_113 = arith.andi %get3A_110, %and3A_112 : vector<16xi32>
    %shift_left3A_114 = arith.constant 3 : i32
    %shift_left3A_115 = vector.broadcast %shift_left3A_114 : i32 to vector<16xi32>
    %shift_left3A_116 = arith.shli %and3A_113, %shift_left3A_115 : vector<16xi32>
    %get3A_117 = arith.constant 0 : i32
    %get3A_118 = arith.index_cast %get3A_117 : i32 to index
    %get3A_119 = arith.constant 32 : index
    %get3A_120 = tpu.vector_load %arg11[%get3A_118, %get3A_119] {strides = array<i32>} : memref<4x128xi32, #tpu.memory_space<vmem>>, vector<16xi32>,
    %shift_right_logical3A_121 = arith.constant 17 : i32
    %shift_right_logical3A_122 = vector.broadcast %shift_right_logical3A_121 : i32 to vector<16xi32>
    %shift_right_logical3A_123 = arith.shrui %get3A_120, %shift_right_logical3A_122 : vector<16xi32>
    %or3A_124 = arith.ori %shift_left3A_116, %shift_right_logical3A_123 : vector<16xi32>
    %swap3A_125 = arith.constant 0 : i32
    %swap3A_126 = arith.index_cast %swap3A_125 : i32 to index
    %swap3A_127 = arith.constant 32 : index
    %swap3A_128 = tpu.vector_load %arg13[%swap3A_126, %swap3A_127] {strides = array<i32>} : memref<4x128xi32, #tpu.memory_space<vmem>>, vector<16xi32>,
    tpu.vector_store %arg13[%swap3A_126, %swap3A_127], %or3A_124 {strides = array<i32>} : memref<4x128xi32, #tpu.memory_space<vmem>>, vector<16xi32>,
    %get3A_129 = arith.constant 0 : i32
    %get3A_130 = arith.index_cast %get3A_129 : i32 to index
    %get3A_131 = arith.constant 48 : index
    %get3A_132 = tpu.vector_load %arg10[%get3A_130, %get3A_131] {strides = array<i32>} : memref<4x128xi32, #tpu.memory_space<vmem>>, vector<16xi32>,
    %and3A_133 = arith.constant 131071 : i32
    %and3A_134 = vector.broadcast %and3A_133 : i32 to vector<16xi32>
    %and3A_135 = arith.andi %get3A_132, %and3A_134 : vector<16xi32>
    %shift_left3A_136 = arith.constant 3 : i32
    %shift_left3A_137 = vector.broadcast %shift_left3A_136 : i32 to vector<16xi32>
    %shift_left3A_138 = arith.shli %and3A_135, %shift_left3A_137 : vector<16xi32>
    %get3A_139 = arith.constant 0 : i32
    %get3A_140 = arith.index_cast %get3A_139 : i32 to index
    %get3A_141 = arith.constant 48 : index
    %get3A_142 = tpu.vector_load %arg10[%get3A_140, %get3A_141] {strides = array<i32>} : memref<4x128xi32, #tpu.memory_space<vmem>>, vector<16xi32>,
    %shift_right_logical3A_143 = arith.constant 17 : i32
    %shift_right_logical3A_144 = vector.broadcast %shift_right_logical3A_143 : i32 to vector<16xi32>
    %shift_right_logical3A_145 = arith.shrui %get3A_142, %shift_right_logical3A_144 : vector<16xi32>
    %or3A_146 = arith.ori %shift_left3A_138, %shift_right_logical3A_145 : vector<16xi32>
    %swap3A_147 = arith.constant 0 : i32
    %swap3A_148 = arith.index_cast %swap3A_147 : i32 to index
    %swap3A_149 = arith.constant 48 : index
    %swap3A_150 = tpu.vector_load %arg12[%swap3A_148, %swap3A_149] {strides = array<i32>} : memref<4x128xi32, #tpu.memory_space<vmem>>, vector<16xi32>,
    tpu.vector_store %arg12[%swap3A_148, %swap3A_149], %or3A_146 {strides = array<i32>} : memref<4x128xi32, #tpu.memory_space<vmem>>, vector<16xi32>,
    %get3A_151 = arith.constant 0 : i32
    %get3A_152 = arith.index_cast %get3A_151 : i32 to index
    %get3A_153 = arith.constant 48 : index
    %get3A_154 = tpu.vector_load %arg11[%get3A_152, %get3A_153] {strides = array<i32>} : memref<4x128xi32, #tpu.memory_space<vmem>>, vector<16xi32>,
    %and3A_155 = arith.constant 131071 : i32
    %and3A_156 = vector.broadcast %and3A_155 : i32 to vector<16xi32>
    %and3A_157 = arith.andi %get3A_154, %and3A_156 : vector<16xi32>
    %shift_left3A_158 = arith.constant 3 : i32
    %shift_left3A_159 = vector.broadcast %shift_left3A_158 : i32 to vector<16xi32>
    %shift_left3A_160 = arith.shli %and3A_157, %shift_left3A_159 : vector<16xi32>
    %get3A_161 = arith.constant 0 : i32
    %get3A_162 = arith.index_cast %get3A_161 : i32 to index
    %get3A_163 = arith.constant 48 : index
    %get3A_164 = tpu.vector_load %arg11[%get3A_162, %get3A_163] {strides = array<i32>} : memref<4x128xi32, #tpu.memory_space<vmem>>, vector<16xi32>,
    %shift_right_logical3A_165 = arith.constant 17 : i32
    %shift_right_logical3A_166 = vector.broadcast %shift_right_logical3A_165 : i32 to vector<16xi32>
    %shift_right_logical3A_167 = arith.shrui %get3A_164, %shift_right_logical3A_166 : vector<16xi32>
    %or3A_168 = arith.ori %shift_left3A_160, %shift_right_logical3A_167 : vector<16xi32>
    %swap3A_169 = arith.constant 0 : i32
    %swap3A_170 = arith.index_cast %swap3A_169 : i32 to index
    %swap3A_171 = arith.constant 48 : index
    %swap3A_172 = tpu.vector_load %arg13[%swap3A_170, %swap3A_171] {strides = array<i32>} : memref<4x128xi32, #tpu.memory_space<vmem>>, vector<16xi32>,
    tpu.vector_store %arg13[%swap3A_170, %swap3A_171], %or3A_168 {strides = array<i32>} : memref<4x128xi32, #tpu.memory_space<vmem>>, vector<16xi32>,
    %get3A_173 = arith.constant 0 : i32
    %get3A_174 = arith.index_cast %get3A_173 : i32 to index
    %get3A_175 = arith.constant 64 : index
    %get3A_176 = tpu.vector_load %arg10[%get3A_174, %get3A_175] {strides = array<i32>} : memref<4x128xi32, #tpu.memory_space<vmem>>, vector<16xi32>,
    %and3A_177 = arith.constant 131071 : i32
    %and3A_178 = vector.broadcast %and3A_177 : i32 to vector<16xi32>
    %and3A_179 = arith.andi %get3A_176, %and3A_178 : vector<16xi32>
    %shift_left3A_180 = arith.constant 3 : i32
    %shift_left3A_181 = vector.broadcast %shift_left3A_180 : i32 to vector<16xi32>
    %shift_left3A_182 = arith.shli %and3A_179, %shift_left3A_181 : vector<16xi32>
    %get3A_183 = arith.constant 0 : i32
    %get3A_184 = arith.index_cast %get3A_183 : i32 to index
    %get3A_185 = arith.constant 64 : index
    %get3A_186 = tpu.vector_load %arg10[%get3A_184, %get3A_185] {strides = array<i32>} : memref<4x128xi32, #tpu.memory_space<vmem>>, vector<16xi32>,
    %shift_right_logical3A_187 = arith.constant 17 : i32
    %shift_right_logical3A_188 = vector.broadcast %shift_right_logical3A_187 : i32 to vector<16xi32>
    %shift_right_logical3A_189 = arith.shrui %get3A_186, %shift_right_logical3A_188 : vector<16xi32>
    %or3A_190 = arith.ori %shift_left3A_182, %shift_right_logical3A_189 : vector<16xi32>
    %swap3A_191 = arith.constant 0 : i32
    %swap3A_192 = arith.index_cast %swap3A_191 : i32 to index
    %swap3A_193 = arith.constant 64 : index
    %swap3A_194 = tpu.vector_load %arg12[%swap3A_192, %swap3A_193] {strides = array<i32>} : memref<4x128xi32, #tpu.memory_space<vmem>>, vector<16xi32>,
    tpu.vector_store %arg12[%swap3A_192, %swap3A_193], %or3A_190 {strides = array<i32>} : memref<4x128xi32, #tpu.memory_space<vmem>>, vector<16xi32>,
    %get3A_195 = arith.constant 0 : i32
    %get3A_196 = arith.index_cast %get3A_195 : i32 to index
    %get3A_197 = arith.constant 64 : index
    %get3A_198 = tpu.vector_load %arg11[%get3A_196, %get3A_197] {strides = array<i32>} : memref<4x128xi32, #tpu.memory_space<vmem>>, vector<16xi32>,
    %and3A_199 = arith.constant 131071 : i32
    %and3A_200 = vector.broadcast %and3A_199 : i32 to vector<16xi32>
    %and3A_201 = arith.andi %get3A_198, %and3A_200 : vector<16xi32>
    %shift_left3A_202 = arith.constant 3 : i32
    %shift_left3A_203 = vector.broadcast %shift_left3A_202 : i32 to vector<16xi32>
    %shift_left3A_204 = arith.shli %and3A_201, %shift_left3A_203 : vector<16xi32>
    %get3A_205 = arith.constant 0 : i32
    %get3A_206 = arith.index_cast %get3A_205 : i32 to index
    %get3A_207 = arith.constant 64 : index
    %get3A_208 = tpu.vector_load %arg11[%get3A_206, %get3A_207] {strides = array<i32>} : memref<4x128xi32, #tpu.memory_space<vmem>>, vector<16xi32>,
    %shift_right_logical3A_209 = arith.constant 17 : i32
    %shift_right_logical3A_210 = vector.broadcast %shift_right_logical3A_209 : i32 to vector<16xi32>
    %shift_right_logical3A_211 = arith.shrui %get3A_208, %shift_right_logical3A_210 : vector<16xi32>
    %or3A_212 = arith.ori %shift_left3A_204, %shift_right_logical3A_211 : vector<16xi32>
    %swap3A_213 = arith.constant 0 : i32
    %swap3A_214 = arith.index_cast %swap3A_213 : i32 to index
    %swap3A_215 = arith.constant 64 : index
    %swap3A_216 = tpu.vector_load %arg13[%swap3A_214, %swap3A_215] {strides = array<i32>} : memref<4x128xi32, #tpu.memory_space<vmem>>, vector<16xi32>,
    tpu.vector_store %arg13[%swap3A_214, %swap3A_215], %or3A_212 {strides = array<i32>} : memref<4x128xi32, #tpu.memory_space<vmem>>, vector<16xi32>,
    %get3A_217 = arith.constant 0 : i32
    %get3A_218 = arith.index_cast %get3A_217 : i32 to index
    %get3A_219 = arith.constant 80 : index
    %get3A_220 = tpu.vector_load %arg10[%get3A_218, %get3A_219] {strides = array<i32>} : memref<4x128xi32, #tpu.memory_space<vmem>>, vector<16xi32>,
    %and3A_221 = arith.constant 131071 : i32
    %and3A_222 = vector.broadcast %and3A_221 : i32 to vector<16xi32>
    %and3A_223 = arith.andi %get3A_220, %and3A_222 : vector<16xi32>
    %shift_left3A_224 = arith.constant 3 : i32
    %shift_left3A_225 = vector.broadcast %shift_left3A_224 : i32 to vector<16xi32>
    %shift_left3A_226 = arith.shli %and3A_223, %shift_left3A_225 : vector<16xi32>
    %get3A_227 = arith.constant 0 : i32
    %get3A_228 = arith.index_cast %get3A_227 : i32 to index
    %get3A_229 = arith.constant 80 : index
    %get3A_230 = tpu.vector_load %arg10[%get3A_228, %get3A_229] {strides = array<i32>} : memref<4x128xi32, #tpu.memory_space<vmem>>, vector<16xi32>,
    %shift_right_logical3A_231 = arith.constant 17 : i32
    %shift_right_logical3A_232 = vector.broadcast %shift_right_logical3A_231 : i32 to vector<16xi32>
    %shift_right_logical3A_233 = arith.shrui %get3A_230, %shift_right_logical3A_232 : vector<16xi32>
    %or3A_234 = arith.ori %shift_left3A_226, %shift_right_logical3A_233 : vector<16xi32>
    %swap3A_235 = arith.constant 0 : i32
    %swap3A_236 = arith.index_cast %swap3A_235 : i32 to index
    %swap3A_237 = arith.constant 80 : index
    %swap3A_238 = tpu.vector_load %arg12[%swap3A_236, %swap3A_237] {strides = array<i32>} : memref<4x128xi32, #tpu.memory_space<vmem>>, vector<16xi32>,
    tpu.vector_store %arg12[%swap3A_236, %swap3A_237], %or3A_234 {strides = array<i32>} : memref<4x128xi32, #tpu.memory_space<vmem>>, vector<16xi32>,
    %get3A_239 = arith.constant 0 : i32
    %get3A_240 = arith.index_cast %get3A_239 : i32 to index
    %get3A_241 = arith.constant 80 : index
    %get3A_242 = tpu.vector_load %arg11[%get3A_240, %get3A_241] {strides = array<i32>} : memref<4x128xi32, #tpu.memory_space<vmem>>, vector<16xi32>,
    %and3A_243 = arith.constant 131071 : i32
    %and3A_244 = vector.broadcast %and3A_243 : i32 to vector<16xi32>
    %and3A_245 = arith.andi %get3A_242, %and3A_244 : vector<16xi32>
    %shift_left3A_246 = arith.constant 3 : i32
    %shift_left3A_247 = vector.broadcast %shift_left3A_246 : i32 to vector<16xi32>
    %shift_left3A_248 = arith.shli %and3A_245, %shift_left3A_247 : vector<16xi32>
    %get3A_249 = arith.constant 0 : i32
    %get3A_250 = arith.index_cast %get3A_249 : i32 to index
    %get3A_251 = arith.constant 80 : index
    %get3A_252 = tpu.vector_load %arg11[%get3A_250, %get3A_251] {strides = array<i32>} : memref<4x128xi32, #tpu.memory_space<vmem>>, vector<16xi32>,
    %shift_right_logical3A_253 = arith.constant 17 : i32
    %shift_right_logical3A_254 = vector.broadcast %shift_right_logical3A_253 : i32 to vector<16xi32>
    %shift_right_logical3A_255 = arith.shrui %get3A_252, %shift_right_logical3A_254 : vector<16xi32>
    %or3A_256 = arith.ori %shift_left3A_248, %shift_right_logical3A_255 : vector<16xi32>
    %swap3A_257 = arith.constant 0 : i32
    %swap3A_258 = arith.index_cast %swap3A_257 : i32 to index
    %swap3A_259 = arith.constant 80 : index
    %swap3A_260 = tpu.vector_load %arg13[%swap3A_258, %swap3A_259] {strides = array<i32>} : memref<4x128xi32, #tpu.memory_space<vmem>>, vector<16xi32>,
    tpu.vector_store %arg13[%swap3A_258, %swap3A_259], %or3A_256 {strides = array<i32>} : memref<4x128xi32, #tpu.memory_space<vmem>>, vector<16xi32>,
    %get3A_261 = arith.constant 0 : i32
    %get3A_262 = arith.index_cast %get3A_261 : i32 to index
    %get3A_263 = arith.constant 96 : index
    %get3A_264 = tpu.vector_load %arg10[%get3A_262, %get3A_263] {strides = array<i32>} : memref<4x128xi32, #tpu.memory_space<vmem>>, vector<16xi32>,
    %and3A_265 = arith.constant 131071 : i32
    %and3A_266 = vector.broadcast %and3A_265 : i32 to vector<16xi32>
    %and3A_267 = arith.andi %get3A_264, %and3A_266 : vector<16xi32>
    %shift_left3A_268 = arith.constant 3 : i32
    %shift_left3A_269 = vector.broadcast %shift_left3A_268 : i32 to vector<16xi32>
    %shift_left3A_270 = arith.shli %and3A_267, %shift_left3A_269 : vector<16xi32>
    %get3A_271 = arith.constant 0 : i32
    %get3A_272 = arith.index_cast %get3A_271 : i32 to index
    %get3A_273 = arith.constant 96 : index
    %get3A_274 = tpu.vector_load %arg10[%get3A_272, %get3A_273] {strides = array<i32>} : memref<4x128xi32, #tpu.memory_space<vmem>>, vector<16xi32>,
    %shift_right_logical3A_275 = arith.constant 17 : i32
    %shift_right_logical3A_276 = vector.broadcast %shift_right_logical3A_275 : i32 to vector<16xi32>
    %shift_right_logical3A_277 = arith.shrui %get3A_274, %shift_right_logical3A_276 : vector<16xi32>
    %or3A_278 = arith.ori %shift_left3A_270, %shift_right_logical3A_277 : vector<16xi32>
    %swap3A_279 = arith.constant 0 : i32
    %swap3A_280 = arith.index_cast %swap3A_279 : i32 to index
    %swap3A_281 = arith.constant 96 : index
    %swap3A_282 = tpu.vector_load %arg12[%swap3A_280, %swap3A_281] {strides = array<i32>} : memref<4x128xi32, #tpu.memory_space<vmem>>, vector<16xi32>,
    tpu.vector_store %arg12[%swap3A_280, %swap3A_281], %or3A_278 {strides = array<i32>} : memref<4x128xi32, #tpu.memory_space<vmem>>, vector<16xi32>,
    %get3A_283 = arith.constant 0 : i32
    %get3A_284 = arith.index_cast %get3A_283 : i32 to index
    %get3A_285 = arith.constant 96 : index
    %get3A_286 = tpu.vector_load %arg11[%get3A_284, %get3A_285] {strides = array<i32>} : memref<4x128xi32, #tpu.memory_space<vmem>>, vector<16xi32>,
    %and3A_287 = arith.constant 131071 : i32
    %and3A_288 = vector.broadcast %and3A_287 : i32 to vector<16xi32>
    %and3A_289 = arith.andi %get3A_286, %and3A_288 : vector<16xi32>
    %shift_left3A_290 = arith.constant 3 : i32
    %shift_left3A_291 = vector.broadcast %shift_left3A_290 : i32 to vector<16xi32>
    %shift_left3A_292 = arith.shli %and3A_289, %shift_left3A_291 : vector<16xi32>
    %get3A_293 = arith.constant 0 : i32
    %get3A_294 = arith.index_cast %get3A_293 : i32 to index
    %get3A_295 = arith.constant 96 : index
    %get3A_296 = tpu.vector_load %arg11[%get3A_294, %get3A_295] {strides = array<i32>} : memref<4x128xi32, #tpu.memory_space<vmem>>, vector<16xi32>,
    %shift_right_logical3A_297 = arith.constant 17 : i32
    %shift_right_logical3A_298 = vector.broadcast %shift_right_logical3A_297 : i32 to vector<16xi32>
    %shift_right_logical3A_299 = arith.shrui %get3A_296, %shift_right_logical3A_298 : vector<16xi32>
    %or3A_300 = arith.ori %shift_left3A_292, %shift_right_logical3A_299 : vector<16xi32>
    %swap3A_301 = arith.constant 0 : i32
    %swap3A_302 = arith.index_cast %swap3A_301 : i32 to index
    %swap3A_303 = arith.constant 96 : index
    %swap3A_304 = tpu.vector_load %arg13[%swap3A_302, %swap3A_303] {strides = array<i32>} : memref<4x128xi32, #tpu.memory_space<vmem>>, vector<16xi32>,
    tpu.vector_store %arg13[%swap3A_302, %swap3A_303], %or3A_300 {strides = array<i32>} : memref<4x128xi32, #tpu.memory_space<vmem>>, vector<16xi32>,
    %get3A_305 = arith.constant 0 : i32
    %get3A_306 = arith.index_cast %get3A_305 : i32 to index
    %get3A_307 = arith.constant 112 : index
    %get3A_308 = tpu.vector_load %arg10[%get3A_306, %get3A_307] {strides = array<i32>} : memref<4x128xi32, #tpu.memory_space<vmem>>, vector<16xi32>,
    %and3A_309 = arith.constant 131071 : i32
    %and3A_310 = vector.broadcast %and3A_309 : i32 to vector<16xi32>
    %and3A_311 = arith.andi %get3A_308, %and3A_310 : vector<16xi32>
    %shift_left3A_312 = arith.constant 3 : i32
    %shift_left3A_313 = vector.broadcast %shift_left3A_312 : i32 to vector<16xi32>
    %shift_left3A_314 = arith.shli %and3A_311, %shift_left3A_313 : vector<16xi32>
    %get3A_315 = arith.constant 0 : i32
    %get3A_316 = arith.index_cast %get3A_315 : i32 to index
    %get3A_317 = arith.constant 112 : index
    %get3A_318 = tpu.vector_load %arg10[%get3A_316, %get3A_317] {strides = array<i32>} : memref<4x128xi32, #tpu.memory_space<vmem>>, vector<16xi32>,
    %shift_right_logical3A_319 = arith.constant 17 : i32
    %shift_right_logical3A_320 = vector.broadcast %shift_right_logical3A_319 : i32 to vector<16xi32>
    %shift_right_logical3A_321 = arith.shrui %get3A_318, %shift_right_logical3A_320 : vector<16xi32>
    %or3A_322 = arith.ori %shift_left3A_314, %shift_right_logical3A_321 : vector<16xi32>
    %swap3A_323 = arith.constant 0 : i32
    %swap3A_324 = arith.index_cast %swap3A_323 : i32 to index
    %swap3A_325 = arith.constant 112 : index
    %swap3A_326 = tpu.vector_load %arg12[%swap3A_324, %swap3A_325] {strides = array<i32>} : memref<4x128xi32, #tpu.memory_space<vmem>>, vector<16xi32>,
    tpu.vector_store %arg12[%swap3A_324, %swap3A_325], %or3A_322 {strides = array<i32>} : memref<4x128xi32, #tpu.memory_space<vmem>>, vector<16xi32>,
    %get3A_327 = arith.constant 0 : i32
    %get3A_328 = arith.index_cast %get3A_327 : i32 to index
    %get3A_329 = arith.constant 112 : index
    %get3A_330 = tpu.vector_load %arg11[%get3A_328, %get3A_329] {strides = array<i32>} : memref<4x128xi32, #tpu.memory_space<vmem>>, vector<16xi32>,
    %and3A_331 = arith.constant 131071 : i32
    %and3A_332 = vector.broadcast %and3A_331 : i32 to vector<16xi32>
    %and3A_333 = arith.andi %get3A_330, %and3A_332 : vector<16xi32>
    %shift_left3A_334 = arith.constant 3 : i32
    %shift_left3A_335 = vector.broadcast %shift_left3A_334 : i32 to vector<16xi32>
    %shift_left3A_336 = arith.shli %and3A_333, %shift_left3A_335 : vector<16xi32>
    %get3A_337 = arith.constant 0 : i32
    %get3A_338 = arith.index_cast %get3A_337 : i32 to index
    %get3A_339 = arith.constant 112 : index
    %get3A_340 = tpu.vector_load %arg11[%get3A_338, %get3A_339] {strides = array<i32>} : memref<4x128xi32, #tpu.memory_space<vmem>>, vector<16xi32>,
    %shift_right_logical3A_341 = arith.constant 17 : i32
    %shift_right_logical3A_342 = vector.broadcast %shift_right_logical3A_341 : i32 to vector<16xi32>
    %shift_right_logical3A_343 = arith.shrui %get3A_340, %shift_right_logical3A_342 : vector<16xi32>
    %or3A_344 = arith.ori %shift_left3A_336, %shift_right_logical3A_343 : vector<16xi32>
    %swap3A_345 = arith.constant 0 : i32
    %swap3A_346 = arith.index_cast %swap3A_345 : i32 to index
    %swap3A_347 = arith.constant 112 : index
    %swap3A_348 = tpu.vector_load %arg13[%swap3A_346, %swap3A_347] {strides = array<i32>} : memref<4x128xi32, #tpu.memory_space<vmem>>, vector<16xi32>,
    tpu.vector_store %arg13[%swap3A_346, %swap3A_347], %or3A_344 {strides = array<i32>} : memref<4x128xi32, #tpu.memory_space<vmem>>, vector<16xi32>,
    %get3A_349 = arith.constant 1 : i32
    %get3A_350 = arith.index_cast %get3A_349 : i32 to index
    %get3A_351 = arith.constant 0 : index
    %get3A_352 = tpu.vector_load %arg10[%get3A_350, %get3A_351] {strides = array<i32>} : memref<4x128xi32, #tpu.memory_space<vmem>>, vector<16xi32>,
    %and3A_353 = arith.constant 131071 : i32
    %and3A_354 = vector.broadcast %and3A_353 : i32 to vector<16xi32>
    %and3A_355 = arith.andi %get3A_352, %and3A_354 : vector<16xi32>
    %shift_left3A_356 = arith.constant 3 : i32
    %shift_left3A_357 = vector.broadcast %shift_left3A_356 : i32 to vector<16xi32>
    %shift_left3A_358 = arith.shli %and3A_355, %shift_left3A_357 : vector<16xi32>
    %get3A_359 = arith.constant 1 : i32
    %get3A_360 = arith.index_cast %get3A_359 : i32 to index
    %get3A_361 = arith.constant 0 : index
    %get3A_362 = tpu.vector_load %arg10[%get3A_360, %get3A_361] {strides = array<i32>} : memref<4x128xi32, #tpu.memory_space<vmem>>, vector<16xi32>,
    %shift_right_logical3A_363 = arith.constant 17 : i32
    %shift_right_logical3A_364 = vector.broadcast %shift_right_logical3A_363 : i32 to vector<16xi32>
    %shift_right_logical3A_365 = arith.shrui %get3A_362, %shift_right_logical3A_364 : vector<16xi32>
    %or3A_366 = arith.ori %shift_left3A_358, %shift_right_logical3A_365 : vector<16xi32>
    %swap3A_367 = arith.constant 1 : i32
    %swap3A_368 = arith.index_cast %swap3A_367 : i32 to index
    %swap3A_369 = arith.constant 0 : index
    %swap3A_370 = tpu.vector_load %arg12[%swap3A_368, %swap3A_369] {strides = array<i32>} : memref<4x128xi32, #tpu.memory_space<vmem>>, vector<16xi32>,
    tpu.vector_store %arg12[%swap3A_368, %swap3A_369], %or3A_366 {strides = array<i32>} : memref<4x128xi32, #tpu.memory_space<vmem>>, vector<16xi32>,
    %get3A_371 = arith.constant 1 : i32
    %get3A_372 = arith.index_cast %get3A_371 : i32 to index
    %get3A_373 = arith.constant 0 : index
    %get3A_374 = tpu.vector_load %arg11[%get3A_372, %get3A_373] {strides = array<i32>} : memref<4x128xi32, #tpu.memory_space<vmem>>, vector<16xi32>,
    %and3A_375 = arith.constant 131071 : i32
    %and3A_376 = vector.broadcast %and3A_375 : i32 to vector<16xi32>
    %and3A_377 = arith.andi %get3A_374, %and3A_376 : vector<16xi32>
    %shift_left3A_378 = arith.constant 3 : i32
    %shift_left3A_379 = vector.broadcast %shift_left3A_378 : i32 to vector<16xi32>
    %shift_left3A_380 = arith.shli %and3A_377, %shift_left3A_379 : vector<16xi32>
    %get3A_381 = arith.constant 1 : i32
    %get3A_382 = arith.index_cast %get3A_381 : i32 to index
    %get3A_383 = arith.constant 0 : index
    %get3A_384 = tpu.vector_load %arg11[%get3A_382, %get3A_383] {strides = array<i32>} : memref<4x128xi32, #tpu.memory_space<vmem>>, vector<16xi32>,
    %shift_right_logical3A_385 = arith.constant 17 : i32
    %shift_right_logical3A_386 = vector.broadcast %shift_right_logical3A_385 : i32 to vector<16xi32>
    %shift_right_logical3A_387 = arith.shrui %get3A_384, %shift_right_logical3A_386 : vector<16xi32>
    %or3A_388 = arith.ori %shift_left3A_380, %shift_right_logical3A_387 : vector<16xi32>
    %swap3A_389 = arith.constant 1 : i32
    %swap3A_390 = arith.index_cast %swap3A_389 : i32 to index
    %swap3A_391 = arith.constant 0 : index
    %swap3A_392 = tpu.vector_load %arg13[%swap3A_390, %swap3A_391] {strides = array<i32>} : memref<4x128xi32, #tpu.memory_space<vmem>>, vector<16xi32>,
    tpu.vector_store %arg13[%swap3A_390, %swap3A_391], %or3A_388 {strides = array<i32>} : memref<4x128xi32, #tpu.memory_space<vmem>>, vector<16xi32>,
    %get3A_393 = arith.constant 1 : i32
    %get3A_394 = arith.index_cast %get3A_393 : i32 to index
    %get3A_395 = arith.constant 16 : index
    %get3A_396 = tpu.vector_load %arg10[%get3A_394, %get3A_395] {strides = array<i32>} : memref<4x128xi32, #tpu.memory_space<vmem>>, vector<16xi32>,
    %and3A_397 = arith.constant 131071 : i32
    %and3A_398 = vector.broadcast %and3A_397 : i32 to vector<16xi32>
    %and3A_399 = arith.andi %get3A_396, %and3A_398 : vector<16xi32>
    %shift_left3A_400 = arith.constant 3 : i32
    %shift_left3A_401 = vector.broadcast %shift_left3A_400 : i32 to vector<16xi32>
    %shift_left3A_402 = arith.shli %and3A_399, %shift_left3A_401 : vector<16xi32>
    %get3A_403 = arith.constant 1 : i32
    %get3A_404 = arith.index_cast %get3A_403 : i32 to index
    %get3A_405 = arith.constant 16 : index
    %get3A_406 = tpu.vector_load %arg10[%get3A_404, %get3A_405] {strides = array<i32>} : memref<4x128xi32, #tpu.memory_space<vmem>>, vector<16xi32>,
    %shift_right_logical3A_407 = arith.constant 17 : i32
    %shift_right_logical3A_408 = vector.broadcast %shift_right_logical3A_407 : i32 to vector<16xi32>
    %shift_right_logical3A_409 = arith.shrui %get3A_406, %shift_right_logical3A_408 : vector<16xi32>
    %or3A_410 = arith.ori %shift_left3A_402, %shift_right_logical3A_409 : vector<16xi32>
    %swap3A_411 = arith.constant 1 : i32
    %swap3A_412 = arith.index_cast %swap3A_411 : i32 to index
    %swap3A_413 = arith.constant 16 : index
    %swap3A_414 = tpu.vector_load %arg12[%swap3A_412, %swap3A_413] {strides = array<i32>} : memref<4x128xi32, #tpu.memory_space<vmem>>, vector<16xi32>,
    tpu.vector_store %arg12[%swap3A_412, %swap3A_413], %or3A_410 {strides = array<i32>} : memref<4x128xi32, #tpu.memory_space<vmem>>, vector<16xi32>,
    %get3A_415 = arith.constant 1 : i32
    %get3A_416 = arith.index_cast %get3A_415 : i32 to index
    %get3A_417 = arith.constant 16 : index
    %get3A_418 = tpu.vector_load %arg11[%get3A_416, %get3A_417] {strides = array<i32>} : memref<4x128xi32, #tpu.memory_space<vmem>>, vector<16xi32>,
    %and3A_419 = arith.constant 131071 : i32
    %and3A_420 = vector.broadcast %and3A_419 : i32 to vector<16xi32>
    %and3A_421 = arith.andi %get3A_418, %and3A_420 : vector<16xi32>
    %shift_left3A_422 = arith.constant 3 : i32
    %shift_left3A_423 = vector.broadcast %shift_left3A_422 : i32 to vector<16xi32>
    %shift_left3A_424 = arith.shli %and3A_421, %shift_left3A_423 : vector<16xi32>
    %get3A_425 = arith.constant 1 : i32
    %get3A_426 = arith.index_cast %get3A_425 : i32 to index
    %get3A_427 = arith.constant 16 : index
    %get3A_428 = tpu.vector_load %arg11[%get3A_426, %get3A_427] {strides = array<i32>} : memref<4x128xi32, #tpu.memory_space<vmem>>, vector<16xi32>,
    %shift_right_logical3A_429 = arith.constant 17 : i32
    %shift_right_logical3A_430 = vector.broadcast %shift_right_logical3A_429 : i32 to vector<16xi32>
    %shift_right_logical3A_431 = arith.shrui %get3A_428, %shift_right_logical3A_430 : vector<16xi32>
    %or3A_432 = arith.ori %shift_left3A_424, %shift_right_logical3A_431 : vector<16xi32>
    %swap3A_433 = arith.constant 1 : i32
    %swap3A_434 = arith.index_cast %swap3A_433 : i32 to index
    %swap3A_435 = arith.constant 16 : index
    %swap3A_436 = tpu.vector_load %arg13[%swap3A_434, %swap3A_435] {strides = array<i32>} : memref<4x128xi32, #tpu.memory_space<vmem>>, vector<16xi32>,
    tpu.vector_store %arg13[%swap3A_434, %swap3A_435], %or3A_432 {strides = array<i32>} : memref<4x128xi32, #tpu.memory_space<vmem>>, vector<16xi32>,
    %get3A_437 = arith.constant 1 : i32
    %get3A_438 = arith.index_cast %get3A_437 : i32 to index
    %get3A_439 = arith.constant 32 : index
    %get3A_440 = tpu.vector_load %arg10[%get3A_438, %get3A_439] {strides = array<i32>} : memref<4x128xi32, #tpu.memory_space<vmem>>, vector<16xi32>,
    %and3A_441 = arith.constant 131071 : i32
    %and3A_442 = vector.broadcast %and3A_441 : i32 to vector<16xi32>
    %and3A_443 = arith.andi %get3A_440, %and3A_442 : vector<16xi32>
    %shift_left3A_444 = arith.constant 3 : i32
    %shift_left3A_445 = vector.broadcast %shift_left3A_444 : i32 to vector<16xi32>
    %shift_left3A_446 = arith.shli %and3A_443, %shift_left3A_445 : vector<16xi32>
    %get3A_447 = arith.constant 1 : i32
    %get3A_448 = arith.index_cast %get3A_447 : i32 to index
    %get3A_449 = arith.constant 32 : index
    %get3A_450 = tpu.vector_load %arg10[%get3A_448, %get3A_449] {strides = array<i32>} : memref<4x128xi32, #tpu.memory_space<vmem>>, vector<16xi32>,
    %shift_right_logical3A_451 = arith.constant 17 : i32
    %shift_right_logical3A_452 = vector.broadcast %shift_right_logical3A_451 : i32 to vector<16xi32>
    %shift_right_logical3A_453 = arith.shrui %get3A_450, %shift_right_logical3A_452 : vector<16xi32>
    %or3A_454 = arith.ori %shift_left3A_446, %shift_right_logical3A_453 : vector<16xi32>
    %swap3A_455 = arith.constant 1 : i32
    %swap3A_456 = arith.index_cast %swap3A_455 : i32 to index
    %swap3A_457 = arith.constant 32 : index
    %swap3A_458 = tpu.vector_load %arg12[%swap3A_456, %swap3A_457] {strides = array<i32>} : memref<4x128xi32, #tpu.memory_space<vmem>>, vector<16xi32>,
    tpu.vector_store %arg12[%swap3A_456, %swap3A_457], %or3A_454 {strides = array<i32>} : memref<4x128xi32, #tpu.memory_space<vmem>>, vector<16xi32>,
    %get3A_459 = arith.constant 1 : i32
    %get3A_460 = arith.index_cast %get3A_459 : i32 to index
    %get3A_461 = arith.constant 32 : index
    %get3A_462 = tpu.vector_load %arg11[%get3A_460, %get3A_461] {strides = array<i32>} : memref<4x128xi32, #tpu.memory_space<vmem>>, vector<16xi32>,
    %and3A_463 = arith.constant 131071 : i32
    %and3A_464 = vector.broadcast %and3A_463 : i32 to vector<16xi32>
    %and3A_465 = arith.andi %get3A_462, %and3A_464 : vector<16xi32>
    %shift_left3A_466 = arith.constant 3 : i32
    %shift_left3A_467 = vector.broadcast %shift_left3A_466 : i32 to vector<16xi32>
    %shift_left3A_468 = arith.shli %and3A_465, %shift_left3A_467 : vector<16xi32>
    %get3A_469 = arith.constant 1 : i32
    %get3A_470 = arith.index_cast %get3A_469 : i32 to index
    %get3A_471 = arith.constant 32 : index
    %get3A_472 = tpu.vector_load %arg11[%get3A_470, %get3A_471] {strides = array<i32>} : memref<4x128xi32, #tpu.memory_space<vmem>>, vector<16xi32>,
    %shift_right_logical3A_473 = arith.constant 17 : i32
    %shift_right_logical3A_474 = vector.broadcast %shift_right_logical3A_473 : i32 to vector<16xi32>
    %shift_right_logical3A_475 = arith.shrui %get3A_472, %shift_right_logical3A_474 : vector<16xi32>
    %or3A_476 = arith.ori %shift_left3A_468, %shift_right_logical3A_475 : vector<16xi32>
    %swap3A_477 = arith.constant 1 : i32
    %swap3A_478 = arith.index_cast %swap3A_477 : i32 to index
    %swap3A_479 = arith.constant 32 : index
    %swap3A_480 = tpu.vector_load %arg13[%swap3A_478, %swap3A_479] {strides = array<i32>} : memref<4x128xi32, #tpu.memory_space<vmem>>, vector<16xi32>,
    tpu.vector_store %arg13[%swap3A_478, %swap3A_479], %or3A_476 {strides = array<i32>} : memref<4x128xi32, #tpu.memory_space<vmem>>, vector<16xi32>,
    %get3A_481 = arith.constant 1 : i32
    %get3A_482 = arith.index_cast %get3A_481 : i32 to index
    %get3A_483 = arith.constant 48 : index
    %get3A_484 = tpu.vector_load %arg10[%get3A_482, %get3A_483] {strides = array<i32>} : memref<4x128xi32, #tpu.memory_space<vmem>>, vector<16xi32>,
    %and3A_485 = arith.constant 131071 : i32
    %and3A_486 = vector.broadcast %and3A_485 : i32 to vector<16xi32>
    %and3A_487 = arith.andi %get3A_484, %and3A_486 : vector<16xi32>
    %shift_left3A_488 = arith.constant 3 : i32
    %shift_left3A_489 = vector.broadcast %shift_left3A_488 : i32 to vector<16xi32>
    %shift_left3A_490 = arith.shli %and3A_487, %shift_left3A_489 : vector<16xi32>
    %get3A_491 = arith.constant 1 : i32
    %get3A_492 = arith.index_cast %get3A_491 : i32 to index
    %get3A_493 = arith.constant 48 : index
    %get3A_494 = tpu.vector_load %arg10[%get3A_492, %get3A_493] {strides = array<i32>} : memref<4x128xi32, #tpu.memory_space<vmem>>, vector<16xi32>,
    %shift_right_logical3A_495 = arith.constant 17 : i32
    %shift_right_logical3A_496 = vector.broadcast %shift_right_logical3A_495 : i32 to vector<16xi32>
    %shift_right_logical3A_497 = arith.shrui %get3A_494, %shift_right_logical3A_496 : vector<16xi32>
    %or3A_498 = arith.ori %shift_left3A_490, %shift_right_logical3A_497 : vector<16xi32>
    %swap3A_499 = arith.constant 1 : i32
    %swap3A_500 = arith.index_cast %swap3A_499 : i32 to index
    %swap3A_501 = arith.constant 48 : index
    %swap3A_502 = tpu.vector_load %arg12[%swap3A_500, %swap3A_501] {strides = array<i32>} : memref<4x128xi32, #tpu.memory_space<vmem>>, vector<16xi32>,
    tpu.vector_store %arg12[%swap3A_500, %swap3A_501], %or3A_498 {strides = array<i32>} : memref<4x128xi32, #tpu.memory_space<vmem>>, vector<16xi32>,
    %get3A_503 = arith.constant 1 : i32
    %get3A_504 = arith.index_cast %get3A_503 : i32 to index
    %get3A_505 = arith.constant 48 : index
    %get3A_506 = tpu.vector_load %arg11[%get3A_504, %get3A_505] {strides = array<i32>} : memref<4x128xi32, #tpu.memory_space<vmem>>, vector<16xi32>,
    %and3A_507 = arith.constant 131071 : i32
    %and3A_508 = vector.broadcast %and3A_507 : i32 to vector<16xi32>
    %and3A_509 = arith.andi %get3A_506, %and3A_508 : vector<16xi32>
    %shift_left3A_510 = arith.constant 3 : i32
    %shift_left3A_511 = vector.broadcast %shift_left3A_510 : i32 to vector<16xi32>
    %shift_left3A_512 = arith.shli %and3A_509, %shift_left3A_511 : vector<16xi32>
    %get3A_513 = arith.constant 1 : i32
    %get3A_514 = arith.index_cast %get3A_513 : i32 to index
    %get3A_515 = arith.constant 48 : index
    %get3A_516 = tpu.vector_load %arg11[%get3A_514, %get3A_515] {strides = array<i32>} : memref<4x128xi32, #tpu.memory_space<vmem>>, vector<16xi32>,
    %shift_right_logical3A_517 = arith.constant 17 : i32
    %shift_right_logical3A_518 = vector.broadcast %shift_right_logical3A_517 : i32 to vector<16xi32>
    %shift_right_logical3A_519 = arith.shrui %get3A_516, %shift_right_logical3A_518 : vector<16xi32>
    %or3A_520 = arith.ori %shift_left3A_512, %shift_right_logical3A_519 : vector<16xi32>
    %swap3A_521 = arith.constant 1 : i32
    %swap3A_522 = arith.index_cast %swap3A_521 : i32 to index
    %swap3A_523 = arith.constant 48 : index
    %swap3A_524 = tpu.vector_load %arg13[%swap3A_522, %swap3A_523] {strides = array<i32>} : memref<4x128xi32, #tpu.memory_space<vmem>>, vector<16xi32>,
    tpu.vector_store %arg13[%swap3A_522, %swap3A_523], %or3A_520 {strides = array<i32>} : memref<4x128xi32, #tpu.memory_space<vmem>>, vector<16xi32>,
    %get3A_525 = arith.constant 1 : i32
    %get3A_526 = arith.index_cast %get3A_525 : i32 to index
    %get3A_527 = arith.constant 64 : index
    %get3A_528 = tpu.vector_load %arg10[%get3A_526, %get3A_527] {strides = array<i32>} : memref<4x128xi32, #tpu.memory_space<vmem>>, vector<16xi32>,
    %and3A_529 = arith.constant 131071 : i32
    %and3A_530 = vector.broadcast %and3A_529 : i32 to vector<16xi32>
    %and3A_531 = arith.andi %get3A_528, %and3A_530 : vector<16xi32>
    %shift_left3A_532 = arith.constant 3 : i32
    %shift_left3A_533 = vector.broadcast %shift_left3A_532 : i32 to vector<16xi32>
    %shift_left3A_534 = arith.shli %and3A_531, %shift_left3A_533 : vector<16xi32>
    %get3A_535 = arith.constant 1 : i32
    %get3A_536 = arith.index_cast %get3A_535 : i32 to index
    %get3A_537 = arith.constant 64 : index
    %get3A_538 = tpu.vector_load %arg10[%get3A_536, %get3A_537] {strides = array<i32>} : memref<4x128xi32, #tpu.memory_space<vmem>>, vector<16xi32>,
    %shift_right_logical3A_539 = arith.constant 17 : i32
    %shift_right_logical3A_540 = vector.broadcast %shift_right_logical3A_539 : i32 to vector<16xi32>
    %shift_right_logical3A_541 = arith.shrui %get3A_538, %shift_right_logical3A_540 : vector<16xi32>
    %or3A_542 = arith.ori %shift_left3A_534, %shift_right_logical3A_541 : vector<16xi32>
    %swap3A_543 = arith.constant 1 : i32
    %swap3A_544 = arith.index_cast %swap3A_543 : i32 to index
    %swap3A_545 = arith.constant 64 : index
    %swap3A_546 = tpu.vector_load %arg12[%swap3A_544, %swap3A_545] {strides = array<i32>} : memref<4x128xi32, #tpu.memory_space<vmem>>, vector<16xi32>,
    tpu.vector_store %arg12[%swap3A_544, %swap3A_545], %or3A_542 {strides = array<i32>} : memref<4x128xi32, #tpu.memory_space<vmem>>, vector<16xi32>,
    %get3A_547 = arith.constant 1 : i32
    %get3A_548 = arith.index_cast %get3A_547 : i32 to index
    %get3A_549 = arith.constant 64 : index
    %get3A_550 = tpu.vector_load %arg11[%get3A_548, %get3A_549] {strides = array<i32>} : memref<4x128xi32, #tpu.memory_space<vmem>>, vector<16xi32>,
    %and3A_551 = arith.constant 131071 : i32
    %and3A_552 = vector.broadcast %and3A_551 : i32 to vector<16xi32>
    %and3A_553 = arith.andi %get3A_550, %and3A_552 : vector<16xi32>
    %shift_left3A_554 = arith.constant 3 : i32
    %shift_left3A_555 = vector.broadcast %shift_left3A_554 : i32 to vector<16xi32>
    %shift_left3A_556 = arith.shli %and3A_553, %shift_left3A_555 : vector<16xi32>
    %get3A_557 = arith.constant 1 : i32
    %get3A_558 = arith.index_cast %get3A_557 : i32 to index
    %get3A_559 = arith.constant 64 : index
    %get3A_560 = tpu.vector_load %arg11[%get3A_558, %get3A_559] {strides = array<i32>} : memref<4x128xi32, #tpu.memory_space<vmem>>, vector<16xi32>,
    %shift_right_logical3A_561 = arith.constant 17 : i32
    %shift_right_logical3A_562 = vector.broadcast %shift_right_logical3A_561 : i32 to vector<16xi32>
    %shift_right_logical3A_563 = arith.shrui %get3A_560, %shift_right_logical3A_562 : vector<16xi32>
    %or3A_564 = arith.ori %shift_left3A_556, %shift_right_logical3A_563 : vector<16xi32>
    %swap3A_565 = arith.constant 1 : i32
    %swap3A_566 = arith.index_cast %swap3A_565 : i32 to index
    %swap3A_567 = arith.constant 64 : index
    %swap3A_568 = tpu.vector_load %arg13[%swap3A_566, %swap3A_567] {strides = array<i32>} : memref<4x128xi32, #tpu.memory_space<vmem>>, vector<16xi32>,
    tpu.vector_store %arg13[%swap3A_566, %swap3A_567], %or3A_564 {strides = array<i32>} : memref<4x128xi32, #tpu.memory_space<vmem>>, vector<16xi32>,
    %get3A_569 = arith.constant 1 : i32
    %get3A_570 = arith.index_cast %get3A_569 : i32 to index
    %get3A_571 = arith.constant 80 : index
    %get3A_572 = tpu.vector_load %arg10[%get3A_570, %get3A_571] {strides = array<i32>} : memref<4x128xi32, #tpu.memory_space<vmem>>, vector<16xi32>,
    %and3A_573 = arith.constant 131071 : i32
    %and3A_574 = vector.broadcast %and3A_573 : i32 to vector<16xi32>
    %and3A_575 = arith.andi %get3A_572, %and3A_574 : vector<16xi32>
    %shift_left3A_576 = arith.constant 3 : i32
    %shift_left3A_577 = vector.broadcast %shift_left3A_576 : i32 to vector<16xi32>
    %shift_left3A_578 = arith.shli %and3A_575, %shift_left3A_577 : vector<16xi32>
    %get3A_579 = arith.constant 1 : i32
    %get3A_580 = arith.index_cast %get3A_579 : i32 to index
    %get3A_581 = arith.constant 80 : index
    %get3A_582 = tpu.vector_load %arg10[%get3A_580, %get3A_581] {strides = array<i32>} : memref<4x128xi32, #tpu.memory_space<vmem>>, vector<16xi32>,
    %shift_right_logical3A_583 = arith.constant 17 : i32
    %shift_right_logical3A_584 = vector.broadcast %shift_right_logical3A_583 : i32 to vector<16xi32>
    %shift_right_logical3A_585 = arith.shrui %get3A_582, %shift_right_logical3A_584 : vector<16xi32>
    %or3A_586 = arith.ori %shift_left3A_578, %shift_right_logical3A_585 : vector<16xi32>
    %swap3A_587 = arith.constant 1 : i32
    %swap3A_588 = arith.index_cast %swap3A_587 : i32 to index
    %swap3A_589 = arith.constant 80 : index
    %swap3A_590 = tpu.vector_load %arg12[%swap3A_588, %swap3A_589] {strides = array<i32>} : memref<4x128xi32, #tpu.memory_space<vmem>>, vector<16xi32>,
    tpu.vector_store %arg12[%swap3A_588, %swap3A_589], %or3A_586 {strides = array<i32>} : memref<4x128xi32, #tpu.memory_space<vmem>>, vector<16xi32>,
    %get3A_591 = arith.constant 1 : i32
    %get3A_592 = arith.index_cast %get3A_591 : i32 to index
    %get3A_593 = arith.constant 80 : index
    %get3A_594 = tpu.vector_load %arg11[%get3A_592, %get3A_593] {strides = array<i32>} : memref<4x128xi32, #tpu.memory_space<vmem>>, vector<16xi32>,
    %and3A_595 = arith.constant 131071 : i32
    %and3A_596 = vector.broadcast %and3A_595 : i32 to vector<16xi32>
    %and3A_597 = arith.andi %get3A_594, %and3A_596 : vector<16xi32>
    %shift_left3A_598 = arith.constant 3 : i32
    %shift_left3A_599 = vector.broadcast %shift_left3A_598 : i32 to vector<16xi32>
    %shift_left3A_600 = arith.shli %and3A_597, %shift_left3A_599 : vector<16xi32>
    %get3A_601 = arith.constant 1 : i32
    %get3A_602 = arith.index_cast %get3A_601 : i32 to index
    %get3A_603 = arith.constant 80 : index
    %get3A_604 = tpu.vector_load %arg11[%get3A_602, %get3A_603] {strides = array<i32>} : memref<4x128xi32, #tpu.memory_space<vmem>>, vector<16xi32>,
    %shift_right_logical3A_605 = arith.constant 17 : i32
    %shift_right_logical3A_606 = vector.broadcast %shift_right_logical3A_605 : i32 to vector<16xi32>
    %shift_right_logical3A_607 = arith.shrui %get3A_604, %shift_right_logical3A_606 : vector<16xi32>
    %or3A_608 = arith.ori %shift_left3A_600, %shift_right_logical3A_607 : vector<16xi32>
    %swap3A_609 = arith.constant 1 : i32
    %swap3A_610 = arith.index_cast %swap3A_609 : i32 to index
    %swap3A_611 = arith.constant 80 : index
    %swap3A_612 = tpu.vector_load %arg13[%swap3A_610, %swap3A_611] {strides = array<i32>} : memref<4x128xi32, #tpu.memory_space<vmem>>, vector<16xi32>,
    tpu.vector_store %arg13[%swap3A_610, %swap3A_611], %or3A_608 {strides = array<i32>} : memref<4x128xi32, #tpu.memory_space<vmem>>, vector<16xi32>,
    %get3A_613 = arith.constant 1 : i32
    %get3A_614 = arith.index_cast %get3A_613 : i32 to index
    %get3A_615 = arith.constant 96 : index
    %get3A_616 = tpu.vector_load %arg10[%get3A_614, %get3A_615] {strides = array<i32>} : memref<4x128xi32, #tpu.memory_space<vmem>>, vector<16xi32>,
    %and3A_617 = arith.constant 131071 : i32
    %and3A_618 = vector.broadcast %and3A_617 : i32 to vector<16xi32>
    %and3A_619 = arith.andi %get3A_616, %and3A_618 : vector<16xi32>
    %shift_left3A_620 = arith.constant 3 : i32
    %shift_left3A_621 = vector.broadcast %shift_left3A_620 : i32 to vector<16xi32>
    %shift_left3A_622 = arith.shli %and3A_619, %shift_left3A_621 : vector<16xi32>
    %get3A_623 = arith.constant 1 : i32
    %get3A_624 = arith.index_cast %get3A_623 : i32 to index
    %get3A_625 = arith.constant 96 : index
    %get3A_626 = tpu.vector_load %arg10[%get3A_624, %get3A_625] {strides = array<i32>} : memref<4x128xi32, #tpu.memory_space<vmem>>, vector<16xi32>,
    %shift_right_logical3A_627 = arith.constant 17 : i32
    %shift_right_logical3A_628 = vector.broadcast %shift_right_logical3A_627 : i32 to vector<16xi32>
    %shift_right_logical3A_629 = arith.shrui %get3A_626, %shift_right_logical3A_628 : vector<16xi32>
    %or3A_630 = arith.ori %shift_left3A_622, %shift_right_logical3A_629 : vector<16xi32>
    %swap3A_631 = arith.constant 1 : i32
    %swap3A_632 = arith.index_cast %swap3A_631 : i32 to index
    %swap3A_633 = arith.constant 96 : index
    %swap3A_634 = tpu.vector_load %arg12[%swap3A_632, %swap3A_633] {strides = array<i32>} : memref<4x128xi32, #tpu.memory_space<vmem>>, vector<16xi32>,
    tpu.vector_store %arg12[%swap3A_632, %swap3A_633], %or3A_630 {strides = array<i32>} : memref<4x128xi32, #tpu.memory_space<vmem>>, vector<16xi32>,
    %get3A_635 = arith.constant 1 : i32
    %get3A_636 = arith.index_cast %get3A_635 : i32 to index
    %get3A_637 = arith.constant 96 : index
    %get3A_638 = tpu.vector_load %arg11[%get3A_636, %get3A_637] {strides = array<i32>} : memref<4x128xi32, #tpu.memory_space<vmem>>, vector<16xi32>,
    %and3A_639 = arith.constant 131071 : i32
    %and3A_640 = vector.broadcast %and3A_639 : i32 to vector<16xi32>
    %and3A_641 = arith.andi %get3A_638, %and3A_640 : vector<16xi32>
    %shift_left3A_642 = arith.constant 3 : i32
    %shift_left3A_643 = vector.broadcast %shift_left3A_642 : i32 to vector<16xi32>
    %shift_left3A_644 = arith.shli %and3A_641, %shift_left3A_643 : vector<16xi32>
    %get3A_645 = arith.constant 1 : i32
    %get3A_646 = arith.index_cast %get3A_645 : i32 to index
    %get3A_647 = arith.constant 96 : index
    %get3A_648 = tpu.vector_load %arg11[%get3A_646, %get3A_647] {strides = array<i32>} : memref<4x128xi32, #tpu.memory_space<vmem>>, vector<16xi32>,
    %shift_right_logical3A_649 = arith.constant 17 : i32
    %shift_right_logical3A_650 = vector.broadcast %shift_right_logical3A_649 : i32 to vector<16xi32>
    %shift_right_logical3A_651 = arith.shrui %get3A_648, %shift_right_logical3A_650 : vector<16xi32>
    %or3A_652 = arith.ori %shift_left3A_644, %shift_right_logical3A_651 : vector<16xi32>
    %swap3A_653 = arith.constant 1 : i32
    %swap3A_654 = arith.index_cast %swap3A_653 : i32 to index
    %swap3A_655 = arith.constant 96 : index
    %swap3A_656 = tpu.vector_load %arg13[%swap3A_654, %swap3A_655] {strides = array<i32>} : memref<4x128xi32, #tpu.memory_space<vmem>>, vector<16xi32>,
    tpu.vector_store %arg13[%swap3A_654, %swap3A_655], %or3A_652 {strides = array<i32>} : memref<4x128xi32, #tpu.memory_space<vmem>>, vector<16xi32>,
    %get3A_657 = arith.constant 1 : i32
    %get3A_658 = arith.index_cast %get3A_657 : i32 to index
    %get3A_659 = arith.constant 112 : index
    %get3A_660 = tpu.vector_load %arg10[%get3A_658, %get3A_659] {strides = array<i32>} : memref<4x128xi32, #tpu.memory_space<vmem>>, vector<16xi32>,
    %and3A_661 = arith.constant 131071 : i32
    %and3A_662 = vector.broadcast %and3A_661 : i32 to vector<16xi32>
    %and3A_663 = arith.andi %get3A_660, %and3A_662 : vector<16xi32>
    %shift_left3A_664 = arith.constant 3 : i32
    %shift_left3A_665 = vector.broadcast %shift_left3A_664 : i32 to vector<16xi32>
    %shift_left3A_666 = arith.shli %and3A_663, %shift_left3A_665 : vector<16xi32>
    %get3A_667 = arith.constant 1 : i32
    %get3A_668 = arith.index_cast %get3A_667 : i32 to index
    %get3A_669 = arith.constant 112 : index
    %get3A_670 = tpu.vector_load %arg10[%get3A_668, %get3A_669] {strides = array<i32>} : memref<4x128xi32, #tpu.memory_space<vmem>>, vector<16xi32>,
    %shift_right_logical3A_671 = arith.constant 17 : i32
    %shift_right_logical3A_672 = vector.broadcast %shift_right_logical3A_671 : i32 to vector<16xi32>
    %shift_right_logical3A_673 = arith.shrui %get3A_670, %shift_right_logical3A_672 : vector<16xi32>
    %or3A_674 = arith.ori %shift_left3A_666, %shift_right_logical3A_673 : vector<16xi32>
    %swap3A_675 = arith.constant 1 : i32
    %swap3A_676 = arith.index_cast %swap3A_675 : i32 to index
    %swap3A_677 = arith.constant 112 : index
    %swap3A_678 = tpu.vector_load %arg12[%swap3A_676, %swap3A_677] {strides = array<i32>} : memref<4x128xi32, #tpu.memory_space<vmem>>, vector<16xi32>,
    tpu.vector_store %arg12[%swap3A_676, %swap3A_677], %or3A_674 {strides = array<i32>} : memref<4x128xi32, #tpu.memory_space<vmem>>, vector<16xi32>,
    %get3A_679 = arith.constant 1 : i32
    %get3A_680 = arith.index_cast %get3A_679 : i32 to index
    %get3A_681 = arith.constant 112 : index
    %get3A_682 = tpu.vector_load %arg11[%get3A_680, %get3A_681] {strides = array<i32>} : memref<4x128xi32, #tpu.memory_space<vmem>>, vector<16xi32>,
    %and3A_683 = arith.constant 131071 : i32
    %and3A_684 = vector.broadcast %and3A_683 : i32 to vector<16xi32>
    %and3A_685 = arith.andi %get3A_682, %and3A_684 : vector<16xi32>
    %shift_left3A_686 = arith.constant 3 : i32
    %shift_left3A_687 = vector.broadcast %shift_left3A_686 : i32 to vector<16xi32>
    %shift_left3A_688 = arith.shli %and3A_685, %shift_left3A_687 : vector<16xi32>
    %get3A_689 = arith.constant 1 : i32
    %get3A_690 = arith.index_cast %get3A_689 : i32 to index
    %get3A_691 = arith.constant 112 : index
    %get3A_692 = tpu.vector_load %arg11[%get3A_690, %get3A_691] {strides = array<i32>} : memref<4x128xi32, #tpu.memory_space<vmem>>, vector<16xi32>,
    %shift_right_logical3A_693 = arith.constant 17 : i32
    %shift_right_logical3A_694 = vector.broadcast %shift_right_logical3A_693 : i32 to vector<16xi32>
    %shift_right_logical3A_695 = arith.shrui %get3A_692, %shift_right_logical3A_694 : vector<16xi32>
    %or3A_696 = arith.ori %shift_left3A_688, %shift_right_logical3A_695 : vector<16xi32>
    %swap3A_697 = arith.constant 1 : i32
    %swap3A_698 = arith.index_cast %swap3A_697 : i32 to index
    %swap3A_699 = arith.constant 112 : index
    %swap3A_700 = tpu.vector_load %arg13[%swap3A_698, %swap3A_699] {strides = array<i32>} : memref<4x128xi32, #tpu.memory_space<vmem>>, vector<16xi32>,
    tpu.vector_store %arg13[%swap3A_698, %swap3A_699], %or3A_696 {strides = array<i32>} : memref<4x128xi32, #tpu.memory_space<vmem>>, vector<16xi32>,
    %get3A_701 = arith.constant 2 : i32
    %get3A_702 = arith.index_cast %get3A_701 : i32 to index
    %get3A_703 = arith.constant 0 : index
    %get3A_704 = tpu.vector_load %arg10[%get3A_702, %get3A_703] {strides = array<i32>} : memref<4x128xi32, #tpu.memory_space<vmem>>, vector<16xi32>,
    %and3A_705 = arith.constant 131071 : i32
    %and3A_706 = vector.broadcast %and3A_705 : i32 to vector<16xi32>
    %and3A_707 = arith.andi %get3A_704, %and3A_706 : vector<16xi32>
    %shift_left3A_708 = arith.constant 3 : i32
    %shift_left3A_709 = vector.broadcast %shift_left3A_708 : i32 to vector<16xi32>
    %shift_left3A_710 = arith.shli %and3A_707, %shift_left3A_709 : vector<16xi32>
    %get3A_711 = arith.constant 2 : i32
    %get3A_712 = arith.index_cast %get3A_711 : i32 to index
    %get3A_713 = arith.constant 0 : index
    %get3A_714 = tpu.vector_load %arg10[%get3A_712, %get3A_713] {strides = array<i32>} : memref<4x128xi32, #tpu.memory_space<vmem>>, vector<16xi32>,
    %shift_right_logical3A_715 = arith.constant 17 : i32
    %shift_right_logical3A_716 = vector.broadcast %shift_right_logical3A_715 : i32 to vector<16xi32>
    %shift_right_logical3A_717 = arith.shrui %get3A_714, %shift_right_logical3A_716 : vector<16xi32>
    %or3A_718 = arith.ori %shift_left3A_710, %shift_right_logical3A_717 : vector<16xi32>
    %swap3A_719 = arith.constant 2 : i32
    %swap3A_720 = arith.index_cast %swap3A_719 : i32 to index
    %swap3A_721 = arith.constant 0 : index
    %swap3A_722 = tpu.vector_load %arg12[%swap3A_720, %swap3A_721] {strides = array<i32>} : memref<4x128xi32, #tpu.memory_space<vmem>>, vector<16xi32>,
    tpu.vector_store %arg12[%swap3A_720, %swap3A_721], %or3A_718 {strides = array<i32>} : memref<4x128xi32, #tpu.memory_space<vmem>>, vector<16xi32>,
    %get3A_723 = arith.constant 2 : i32
    %get3A_724 = arith.index_cast %get3A_723 : i32 to index
    %get3A_725 = arith.constant 0 : index
    %get3A_726 = tpu.vector_load %arg11[%get3A_724, %get3A_725] {strides = array<i32>} : memref<4x128xi32, #tpu.memory_space<vmem>>, vector<16xi32>,
    %and3A_727 = arith.constant 131071 : i32
    %and3A_728 = vector.broadcast %and3A_727 : i32 to vector<16xi32>
    %and3A_729 = arith.andi %get3A_726, %and3A_728 : vector<16xi32>
    %shift_left3A_730 = arith.constant 3 : i32
    %shift_left3A_731 = vector.broadcast %shift_left3A_730 : i32 to vector<16xi32>
    %shift_left3A_732 = arith.shli %and3A_729, %shift_left3A_731 : vector<16xi32>
    %get3A_733 = arith.constant 2 : i32
    %get3A_734 = arith.index_cast %get3A_733 : i32 to index
    %get3A_735 = arith.constant 0 : index
    %get3A_736 = tpu.vector_load %arg11[%get3A_734, %get3A_735] {strides = array<i32>} : memref<4x128xi32, #tpu.memory_space<vmem>>, vector<16xi32>,
    %shift_right_logical3A_737 = arith.constant 17 : i32
    %shift_right_logical3A_738 = vector.broadcast %shift_right_logical3A_737 : i32 to vector<16xi32>
    %shift_right_logical3A_739 = arith.shrui %get3A_736, %shift_right_logical3A_738 : vector<16xi32>
    %or3A_740 = arith.ori %shift_left3A_732, %shift_right_logical3A_739 : vector<16xi32>
    %swap3A_741 = arith.constant 2 : i32
    %swap3A_742 = arith.index_cast %swap3A_741 : i32 to index
    %swap3A_743 = arith.constant 0 : index
    %swap3A_744 = tpu.vector_load %arg13[%swap3A_742, %swap3A_743] {strides = array<i32>} : memref<4x128xi32, #tpu.memory_space<vmem>>, vector<16xi32>,
    tpu.vector_store %arg13[%swap3A_742, %swap3A_743], %or3A_740 {strides = array<i32>} : memref<4x128xi32, #tpu.memory_space<vmem>>, vector<16xi32>,
    %get3A_745 = arith.constant 2 : i32
    %get3A_746 = arith.index_cast %get3A_745 : i32 to index
    %get3A_747 = arith.constant 16 : index
    %get3A_748 = tpu.vector_load %arg10[%get3A_746, %get3A_747] {strides = array<i32>} : memref<4x128xi32, #tpu.memory_space<vmem>>, vector<16xi32>,
    %and3A_749 = arith.constant 131071 : i32
    %and3A_750 = vector.broadcast %and3A_749 : i32 to vector<16xi32>
    %and3A_751 = arith.andi %get3A_748, %and3A_750 : vector<16xi32>
    %shift_left3A_752 = arith.constant 3 : i32
    %shift_left3A_753 = vector.broadcast %shift_left3A_752 : i32 to vector<16xi32>
    %shift_left3A_754 = arith.shli %and3A_751, %shift_left3A_753 : vector<16xi32>
    %get3A_755 = arith.constant 2 : i32
    %get3A_756 = arith.index_cast %get3A_755 : i32 to index
    %get3A_757 = arith.constant 16 : index
    %get3A_758 = tpu.vector_load %arg10[%get3A_756, %get3A_757] {strides = array<i32>} : memref<4x128xi32, #tpu.memory_space<vmem>>, vector<16xi32>,
    %shift_right_logical3A_759 = arith.constant 17 : i32
    %shift_right_logical3A_760 = vector.broadcast %shift_right_logical3A_759 : i32 to vector<16xi32>
    %shift_right_logical3A_761 = arith.shrui %get3A_758, %shift_right_logical3A_760 : vector<16xi32>
    %or3A_762 = arith.ori %shift_left3A_754, %shift_right_logical3A_761 : vector<16xi32>
    %swap3A_763 = arith.constant 2 : i32
    %swap3A_764 = arith.index_cast %swap3A_763 : i32 to index
    %swap3A_765 = arith.constant 16 : index
    %swap3A_766 = tpu.vector_load %arg12[%swap3A_764, %swap3A_765] {strides = array<i32>} : memref<4x128xi32, #tpu.memory_space<vmem>>, vector<16xi32>,
    tpu.vector_store %arg12[%swap3A_764, %swap3A_765], %or3A_762 {strides = array<i32>} : memref<4x128xi32, #tpu.memory_space<vmem>>, vector<16xi32>,
    %get3A_767 = arith.constant 2 : i32
    %get3A_768 = arith.index_cast %get3A_767 : i32 to index
    %get3A_769 = arith.constant 16 : index
    %get3A_770 = tpu.vector_load %arg11[%get3A_768, %get3A_769] {strides = array<i32>} : memref<4x128xi32, #tpu.memory_space<vmem>>, vector<16xi32>,
    %and3A_771 = arith.constant 131071 : i32
    %and3A_772 = vector.broadcast %and3A_771 : i32 to vector<16xi32>
    %and3A_773 = arith.andi %get3A_770, %and3A_772 : vector<16xi32>
    %shift_left3A_774 = arith.constant 3 : i32
    %shift_left3A_775 = vector.broadcast %shift_left3A_774 : i32 to vector<16xi32>
    %shift_left3A_776 = arith.shli %and3A_773, %shift_left3A_775 : vector<16xi32>
    %get3A_777 = arith.constant 2 : i32
    %get3A_778 = arith.index_cast %get3A_777 : i32 to index
    %get3A_779 = arith.constant 16 : index
    %get3A_780 = tpu.vector_load %arg11[%get3A_778, %get3A_779] {strides = array<i32>} : memref<4x128xi32, #tpu.memory_space<vmem>>, vector<16xi32>,
    %shift_right_logical3A_781 = arith.constant 17 : i32
    %shift_right_logical3A_782 = vector.broadcast %shift_right_logical3A_781 : i32 to vector<16xi32>
    %shift_right_logical3A_783 = arith.shrui %get3A_780, %shift_right_logical3A_782 : vector<16xi32>
    %or3A_784 = arith.ori %shift_left3A_776, %shift_right_logical3A_783 : vector<16xi32>
    %swap3A_785 = arith.constant 2 : i32
    %swap3A_786 = arith.index_cast %swap3A_785 : i32 to index
    %swap3A_787 = arith.constant 16 : index
    %swap3A_788 = tpu.vector_load %arg13[%swap3A_786, %swap3A_787] {strides = array<i32>} : memref<4x128xi32, #tpu.memory_space<vmem>>, vector<16xi32>,
    tpu.vector_store %arg13[%swap3A_786, %swap3A_787], %or3A_784 {strides = array<i32>} : memref<4x128xi32, #tpu.memory_space<vmem>>, vector<16xi32>,
    %get3A_789 = arith.constant 2 : i32
    %get3A_790 = arith.index_cast %get3A_789 : i32 to index
    %get3A_791 = arith.constant 32 : index
    %get3A_792 = tpu.vector_load %arg10[%get3A_790, %get3A_791] {strides = array<i32>} : memref<4x128xi32, #tpu.memory_space<vmem>>, vector<16xi32>,
    %and3A_793 = arith.constant 131071 : i32
    %and3A_794 = vector.broadcast %and3A_793 : i32 to vector<16xi32>
    %and3A_795 = arith.andi %get3A_792, %and3A_794 : vector<16xi32>
    %shift_left3A_796 = arith.constant 3 : i32
    %shift_left3A_797 = vector.broadcast %shift_left3A_796 : i32 to vector<16xi32>
    %shift_left3A_798 = arith.shli %and3A_795, %shift_left3A_797 : vector<16xi32>
    %get3A_799 = arith.constant 2 : i32
    %get3A_800 = arith.index_cast %get3A_799 : i32 to index
    %get3A_801 = arith.constant 32 : index
    %get3A_802 = tpu.vector_load %arg10[%get3A_800, %get3A_801] {strides = array<i32>} : memref<4x128xi32, #tpu.memory_space<vmem>>, vector<16xi32>,
    %shift_right_logical3A_803 = arith.constant 17 : i32
    %shift_right_logical3A_804 = vector.broadcast %shift_right_logical3A_803 : i32 to vector<16xi32>
    %shift_right_logical3A_805 = arith.shrui %get3A_802, %shift_right_logical3A_804 : vector<16xi32>
    %or3A_806 = arith.ori %shift_left3A_798, %shift_right_logical3A_805 : vector<16xi32>
    %swap3A_807 = arith.constant 2 : i32
    %swap3A_808 = arith.index_cast %swap3A_807 : i32 to index
    %swap3A_809 = arith.constant 32 : index
    %swap3A_810 = tpu.vector_load %arg12[%swap3A_808, %swap3A_809] {strides = array<i32>} : memref<4x128xi32, #tpu.memory_space<vmem>>, vector<16xi32>,
    tpu.vector_store %arg12[%swap3A_808, %swap3A_809], %or3A_806 {strides = array<i32>} : memref<4x128xi32, #tpu.memory_space<vmem>>, vector<16xi32>,
    %get3A_811 = arith.constant 2 : i32
    %get3A_812 = arith.index_cast %get3A_811 : i32 to index
    %get3A_813 = arith.constant 32 : index
    %get3A_814 = tpu.vector_load %arg11[%get3A_812, %get3A_813] {strides = array<i32>} : memref<4x128xi32, #tpu.memory_space<vmem>>, vector<16xi32>,
    %and3A_815 = arith.constant 131071 : i32
    %and3A_816 = vector.broadcast %and3A_815 : i32 to vector<16xi32>
    %and3A_817 = arith.andi %get3A_814, %and3A_816 : vector<16xi32>
    %shift_left3A_818 = arith.constant 3 : i32
    %shift_left3A_819 = vector.broadcast %shift_left3A_818 : i32 to vector<16xi32>
    %shift_left3A_820 = arith.shli %and3A_817, %shift_left3A_819 : vector<16xi32>
    %get3A_821 = arith.constant 2 : i32
    %get3A_822 = arith.index_cast %get3A_821 : i32 to index
    %get3A_823 = arith.constant 32 : index
    %get3A_824 = tpu.vector_load %arg11[%get3A_822, %get3A_823] {strides = array<i32>} : memref<4x128xi32, #tpu.memory_space<vmem>>, vector<16xi32>,
    %shift_right_logical3A_825 = arith.constant 17 : i32
    %shift_right_logical3A_826 = vector.broadcast %shift_right_logical3A_825 : i32 to vector<16xi32>
    %shift_right_logical3A_827 = arith.shrui %get3A_824, %shift_right_logical3A_826 : vector<16xi32>
    %or3A_828 = arith.ori %shift_left3A_820, %shift_right_logical3A_827 : vector<16xi32>
    %swap3A_829 = arith.constant 2 : i32
    %swap3A_830 = arith.index_cast %swap3A_829 : i32 to index
    %swap3A_831 = arith.constant 32 : index
    %swap3A_832 = tpu.vector_load %arg13[%swap3A_830, %swap3A_831] {strides = array<i32>} : memref<4x128xi32, #tpu.memory_space<vmem>>, vector<16xi32>,
    tpu.vector_store %arg13[%swap3A_830, %swap3A_831], %or3A_828 {strides = array<i32>} : memref<4x128xi32, #tpu.memory_space<vmem>>, vector<16xi32>,
    %get3A_833 = arith.constant 2 : i32
    %get3A_834 = arith.index_cast %get3A_833 : i32 to index
    %get3A_835 = arith.constant 48 : index
    %get3A_836 = tpu.vector_load %arg10[%get3A_834, %get3A_835] {strides = array<i32>} : memref<4x128xi32, #tpu.memory_space<vmem>>, vector<16xi32>,
    %and3A_837 = arith.constant 131071 : i32
    %and3A_838 = vector.broadcast %and3A_837 : i32 to vector<16xi32>
    %and3A_839 = arith.andi %get3A_836, %and3A_838 : vector<16xi32>
    %shift_left3A_840 = arith.constant 3 : i32
    %shift_left3A_841 = vector.broadcast %shift_left3A_840 : i32 to vector<16xi32>
    %shift_left3A_842 = arith.shli %and3A_839, %shift_left3A_841 : vector<16xi32>
    %get3A_843 = arith.constant 2 : i32
    %get3A_844 = arith.index_cast %get3A_843 : i32 to index
    %get3A_845 = arith.constant 48 : index
    %get3A_846 = tpu.vector_load %arg10[%get3A_844, %get3A_845] {strides = array<i32>} : memref<4x128xi32, #tpu.memory_space<vmem>>, vector<16xi32>,
    %shift_right_logical3A_847 = arith.constant 17 : i32
    %shift_right_logical3A_848 = vector.broadcast %shift_right_logical3A_847 : i32 to vector<16xi32>
    %shift_right_logical3A_849 = arith.shrui %get3A_846, %shift_right_logical3A_848 : vector<16xi32>
    %or3A_850 = arith.ori %shift_left3A_842, %shift_right_logical3A_849 : vector<16xi32>
    %swap3A_851 = arith.constant 2 : i32
    %swap3A_852 = arith.index_cast %swap3A_851 : i32 to index
    %swap3A_853 = arith.constant 48 : index
    %swap3A_854 = tpu.vector_load %arg12[%swap3A_852, %swap3A_853] {strides = array<i32>} : memref<4x128xi32, #tpu.memory_space<vmem>>, vector<16xi32>,
    tpu.vector_store %arg12[%swap3A_852, %swap3A_853], %or3A_850 {strides = array<i32>} : memref<4x128xi32, #tpu.memory_space<vmem>>, vector<16xi32>,
    %get3A_855 = arith.constant 2 : i32
    %get3A_856 = arith.index_cast %get3A_855 : i32 to index
    %get3A_857 = arith.constant 48 : index
    %get3A_858 = tpu.vector_load %arg11[%get3A_856, %get3A_857] {strides = array<i32>} : memref<4x128xi32, #tpu.memory_space<vmem>>, vector<16xi32>,
    %and3A_859 = arith.constant 131071 : i32
    %and3A_860 = vector.broadcast %and3A_859 : i32 to vector<16xi32>
    %and3A_861 = arith.andi %get3A_858, %and3A_860 : vector<16xi32>
    %shift_left3A_862 = arith.constant 3 : i32
    %shift_left3A_863 = vector.broadcast %shift_left3A_862 : i32 to vector<16xi32>
    %shift_left3A_864 = arith.shli %and3A_861, %shift_left3A_863 : vector<16xi32>
    %get3A_865 = arith.constant 2 : i32
    %get3A_866 = arith.index_cast %get3A_865 : i32 to index
    %get3A_867 = arith.constant 48 : index
    %get3A_868 = tpu.vector_load %arg11[%get3A_866, %get3A_867] {strides = array<i32>} : memref<4x128xi32, #tpu.memory_space<vmem>>, vector<16xi32>,
    %shift_right_logical3A_869 = arith.constant 17 : i32
    %shift_right_logical3A_870 = vector.broadcast %shift_right_logical3A_869 : i32 to vector<16xi32>
    %shift_right_logical3A_871 = arith.shrui %get3A_868, %shift_right_logical3A_870 : vector<16xi32>
    %or3A_872 = arith.ori %shift_left3A_864, %shift_right_logical3A_871 : vector<16xi32>
    %swap3A_873 = arith.constant 2 : i32
    %swap3A_874 = arith.index_cast %swap3A_873 : i32 to index
    %swap3A_875 = arith.constant 48 : index
    %swap3A_876 = tpu.vector_load %arg13[%swap3A_874, %swap3A_875] {strides = array<i32>} : memref<4x128xi32, #tpu.memory_space<vmem>>, vector<16xi32>,
    tpu.vector_store %arg13[%swap3A_874, %swap3A_875], %or3A_872 {strides = array<i32>} : memref<4x128xi32, #tpu.memory_space<vmem>>, vector<16xi32>,
    %get3A_877 = arith.constant 2 : i32
    %get3A_878 = arith.index_cast %get3A_877 : i32 to index
    %get3A_879 = arith.constant 64 : index
    %get3A_880 = tpu.vector_load %arg10[%get3A_878, %get3A_879] {strides = array<i32>} : memref<4x128xi32, #tpu.memory_space<vmem>>, vector<16xi32>,
    %and3A_881 = arith.constant 131071 : i32
    %and3A_882 = vector.broadcast %and3A_881 : i32 to vector<16xi32>
    %and3A_883 = arith.andi %get3A_880, %and3A_882 : vector<16xi32>
    %shift_left3A_884 = arith.constant 3 : i32
    %shift_left3A_885 = vector.broadcast %shift_left3A_884 : i32 to vector<16xi32>
    %shift_left3A_886 = arith.shli %and3A_883, %shift_left3A_885 : vector<16xi32>
    %get3A_887 = arith.constant 2 : i32
    %get3A_888 = arith.index_cast %get3A_887 : i32 to index
    %get3A_889 = arith.constant 64 : index
    %get3A_890 = tpu.vector_load %arg10[%get3A_888, %get3A_889] {strides = array<i32>} : memref<4x128xi32, #tpu.memory_space<vmem>>, vector<16xi32>,
    %shift_right_logical3A_891 = arith.constant 17 : i32
    %shift_right_logical3A_892 = vector.broadcast %shift_right_logical3A_891 : i32 to vector<16xi32>
    %shift_right_logical3A_893 = arith.shrui %get3A_890, %shift_right_logical3A_892 : vector<16xi32>
    %or3A_894 = arith.ori %shift_left3A_886, %shift_right_logical3A_893 : vector<16xi32>
    %swap3A_895 = arith.constant 2 : i32
    %swap3A_896 = arith.index_cast %swap3A_895 : i32 to index
    %swap3A_897 = arith.constant 64 : index
    %swap3A_898 = tpu.vector_load %arg12[%swap3A_896, %swap3A_897] {strides = array<i32>} : memref<4x128xi32, #tpu.memory_space<vmem>>, vector<16xi32>,
    tpu.vector_store %arg12[%swap3A_896, %swap3A_897], %or3A_894 {strides = array<i32>} : memref<4x128xi32, #tpu.memory_space<vmem>>, vector<16xi32>,
    %get3A_899 = arith.constant 2 : i32
    %get3A_900 = arith.index_cast %get3A_899 : i32 to index
    %get3A_901 = arith.constant 64 : index
    %get3A_902 = tpu.vector_load %arg11[%get3A_900, %get3A_901] {strides = array<i32>} : memref<4x128xi32, #tpu.memory_space<vmem>>, vector<16xi32>,
    %and3A_903 = arith.constant 131071 : i32
    %and3A_904 = vector.broadcast %and3A_903 : i32 to vector<16xi32>
    %and3A_905 = arith.andi %get3A_902, %and3A_904 : vector<16xi32>
    %shift_left3A_906 = arith.constant 3 : i32
    %shift_left3A_907 = vector.broadcast %shift_left3A_906 : i32 to vector<16xi32>
    %shift_left3A_908 = arith.shli %and3A_905, %shift_left3A_907 : vector<16xi32>
    %get3A_909 = arith.constant 2 : i32
    %get3A_910 = arith.index_cast %get3A_909 : i32 to index
    %get3A_911 = arith.constant 64 : index
    %get3A_912 = tpu.vector_load %arg11[%get3A_910, %get3A_911] {strides = array<i32>} : memref<4x128xi32, #tpu.memory_space<vmem>>, vector<16xi32>,
    %shift_right_logical3A_913 = arith.constant 17 : i32
    %shift_right_logical3A_914 = vector.broadcast %shift_right_logical3A_913 : i32 to vector<16xi32>
    %shift_right_logical3A_915 = arith.shrui %get3A_912, %shift_right_logical3A_914 : vector<16xi32>
    %or3A_916 = arith.ori %shift_left3A_908, %shift_right_logical3A_915 : vector<16xi32>
    %swap3A_917 = arith.constant 2 : i32
    %swap3A_918 = arith.index_cast %swap3A_917 : i32 to index
    %swap3A_919 = arith.constant 64 : index
    %swap3A_920 = tpu.vector_load %arg13[%swap3A_918, %swap3A_919] {strides = array<i32>} : memref<4x128xi32, #tpu.memory_space<vmem>>, vector<16xi32>,
    tpu.vector_store %arg13[%swap3A_918, %swap3A_919], %or3A_916 {strides = array<i32>} : memref<4x128xi32, #tpu.memory_space<vmem>>, vector<16xi32>,
    %get3A_921 = arith.constant 2 : i32
    %get3A_922 = arith.index_cast %get3A_921 : i32 to index
    %get3A_923 = arith.constant 80 : index
    %get3A_924 = tpu.vector_load %arg10[%get3A_922, %get3A_923] {strides = array<i32>} : memref<4x128xi32, #tpu.memory_space<vmem>>, vector<16xi32>,
    %and3A_925 = arith.constant 131071 : i32
    %and3A_926 = vector.broadcast %and3A_925 : i32 to vector<16xi32>
    %and3A_927 = arith.andi %get3A_924, %and3A_926 : vector<16xi32>
    %shift_left3A_928 = arith.constant 3 : i32
    %shift_left3A_929 = vector.broadcast %shift_left3A_928 : i32 to vector<16xi32>
    %shift_left3A_930 = arith.shli %and3A_927, %shift_left3A_929 : vector<16xi32>
    %get3A_931 = arith.constant 2 : i32
    %get3A_932 = arith.index_cast %get3A_931 : i32 to index
    %get3A_933 = arith.constant 80 : index
    %get3A_934 = tpu.vector_load %arg10[%get3A_932, %get3A_933] {strides = array<i32>} : memref<4x128xi32, #tpu.memory_space<vmem>>, vector<16xi32>,
    %shift_right_logical3A_935 = arith.constant 17 : i32
    %shift_right_logical3A_936 = vector.broadcast %shift_right_logical3A_935 : i32 to vector<16xi32>
    %shift_right_logical3A_937 = arith.shrui %get3A_934, %shift_right_logical3A_936 : vector<16xi32>
    %or3A_938 = arith.ori %shift_left3A_930, %shift_right_logical3A_937 : vector<16xi32>
    %swap3A_939 = arith.constant 2 : i32
    %swap3A_940 = arith.index_cast %swap3A_939 : i32 to index
    %swap3A_941 = arith.constant 80 : index
    %swap3A_942 = tpu.vector_load %arg12[%swap3A_940, %swap3A_941] {strides = array<i32>} : memref<4x128xi32, #tpu.memory_space<vmem>>, vector<16xi32>,
    tpu.vector_store %arg12[%swap3A_940, %swap3A_941], %or3A_938 {strides = array<i32>} : memref<4x128xi32, #tpu.memory_space<vmem>>, vector<16xi32>,
    %get3A_943 = arith.constant 2 : i32
    %get3A_944 = arith.index_cast %get3A_943 : i32 to index
    %get3A_945 = arith.constant 80 : index
    %get3A_946 = tpu.vector_load %arg11[%get3A_944, %get3A_945] {strides = array<i32>} : memref<4x128xi32, #tpu.memory_space<vmem>>, vector<16xi32>,
    %and3A_947 = arith.constant 131071 : i32
    %and3A_948 = vector.broadcast %and3A_947 : i32 to vector<16xi32>
    %and3A_949 = arith.andi %get3A_946, %and3A_948 : vector<16xi32>
    %shift_left3A_950 = arith.constant 3 : i32
    %shift_left3A_951 = vector.broadcast %shift_left3A_950 : i32 to vector<16xi32>
    %shift_left3A_952 = arith.shli %and3A_949, %shift_left3A_951 : vector<16xi32>
    %get3A_953 = arith.constant 2 : i32
    %get3A_954 = arith.index_cast %get3A_953 : i32 to index
    %get3A_955 = arith.constant 80 : index
    %get3A_956 = tpu.vector_load %arg11[%get3A_954, %get3A_955] {strides = array<i32>} : memref<4x128xi32, #tpu.memory_space<vmem>>, vector<16xi32>,
    %shift_right_logical3A_957 = arith.constant 17 : i32
    %shift_right_logical3A_958 = vector.broadcast %shift_right_logical3A_957 : i32 to vector<16xi32>
    %shift_right_logical3A_959 = arith.shrui %get3A_956, %shift_right_logical3A_958 : vector<16xi32>
    %or3A_960 = arith.ori %shift_left3A_952, %shift_right_logical3A_959 : vector<16xi32>
    %swap3A_961 = arith.constant 2 : i32
    %swap3A_962 = arith.index_cast %swap3A_961 : i32 to index
    %swap3A_963 = arith.constant 80 : index
    %swap3A_964 = tpu.vector_load %arg13[%swap3A_962, %swap3A_963] {strides = array<i32>} : memref<4x128xi32, #tpu.memory_space<vmem>>, vector<16xi32>,
    tpu.vector_store %arg13[%swap3A_962, %swap3A_963], %or3A_960 {strides = array<i32>} : memref<4x128xi32, #tpu.memory_space<vmem>>, vector<16xi32>,
    %get3A_965 = arith.constant 2 : i32
    %get3A_966 = arith.index_cast %get3A_965 : i32 to index
    %get3A_967 = arith.constant 96 : index
    %get3A_968 = tpu.vector_load %arg10[%get3A_966, %get3A_967] {strides = array<i32>} : memref<4x128xi32, #tpu.memory_space<vmem>>, vector<16xi32>,
    %and3A_969 = arith.constant 131071 : i32
    %and3A_970 = vector.broadcast %and3A_969 : i32 to vector<16xi32>
    %and3A_971 = arith.andi %get3A_968, %and3A_970 : vector<16xi32>
    %shift_left3A_972 = arith.constant 3 : i32
    %shift_left3A_973 = vector.broadcast %shift_left3A_972 : i32 to vector<16xi32>
    %shift_left3A_974 = arith.shli %and3A_971, %shift_left3A_973 : vector<16xi32>
    %get3A_975 = arith.constant 2 : i32
    %get3A_976 = arith.index_cast %get3A_975 : i32 to index
    %get3A_977 = arith.constant 96 : index
    %get3A_978 = tpu.vector_load %arg10[%get3A_976, %get3A_977] {strides = array<i32>} : memref<4x128xi32, #tpu.memory_space<vmem>>, vector<16xi32>,
    %shift_right_logical3A_979 = arith.constant 17 : i32
    %shift_right_logical3A_980 = vector.broadcast %shift_right_logical3A_979 : i32 to vector<16xi32>
    %shift_right_logical3A_981 = arith.shrui %get3A_978, %shift_right_logical3A_980 : vector<16xi32>
    %or3A_982 = arith.ori %shift_left3A_974, %shift_right_logical3A_981 : vector<16xi32>
    %swap3A_983 = arith.constant 2 : i32
    %swap3A_984 = arith.index_cast %swap3A_983 : i32 to index
    %swap3A_985 = arith.constant 96 : index
    %swap3A_986 = tpu.vector_load %arg12[%swap3A_984, %swap3A_985] {strides = array<i32>} : memref<4x128xi32, #tpu.memory_space<vmem>>, vector<16xi32>,
    tpu.vector_store %arg12[%swap3A_984, %swap3A_985], %or3A_982 {strides = array<i32>} : memref<4x128xi32, #tpu.memory_space<vmem>>, vector<16xi32>,
    %get3A_987 = arith.constant 2 : i32
    %get3A_988 = arith.index_cast %get3A_987 : i32 to index
    %get3A_989 = arith.constant 96 : index
    %get3A_990 = tpu.vector_load %arg11[%get3A_988, %get3A_989] {strides = array<i32>} : memref<4x128xi32, #tpu.memory_space<vmem>>, vector<16xi32>,
    %and3A_991 = arith.constant 131071 : i32
    %and3A_992 = vector.broadcast %and3A_991 : i32 to vector<16xi32>
    %and3A_993 = arith.andi %get3A_990, %and3A_992 : vector<16xi32>
    %shift_left3A_994 = arith.constant 3 : i32
    %shift_left3A_995 = vector.broadcast %shift_left3A_994 : i32 to vector<16xi32>
    %shift_left3A_996 = arith.shli %and3A_993, %shift_left3A_995 : vector<16xi32>
    %get3A_997 = arith.constant 2 : i32
    %get3A_998 = arith.index_cast %get3A_997 : i32 to index
    %get3A_999 = arith.constant 96 : index
    %get3A_1000 = tpu.vector_load %arg11[%get3A_998, %get3A_999] {strides = array<i32>} : memref<4x128xi32, #tpu.memory_space<vmem>>, vector<16xi32>,
    %shift_right_logical3A_1001 = arith.constant 17 : i32
    %shift_right_logical3A_1002 = vector.broadcast %shift_right_logical3A_1001 : i32 to vector<16xi32>
    %shift_right_logical3A_1003 = arith.shrui %get3A_1000, %shift_right_logical3A_1002 : vector<16xi32>
    %or3A_1004 = arith.ori %shift_left3A_996, %shift_right_logical3A_1003 : vector<16xi32>
    %swap3A_1005 = arith.constant 2 : i32
    %swap3A_1006 = arith.index_cast %swap3A_1005 : i32 to index
    %swap3A_1007 = arith.constant 96 : index
    %swap3A_1008 = tpu.vector_load %arg13[%swap3A_1006, %swap3A_1007] {strides = array<i32>} : memref<4x128xi32, #tpu.memory_space<vmem>>, vector<16xi32>,
    tpu.vector_store %arg13[%swap3A_1006, %swap3A_1007], %or3A_1004 {strides = array<i32>} : memref<4x128xi32, #tpu.memory_space<vmem>>, vector<16xi32>,
    %get3A_1009 = arith.constant 2 : i32
    %get3A_1010 = arith.index_cast %get3A_1009 : i32 to index
    %get3A_1011 = arith.constant 112 : index
    %get3A_1012 = tpu.vector_load %arg10[%get3A_1010, %get3A_1011] {strides = array<i32>} : memref<4x128xi32, #tpu.memory_space<vmem>>, vector<16xi32>,
    %and3A_1013 = arith.constant 131071 : i32
    %and3A_1014 = vector.broadcast %and3A_1013 : i32 to vector<16xi32>
    %and3A_1015 = arith.andi %get3A_1012, %and3A_1014 : vector<16xi32>
    %shift_left3A_1016 = arith.constant 3 : i32
    %shift_left3A_1017 = vector.broadcast %shift_left3A_1016 : i32 to vector<16xi32>
    %shift_left3A_1018 = arith.shli %and3A_1015, %shift_left3A_1017 : vector<16xi32>
    %get3A_1019 = arith.constant 2 : i32
    %get3A_1020 = arith.index_cast %get3A_1019 : i32 to index
    %get3A_1021 = arith.constant 112 : index
    %get3A_1022 = tpu.vector_load %arg10[%get3A_1020, %get3A_1021] {strides = array<i32>} : memref<4x128xi32, #tpu.memory_space<vmem>>, vector<16xi32>,
    %shift_right_logical3A_1023 = arith.constant 17 : i32
    %shift_right_logical3A_1024 = vector.broadcast %shift_right_logical3A_1023 : i32 to vector<16xi32>
    %shift_right_logical3A_1025 = arith.shrui %get3A_1022, %shift_right_logical3A_1024 : vector<16xi32>
    %or3A_1026 = arith.ori %shift_left3A_1018, %shift_right_logical3A_1025 : vector<16xi32>
    %swap3A_1027 = arith.constant 2 : i32
    %swap3A_1028 = arith.index_cast %swap3A_1027 : i32 to index
    %swap3A_1029 = arith.constant 112 : index
    %swap3A_1030 = tpu.vector_load %arg12[%swap3A_1028, %swap3A_1029] {strides = array<i32>} : memref<4x128xi32, #tpu.memory_space<vmem>>, vector<16xi32>,
    tpu.vector_store %arg12[%swap3A_1028, %swap3A_1029], %or3A_1026 {strides = array<i32>} : memref<4x128xi32, #tpu.memory_space<vmem>>, vector<16xi32>,
    %get3A_1031 = arith.constant 2 : i32
    %get3A_1032 = arith.index_cast %get3A_1031 : i32 to index
    %get3A_1033 = arith.constant 112 : index
    %get3A_1034 = tpu.vector_load %arg11[%get3A_1032, %get3A_1033] {strides = array<i32>} : memref<4x128xi32, #tpu.memory_space<vmem>>, vector<16xi32>,
    %and3A_1035 = arith.constant 131071 : i32
    %and3A_1036 = vector.broadcast %and3A_1035 : i32 to vector<16xi32>
    %and3A_1037 = arith.andi %get3A_1034, %and3A_1036 : vector<16xi32>
    %shift_left3A_1038 = arith.constant 3 : i32
    %shift_left3A_1039 = vector.broadcast %shift_left3A_1038 : i32 to vector<16xi32>
    %shift_left3A_1040 = arith.shli %and3A_1037, %shift_left3A_1039 : vector<16xi32>
    %get3A_1041 = arith.constant 2 : i32
    %get3A_1042 = arith.index_cast %get3A_1041 : i32 to index
    %get3A_1043 = arith.constant 112 : index
    %get3A_1044 = tpu.vector_load %arg11[%get3A_1042, %get3A_1043] {strides = array<i32>} : memref<4x128xi32, #tpu.memory_space<vmem>>, vector<16xi32>,
    %shift_right_logical3A_1045 = arith.constant 17 : i32
    %shift_right_logical3A_1046 = vector.broadcast %shift_right_logical3A_1045 : i32 to vector<16xi32>
    %shift_right_logical3A_1047 = arith.shrui %get3A_1044, %shift_right_logical3A_1046 : vector<16xi32>
    %or3A_1048 = arith.ori %shift_left3A_1040, %shift_right_logical3A_1047 : vector<16xi32>
    %swap3A_1049 = arith.constant 2 : i32
    %swap3A_1050 = arith.index_cast %swap3A_1049 : i32 to index
    %swap3A_1051 = arith.constant 112 : index
    %swap3A_1052 = tpu.vector_load %arg13[%swap3A_1050, %swap3A_1051] {strides = array<i32>} : memref<4x128xi32, #tpu.memory_space<vmem>>, vector<16xi32>,
    tpu.vector_store %arg13[%swap3A_1050, %swap3A_1051], %or3A_1048 {strides = array<i32>} : memref<4x128xi32, #tpu.memory_space<vmem>>, vector<16xi32>,
    %get3A_1053 = arith.constant 3 : i32
    %get3A_1054 = arith.index_cast %get3A_1053 : i32 to index
    %get3A_1055 = arith.constant 0 : index
    %get3A_1056 = tpu.vector_load %arg10[%get3A_1054, %get3A_1055] {strides = array<i32>} : memref<4x128xi32, #tpu.memory_space<vmem>>, vector<16xi32>,
    %and3A_1057 = arith.constant 131071 : i32
    %and3A_1058 = vector.broadcast %and3A_1057 : i32 to vector<16xi32>
    %and3A_1059 = arith.andi %get3A_1056, %and3A_1058 : vector<16xi32>
    %shift_left3A_1060 = arith.constant 3 : i32
    %shift_left3A_1061 = vector.broadcast %shift_left3A_1060 : i32 to vector<16xi32>
    %shift_left3A_1062 = arith.shli %and3A_1059, %shift_left3A_1061 : vector<16xi32>
    %get3A_1063 = arith.constant 3 : i32
    %get3A_1064 = arith.index_cast %get3A_1063 : i32 to index
    %get3A_1065 = arith.constant 0 : index
    %get3A_1066 = tpu.vector_load %arg10[%get3A_1064, %get3A_1065] {strides = array<i32>} : memref<4x128xi32, #tpu.memory_space<vmem>>, vector<16xi32>,
    %shift_right_logical3A_1067 = arith.constant 17 : i32
    %shift_right_logical3A_1068 = vector.broadcast %shift_right_logical3A_1067 : i32 to vector<16xi32>
    %shift_right_logical3A_1069 = arith.shrui %get3A_1066, %shift_right_logical3A_1068 : vector<16xi32>
    %or3A_1070 = arith.ori %shift_left3A_1062, %shift_right_logical3A_1069 : vector<16xi32>
    %swap3A_1071 = arith.constant 3 : i32
    %swap3A_1072 = arith.index_cast %swap3A_1071 : i32 to index
    %swap3A_1073 = arith.constant 0 : index
    %swap3A_1074 = tpu.vector_load %arg12[%swap3A_1072, %swap3A_1073] {strides = array<i32>} : memref<4x128xi32, #tpu.memory_space<vmem>>, vector<16xi32>,
    tpu.vector_store %arg12[%swap3A_1072, %swap3A_1073], %or3A_1070 {strides = array<i32>} : memref<4x128xi32, #tpu.memory_space<vmem>>, vector<16xi32>,
    %get3A_1075 = arith.constant 3 : i32
    %get3A_1076 = arith.index_cast %get3A_1075 : i32 to index
    %get3A_1077 = arith.constant 0 : index
    %get3A_1078 = tpu.vector_load %arg11[%get3A_1076, %get3A_1077] {strides = array<i32>} : memref<4x128xi32, #tpu.memory_space<vmem>>, vector<16xi32>,
    %and3A_1079 = arith.constant 131071 : i32
    %and3A_1080 = vector.broadcast %and3A_1079 : i32 to vector<16xi32>
    %and3A_1081 = arith.andi %get3A_1078, %and3A_1080 : vector<16xi32>
    %shift_left3A_1082 = arith.constant 3 : i32
    %shift_left3A_1083 = vector.broadcast %shift_left3A_1082 : i32 to vector<16xi32>
    %shift_left3A_1084 = arith.shli %and3A_1081, %shift_left3A_1083 : vector<16xi32>
    %get3A_1085 = arith.constant 3 : i32
    %get3A_1086 = arith.index_cast %get3A_1085 : i32 to index
    %get3A_1087 = arith.constant 0 : index
    %get3A_1088 = tpu.vector_load %arg11[%get3A_1086, %get3A_1087] {strides = array<i32>} : memref<4x128xi32, #tpu.memory_space<vmem>>, vector<16xi32>,
    %shift_right_logical3A_1089 = arith.constant 17 : i32
    %shift_right_logical3A_1090 = vector.broadcast %shift_right_logical3A_1089 : i32 to vector<16xi32>
    %shift_right_logical3A_1091 = arith.shrui %get3A_1088, %shift_right_logical3A_1090 : vector<16xi32>
    %or3A_1092 = arith.ori %shift_left3A_1084, %shift_right_logical3A_1091 : vector<16xi32>
    %swap3A_1093 = arith.constant 3 : i32
    %swap3A_1094 = arith.index_cast %swap3A_1093 : i32 to index
    %swap3A_1095 = arith.constant 0 : index
    %swap3A_1096 = tpu.vector_load %arg13[%swap3A_1094, %swap3A_1095] {strides = array<i32>} : memref<4x128xi32, #tpu.memory_space<vmem>>, vector<16xi32>,
    tpu.vector_store %arg13[%swap3A_1094, %swap3A_1095], %or3A_1092 {strides = array<i32>} : memref<4x128xi32, #tpu.memory_space<vmem>>, vector<16xi32>,
    %get3A_1097 = arith.constant 3 : i32
    %get3A_1098 = arith.index_cast %get3A_1097 : i32 to index
    %get3A_1099 = arith.constant 16 : index
    %get3A_1100 = tpu.vector_load %arg10[%get3A_1098, %get3A_1099] {strides = array<i32>} : memref<4x128xi32, #tpu.memory_space<vmem>>, vector<16xi32>,
    %and3A_1101 = arith.constant 131071 : i32
    %and3A_1102 = vector.broadcast %and3A_1101 : i32 to vector<16xi32>
    %and3A_1103 = arith.andi %get3A_1100, %and3A_1102 : vector<16xi32>
    %shift_left3A_1104 = arith.constant 3 : i32
    %shift_left3A_1105 = vector.broadcast %shift_left3A_1104 : i32 to vector<16xi32>
    %shift_left3A_1106 = arith.shli %and3A_1103, %shift_left3A_1105 : vector<16xi32>
    %get3A_1107 = arith.constant 3 : i32
    %get3A_1108 = arith.index_cast %get3A_1107 : i32 to index
    %get3A_1109 = arith.constant 16 : index
    %get3A_1110 = tpu.vector_load %arg10[%get3A_1108, %get3A_1109] {strides = array<i32>} : memref<4x128xi32, #tpu.memory_space<vmem>>, vector<16xi32>,
    %shift_right_logical3A_1111 = arith.constant 17 : i32
    %shift_right_logical3A_1112 = vector.broadcast %shift_right_logical3A_1111 : i32 to vector<16xi32>
    %shift_right_logical3A_1113 = arith.shrui %get3A_1110, %shift_right_logical3A_1112 : vector<16xi32>
    %or3A_1114 = arith.ori %shift_left3A_1106, %shift_right_logical3A_1113 : vector<16xi32>
    %swap3A_1115 = arith.constant 3 : i32
    %swap3A_1116 = arith.index_cast %swap3A_1115 : i32 to index
    %swap3A_1117 = arith.constant 16 : index
    %swap3A_1118 = tpu.vector_load %arg12[%swap3A_1116, %swap3A_1117] {strides = array<i32>} : memref<4x128xi32, #tpu.memory_space<vmem>>, vector<16xi32>,
    tpu.vector_store %arg12[%swap3A_1116, %swap3A_1117], %or3A_1114 {strides = array<i32>} : memref<4x128xi32, #tpu.memory_space<vmem>>, vector<16xi32>,
    %get3A_1119 = arith.constant 3 : i32
    %get3A_1120 = arith.index_cast %get3A_1119 : i32 to index
    %get3A_1121 = arith.constant 16 : index
    %get3A_1122 = tpu.vector_load %arg11[%get3A_1120, %get3A_1121] {strides = array<i32>} : memref<4x128xi32, #tpu.memory_space<vmem>>, vector<16xi32>,
    %and3A_1123 = arith.constant 131071 : i32
    %and3A_1124 = vector.broadcast %and3A_1123 : i32 to vector<16xi32>
    %and3A_1125 = arith.andi %get3A_1122, %and3A_1124 : vector<16xi32>
    %shift_left3A_1126 = arith.constant 3 : i32
    %shift_left3A_1127 = vector.broadcast %shift_left3A_1126 : i32 to vector<16xi32>
    %shift_left3A_1128 = arith.shli %and3A_1125, %shift_left3A_1127 : vector<16xi32>
    %get3A_1129 = arith.constant 3 : i32
    %get3A_1130 = arith.index_cast %get3A_1129 : i32 to index
    %get3A_1131 = arith.constant 16 : index
    %get3A_1132 = tpu.vector_load %arg11[%get3A_1130, %get3A_1131] {strides = array<i32>} : memref<4x128xi32, #tpu.memory_space<vmem>>, vector<16xi32>,
    %shift_right_logical3A_1133 = arith.constant 17 : i32
    %shift_right_logical3A_1134 = vector.broadcast %shift_right_logical3A_1133 : i32 to vector<16xi32>
    %shift_right_logical3A_1135 = arith.shrui %get3A_1132, %shift_right_logical3A_1134 : vector<16xi32>
    %or3A_1136 = arith.ori %shift_left3A_1128, %shift_right_logical3A_1135 : vector<16xi32>
    %swap3A_1137 = arith.constant 3 : i32
    %swap3A_1138 = arith.index_cast %swap3A_1137 : i32 to index
    %swap3A_1139 = arith.constant 16 : index
    %swap3A_1140 = tpu.vector_load %arg13[%swap3A_1138, %swap3A_1139] {strides = array<i32>} : memref<4x128xi32, #tpu.memory_space<vmem>>, vector<16xi32>,
    tpu.vector_store %arg13[%swap3A_1138, %swap3A_1139], %or3A_1136 {strides = array<i32>} : memref<4x128xi32, #tpu.memory_space<vmem>>, vector<16xi32>,
    %get3A_1141 = arith.constant 3 : i32
    %get3A_1142 = arith.index_cast %get3A_1141 : i32 to index
    %get3A_1143 = arith.constant 32 : index
    %get3A_1144 = tpu.vector_load %arg10[%get3A_1142, %get3A_1143] {strides = array<i32>} : memref<4x128xi32, #tpu.memory_space<vmem>>, vector<16xi32>,
    %and3A_1145 = arith.constant 131071 : i32
    %and3A_1146 = vector.broadcast %and3A_1145 : i32 to vector<16xi32>
    %and3A_1147 = arith.andi %get3A_1144, %and3A_1146 : vector<16xi32>
    %shift_left3A_1148 = arith.constant 3 : i32
    %shift_left3A_1149 = vector.broadcast %shift_left3A_1148 : i32 to vector<16xi32>
    %shift_left3A_1150 = arith.shli %and3A_1147, %shift_left3A_1149 : vector<16xi32>
    %get3A_1151 = arith.constant 3 : i32
    %get3A_1152 = arith.index_cast %get3A_1151 : i32 to index
    %get3A_1153 = arith.constant 32 : index
    %get3A_1154 = tpu.vector_load %arg10[%get3A_1152, %get3A_1153] {strides = array<i32>} : memref<4x128xi32, #tpu.memory_space<vmem>>, vector<16xi32>,
    %shift_right_logical3A_1155 = arith.constant 17 : i32
    %shift_right_logical3A_1156 = vector.broadcast %shift_right_logical3A_1155 : i32 to vector<16xi32>
    %shift_right_logical3A_1157 = arith.shrui %get3A_1154, %shift_right_logical3A_1156 : vector<16xi32>
    %or3A_1158 = arith.ori %shift_left3A_1150, %shift_right_logical3A_1157 : vector<16xi32>
    %swap3A_1159 = arith.constant 3 : i32
    %swap3A_1160 = arith.index_cast %swap3A_1159 : i32 to index
    %swap3A_1161 = arith.constant 32 : index
    %swap3A_1162 = tpu.vector_load %arg12[%swap3A_1160, %swap3A_1161] {strides = array<i32>} : memref<4x128xi32, #tpu.memory_space<vmem>>, vector<16xi32>,
    tpu.vector_store %arg12[%swap3A_1160, %swap3A_1161], %or3A_1158 {strides = array<i32>} : memref<4x128xi32, #tpu.memory_space<vmem>>, vector<16xi32>,
    %get3A_1163 = arith.constant 3 : i32
    %get3A_1164 = arith.index_cast %get3A_1163 : i32 to index
    %get3A_1165 = arith.constant 32 : index
    %get3A_1166 = tpu.vector_load %arg11[%get3A_1164, %get3A_1165] {strides = array<i32>} : memref<4x128xi32, #tpu.memory_space<vmem>>, vector<16xi32>,
    %and3A_1167 = arith.constant 131071 : i32
    %and3A_1168 = vector.broadcast %and3A_1167 : i32 to vector<16xi32>
    %and3A_1169 = arith.andi %get3A_1166, %and3A_1168 : vector<16xi32>
    %shift_left3A_1170 = arith.constant 3 : i32
    %shift_left3A_1171 = vector.broadcast %shift_left3A_1170 : i32 to vector<16xi32>
    %shift_left3A_1172 = arith.shli %and3A_1169, %shift_left3A_1171 : vector<16xi32>
    %get3A_1173 = arith.constant 3 : i32
    %get3A_1174 = arith.index_cast %get3A_1173 : i32 to index
    %get3A_1175 = arith.constant 32 : index
    %get3A_1176 = tpu.vector_load %arg11[%get3A_1174, %get3A_1175] {strides = array<i32>} : memref<4x128xi32, #tpu.memory_space<vmem>>, vector<16xi32>,
    %shift_right_logical3A_1177 = arith.constant 17 : i32
    %shift_right_logical3A_1178 = vector.broadcast %shift_right_logical3A_1177 : i32 to vector<16xi32>
    %shift_right_logical3A_1179 = arith.shrui %get3A_1176, %shift_right_logical3A_1178 : vector<16xi32>
    %or3A_1180 = arith.ori %shift_left3A_1172, %shift_right_logical3A_1179 : vector<16xi32>
    %swap3A_1181 = arith.constant 3 : i32
    %swap3A_1182 = arith.index_cast %swap3A_1181 : i32 to index
    %swap3A_1183 = arith.constant 32 : index
    %swap3A_1184 = tpu.vector_load %arg13[%swap3A_1182, %swap3A_1183] {strides = array<i32>} : memref<4x128xi32, #tpu.memory_space<vmem>>, vector<16xi32>,
    tpu.vector_store %arg13[%swap3A_1182, %swap3A_1183], %or3A_1180 {strides = array<i32>} : memref<4x128xi32, #tpu.memory_space<vmem>>, vector<16xi32>,
    %get3A_1185 = arith.constant 3 : i32
    %get3A_1186 = arith.index_cast %get3A_1185 : i32 to index
    %get3A_1187 = arith.constant 48 : index
    %get3A_1188 = tpu.vector_load %arg10[%get3A_1186, %get3A_1187] {strides = array<i32>} : memref<4x128xi32, #tpu.memory_space<vmem>>, vector<16xi32>,
    %and3A_1189 = arith.constant 131071 : i32
    %and3A_1190 = vector.broadcast %and3A_1189 : i32 to vector<16xi32>
    %and3A_1191 = arith.andi %get3A_1188, %and3A_1190 : vector<16xi32>
    %shift_left3A_1192 = arith.constant 3 : i32
    %shift_left3A_1193 = vector.broadcast %shift_left3A_1192 : i32 to vector<16xi32>
    %shift_left3A_1194 = arith.shli %and3A_1191, %shift_left3A_1193 : vector<16xi32>
    %get3A_1195 = arith.constant 3 : i32
    %get3A_1196 = arith.index_cast %get3A_1195 : i32 to index
    %get3A_1197 = arith.constant 48 : index
    %get3A_1198 = tpu.vector_load %arg10[%get3A_1196, %get3A_1197] {strides = array<i32>} : memref<4x128xi32, #tpu.memory_space<vmem>>, vector<16xi32>,
    %shift_right_logical3A_1199 = arith.constant 17 : i32
    %shift_right_logical3A_1200 = vector.broadcast %shift_right_logical3A_1199 : i32 to vector<16xi32>
    %shift_right_logical3A_1201 = arith.shrui %get3A_1198, %shift_right_logical3A_1200 : vector<16xi32>
    %or3A_1202 = arith.ori %shift_left3A_1194, %shift_right_logical3A_1201 : vector<16xi32>
    %swap3A_1203 = arith.constant 3 : i32
    %swap3A_1204 = arith.index_cast %swap3A_1203 : i32 to index
    %swap3A_1205 = arith.constant 48 : index
    %swap3A_1206 = tpu.vector_load %arg12[%swap3A_1204, %swap3A_1205] {strides = array<i32>} : memref<4x128xi32, #tpu.memory_space<vmem>>, vector<16xi32>,
    tpu.vector_store %arg12[%swap3A_1204, %swap3A_1205], %or3A_1202 {strides = array<i32>} : memref<4x128xi32, #tpu.memory_space<vmem>>, vector<16xi32>,
    %get3A_1207 = arith.constant 3 : i32
    %get3A_1208 = arith.index_cast %get3A_1207 : i32 to index
    %get3A_1209 = arith.constant 48 : index
    %get3A_1210 = tpu.vector_load %arg11[%get3A_1208, %get3A_1209] {strides = array<i32>} : memref<4x128xi32, #tpu.memory_space<vmem>>, vector<16xi32>,
    %and3A_1211 = arith.constant 131071 : i32
    %and3A_1212 = vector.broadcast %and3A_1211 : i32 to vector<16xi32>
    %and3A_1213 = arith.andi %get3A_1210, %and3A_1212 : vector<16xi32>
    %shift_left3A_1214 = arith.constant 3 : i32
    %shift_left3A_1215 = vector.broadcast %shift_left3A_1214 : i32 to vector<16xi32>
    %shift_left3A_1216 = arith.shli %and3A_1213, %shift_left3A_1215 : vector<16xi32>
    %get3A_1217 = arith.constant 3 : i32
    %get3A_1218 = arith.index_cast %get3A_1217 : i32 to index
    %get3A_1219 = arith.constant 48 : index
    %get3A_1220 = tpu.vector_load %arg11[%get3A_1218, %get3A_1219] {strides = array<i32>} : memref<4x128xi32, #tpu.memory_space<vmem>>, vector<16xi32>,
    %shift_right_logical3A_1221 = arith.constant 17 : i32
    %shift_right_logical3A_1222 = vector.broadcast %shift_right_logical3A_1221 : i32 to vector<16xi32>
    %shift_right_logical3A_1223 = arith.shrui %get3A_1220, %shift_right_logical3A_1222 : vector<16xi32>
    %or3A_1224 = arith.ori %shift_left3A_1216, %shift_right_logical3A_1223 : vector<16xi32>
    %swap3A_1225 = arith.constant 3 : i32
    %swap3A_1226 = arith.index_cast %swap3A_1225 : i32 to index
    %swap3A_1227 = arith.constant 48 : index
    %swap3A_1228 = tpu.vector_load %arg13[%swap3A_1226, %swap3A_1227] {strides = array<i32>} : memref<4x128xi32, #tpu.memory_space<vmem>>, vector<16xi32>,
    tpu.vector_store %arg13[%swap3A_1226, %swap3A_1227], %or3A_1224 {strides = array<i32>} : memref<4x128xi32, #tpu.memory_space<vmem>>, vector<16xi32>,
    %get3A_1229 = arith.constant 3 : i32
    %get3A_1230 = arith.index_cast %get3A_1229 : i32 to index
    %get3A_1231 = arith.constant 64 : index
    %get3A_1232 = tpu.vector_load %arg10[%get3A_1230, %get3A_1231] {strides = array<i32>} : memref<4x128xi32, #tpu.memory_space<vmem>>, vector<16xi32>,
    %and3A_1233 = arith.constant 131071 : i32
    %and3A_1234 = vector.broadcast %and3A_1233 : i32 to vector<16xi32>
    %and3A_1235 = arith.andi %get3A_1232, %and3A_1234 : vector<16xi32>
    %shift_left3A_1236 = arith.constant 3 : i32
    %shift_left3A_1237 = vector.broadcast %shift_left3A_1236 : i32 to vector<16xi32>
    %shift_left3A_1238 = arith.shli %and3A_1235, %shift_left3A_1237 : vector<16xi32>
    %get3A_1239 = arith.constant 3 : i32
    %get3A_1240 = arith.index_cast %get3A_1239 : i32 to index
    %get3A_1241 = arith.constant 64 : index
    %get3A_1242 = tpu.vector_load %arg10[%get3A_1240, %get3A_1241] {strides = array<i32>} : memref<4x128xi32, #tpu.memory_space<vmem>>, vector<16xi32>,
    %shift_right_logical3A_1243 = arith.constant 17 : i32
    %shift_right_logical3A_1244 = vector.broadcast %shift_right_logical3A_1243 : i32 to vector<16xi32>
    %shift_right_logical3A_1245 = arith.shrui %get3A_1242, %shift_right_logical3A_1244 : vector<16xi32>
    %or3A_1246 = arith.ori %shift_left3A_1238, %shift_right_logical3A_1245 : vector<16xi32>
    %swap3A_1247 = arith.constant 3 : i32
    %swap3A_1248 = arith.index_cast %swap3A_1247 : i32 to index
    %swap3A_1249 = arith.constant 64 : index
    %swap3A_1250 = tpu.vector_load %arg12[%swap3A_1248, %swap3A_1249] {strides = array<i32>} : memref<4x128xi32, #tpu.memory_space<vmem>>, vector<16xi32>,
    tpu.vector_store %arg12[%swap3A_1248, %swap3A_1249], %or3A_1246 {strides = array<i32>} : memref<4x128xi32, #tpu.memory_space<vmem>>, vector<16xi32>,
    %get3A_1251 = arith.constant 3 : i32
    %get3A_1252 = arith.index_cast %get3A_1251 : i32 to index
    %get3A_1253 = arith.constant 64 : index
    %get3A_1254 = tpu.vector_load %arg11[%get3A_1252, %get3A_1253] {strides = array<i32>} : memref<4x128xi32, #tpu.memory_space<vmem>>, vector<16xi32>,
    %and3A_1255 = arith.constant 131071 : i32
    %and3A_1256 = vector.broadcast %and3A_1255 : i32 to vector<16xi32>
    %and3A_1257 = arith.andi %get3A_1254, %and3A_1256 : vector<16xi32>
    %shift_left3A_1258 = arith.constant 3 : i32
    %shift_left3A_1259 = vector.broadcast %shift_left3A_1258 : i32 to vector<16xi32>
    %shift_left3A_1260 = arith.shli %and3A_1257, %shift_left3A_1259 : vector<16xi32>
    %get3A_1261 = arith.constant 3 : i32
    %get3A_1262 = arith.index_cast %get3A_1261 : i32 to index
    %get3A_1263 = arith.constant 64 : index
    %get3A_1264 = tpu.vector_load %arg11[%get3A_1262, %get3A_1263] {strides = array<i32>} : memref<4x128xi32, #tpu.memory_space<vmem>>, vector<16xi32>,
    %shift_right_logical3A_1265 = arith.constant 17 : i32
    %shift_right_logical3A_1266 = vector.broadcast %shift_right_logical3A_1265 : i32 to vector<16xi32>
    %shift_right_logical3A_1267 = arith.shrui %get3A_1264, %shift_right_logical3A_1266 : vector<16xi32>
    %or3A_1268 = arith.ori %shift_left3A_1260, %shift_right_logical3A_1267 : vector<16xi32>
    %swap3A_1269 = arith.constant 3 : i32
    %swap3A_1270 = arith.index_cast %swap3A_1269 : i32 to index
    %swap3A_1271 = arith.constant 64 : index
    %swap3A_1272 = tpu.vector_load %arg13[%swap3A_1270, %swap3A_1271] {strides = array<i32>} : memref<4x128xi32, #tpu.memory_space<vmem>>, vector<16xi32>,
    tpu.vector_store %arg13[%swap3A_1270, %swap3A_1271], %or3A_1268 {strides = array<i32>} : memref<4x128xi32, #tpu.memory_space<vmem>>, vector<16xi32>,
    %get3A_1273 = arith.constant 3 : i32
    %get3A_1274 = arith.index_cast %get3A_1273 : i32 to index
    %get3A_1275 = arith.constant 80 : index
    %get3A_1276 = tpu.vector_load %arg10[%get3A_1274, %get3A_1275] {strides = array<i32>} : memref<4x128xi32, #tpu.memory_space<vmem>>, vector<16xi32>,
    %and3A_1277 = arith.constant 131071 : i32
    %and3A_1278 = vector.broadcast %and3A_1277 : i32 to vector<16xi32>
    %and3A_1279 = arith.andi %get3A_1276, %and3A_1278 : vector<16xi32>
    %shift_left3A_1280 = arith.constant 3 : i32
    %shift_left3A_1281 = vector.broadcast %shift_left3A_1280 : i32 to vector<16xi32>
    %shift_left3A_1282 = arith.shli %and3A_1279, %shift_left3A_1281 : vector<16xi32>
    %get3A_1283 = arith.constant 3 : i32
    %get3A_1284 = arith.index_cast %get3A_1283 : i32 to index
    %get3A_1285 = arith.constant 80 : index
    %get3A_1286 = tpu.vector_load %arg10[%get3A_1284, %get3A_1285] {strides = array<i32>} : memref<4x128xi32, #tpu.memory_space<vmem>>, vector<16xi32>,
    %shift_right_logical3A_1287 = arith.constant 17 : i32
    %shift_right_logical3A_1288 = vector.broadcast %shift_right_logical3A_1287 : i32 to vector<16xi32>
    %shift_right_logical3A_1289 = arith.shrui %get3A_1286, %shift_right_logical3A_1288 : vector<16xi32>
    %or3A_1290 = arith.ori %shift_left3A_1282, %shift_right_logical3A_1289 : vector<16xi32>
    %swap3A_1291 = arith.constant 3 : i32
    %swap3A_1292 = arith.index_cast %swap3A_1291 : i32 to index
    %swap3A_1293 = arith.constant 80 : index
    %swap3A_1294 = tpu.vector_load %arg12[%swap3A_1292, %swap3A_1293] {strides = array<i32>} : memref<4x128xi32, #tpu.memory_space<vmem>>, vector<16xi32>,
    tpu.vector_store %arg12[%swap3A_1292, %swap3A_1293], %or3A_1290 {strides = array<i32>} : memref<4x128xi32, #tpu.memory_space<vmem>>, vector<16xi32>,
    %get3A_1295 = arith.constant 3 : i32
    %get3A_1296 = arith.index_cast %get3A_1295 : i32 to index
    %get3A_1297 = arith.constant 80 : index
    %get3A_1298 = tpu.vector_load %arg11[%get3A_1296, %get3A_1297] {strides = array<i32>} : memref<4x128xi32, #tpu.memory_space<vmem>>, vector<16xi32>,
    %and3A_1299 = arith.constant 131071 : i32
    %and3A_1300 = vector.broadcast %and3A_1299 : i32 to vector<16xi32>
    %and3A_1301 = arith.andi %get3A_1298, %and3A_1300 : vector<16xi32>
    %shift_left3A_1302 = arith.constant 3 : i32
    %shift_left3A_1303 = vector.broadcast %shift_left3A_1302 : i32 to vector<16xi32>
    %shift_left3A_1304 = arith.shli %and3A_1301, %shift_left3A_1303 : vector<16xi32>
    %get3A_1305 = arith.constant 3 : i32
    %get3A_1306 = arith.index_cast %get3A_1305 : i32 to index
    %get3A_1307 = arith.constant 80 : index
    %get3A_1308 = tpu.vector_load %arg11[%get3A_1306, %get3A_1307] {strides = array<i32>} : memref<4x128xi32, #tpu.memory_space<vmem>>, vector<16xi32>,
    %shift_right_logical3A_1309 = arith.constant 17 : i32
    %shift_right_logical3A_1310 = vector.broadcast %shift_right_logical3A_1309 : i32 to vector<16xi32>
    %shift_right_logical3A_1311 = arith.shrui %get3A_1308, %shift_right_logical3A_1310 : vector<16xi32>
    %or3A_1312 = arith.ori %shift_left3A_1304, %shift_right_logical3A_1311 : vector<16xi32>
    %swap3A_1313 = arith.constant 3 : i32
    %swap3A_1314 = arith.index_cast %swap3A_1313 : i32 to index
    %swap3A_1315 = arith.constant 80 : index
    %swap3A_1316 = tpu.vector_load %arg13[%swap3A_1314, %swap3A_1315] {strides = array<i32>} : memref<4x128xi32, #tpu.memory_space<vmem>>, vector<16xi32>,
    tpu.vector_store %arg13[%swap3A_1314, %swap3A_1315], %or3A_1312 {strides = array<i32>} : memref<4x128xi32, #tpu.memory_space<vmem>>, vector<16xi32>,
    %get3A_1317 = arith.constant 3 : i32
    %get3A_1318 = arith.index_cast %get3A_1317 : i32 to index
    %get3A_1319 = arith.constant 96 : index
    %get3A_1320 = tpu.vector_load %arg10[%get3A_1318, %get3A_1319] {strides = array<i32>} : memref<4x128xi32, #tpu.memory_space<vmem>>, vector<16xi32>,
    %and3A_1321 = arith.constant 131071 : i32
    %and3A_1322 = vector.broadcast %and3A_1321 : i32 to vector<16xi32>
    %and3A_1323 = arith.andi %get3A_1320, %and3A_1322 : vector<16xi32>
    %shift_left3A_1324 = arith.constant 3 : i32
    %shift_left3A_1325 = vector.broadcast %shift_left3A_1324 : i32 to vector<16xi32>
    %shift_left3A_1326 = arith.shli %and3A_1323, %shift_left3A_1325 : vector<16xi32>
    %get3A_1327 = arith.constant 3 : i32
    %get3A_1328 = arith.index_cast %get3A_1327 : i32 to index
    %get3A_1329 = arith.constant 96 : index
    %get3A_1330 = tpu.vector_load %arg10[%get3A_1328, %get3A_1329] {strides = array<i32>} : memref<4x128xi32, #tpu.memory_space<vmem>>, vector<16xi32>,
    %shift_right_logical3A_1331 = arith.constant 17 : i32
    %shift_right_logical3A_1332 = vector.broadcast %shift_right_logical3A_1331 : i32 to vector<16xi32>
    %shift_right_logical3A_1333 = arith.shrui %get3A_1330, %shift_right_logical3A_1332 : vector<16xi32>
    %or3A_1334 = arith.ori %shift_left3A_1326, %shift_right_logical3A_1333 : vector<16xi32>
    %swap3A_1335 = arith.constant 3 : i32
    %swap3A_1336 = arith.index_cast %swap3A_1335 : i32 to index
    %swap3A_1337 = arith.constant 96 : index
    %swap3A_1338 = tpu.vector_load %arg12[%swap3A_1336, %swap3A_1337] {strides = array<i32>} : memref<4x128xi32, #tpu.memory_space<vmem>>, vector<16xi32>,
    tpu.vector_store %arg12[%swap3A_1336, %swap3A_1337], %or3A_1334 {strides = array<i32>} : memref<4x128xi32, #tpu.memory_space<vmem>>, vector<16xi32>,
    %get3A_1339 = arith.constant 3 : i32
    %get3A_1340 = arith.index_cast %get3A_1339 : i32 to index
    %get3A_1341 = arith.constant 96 : index
    %get3A_1342 = tpu.vector_load %arg11[%get3A_1340, %get3A_1341] {strides = array<i32>} : memref<4x128xi32, #tpu.memory_space<vmem>>, vector<16xi32>,
    %and3A_1343 = arith.constant 131071 : i32
    %and3A_1344 = vector.broadcast %and3A_1343 : i32 to vector<16xi32>
    %and3A_1345 = arith.andi %get3A_1342, %and3A_1344 : vector<16xi32>
    %shift_left3A_1346 = arith.constant 3 : i32
    %shift_left3A_1347 = vector.broadcast %shift_left3A_1346 : i32 to vector<16xi32>
    %shift_left3A_1348 = arith.shli %and3A_1345, %shift_left3A_1347 : vector<16xi32>
    %get3A_1349 = arith.constant 3 : i32
    %get3A_1350 = arith.index_cast %get3A_1349 : i32 to index
    %get3A_1351 = arith.constant 96 : index
    %get3A_1352 = tpu.vector_load %arg11[%get3A_1350, %get3A_1351] {strides = array<i32>} : memref<4x128xi32, #tpu.memory_space<vmem>>, vector<16xi32>,
    %shift_right_logical3A_1353 = arith.constant 17 : i32
    %shift_right_logical3A_1354 = vector.broadcast %shift_right_logical3A_1353 : i32 to vector<16xi32>
    %shift_right_logical3A_1355 = arith.shrui %get3A_1352, %shift_right_logical3A_1354 : vector<16xi32>
    %or3A_1356 = arith.ori %shift_left3A_1348, %shift_right_logical3A_1355 : vector<16xi32>
    %swap3A_1357 = arith.constant 3 : i32
    %swap3A_1358 = arith.index_cast %swap3A_1357 : i32 to index
    %swap3A_1359 = arith.constant 96 : index
    %swap3A_1360 = tpu.vector_load %arg13[%swap3A_1358, %swap3A_1359] {strides = array<i32>} : memref<4x128xi32, #tpu.memory_space<vmem>>, vector<16xi32>,
    tpu.vector_store %arg13[%swap3A_1358, %swap3A_1359], %or3A_1356 {strides = array<i32>} : memref<4x128xi32, #tpu.memory_space<vmem>>, vector<16xi32>,
    %get3A_1361 = arith.constant 3 : i32
    %get3A_1362 = arith.index_cast %get3A_1361 : i32 to index
    %get3A_1363 = arith.constant 112 : index
    %get3A_1364 = tpu.vector_load %arg10[%get3A_1362, %get3A_1363] {strides = array<i32>} : memref<4x128xi32, #tpu.memory_space<vmem>>, vector<16xi32>,
    %and3A_1365 = arith.constant 131071 : i32
    %and3A_1366 = vector.broadcast %and3A_1365 : i32 to vector<16xi32>
    %and3A_1367 = arith.andi %get3A_1364, %and3A_1366 : vector<16xi32>
    %shift_left3A_1368 = arith.constant 3 : i32
    %shift_left3A_1369 = vector.broadcast %shift_left3A_1368 : i32 to vector<16xi32>
    %shift_left3A_1370 = arith.shli %and3A_1367, %shift_left3A_1369 : vector<16xi32>
    %get3A_1371 = arith.constant 3 : i32
    %get3A_1372 = arith.index_cast %get3A_1371 : i32 to index
    %get3A_1373 = arith.constant 112 : index
    %get3A_1374 = tpu.vector_load %arg10[%get3A_1372, %get3A_1373] {strides = array<i32>} : memref<4x128xi32, #tpu.memory_space<vmem>>, vector<16xi32>,
    %shift_right_logical3A_1375 = arith.constant 17 : i32
    %shift_right_logical3A_1376 = vector.broadcast %shift_right_logical3A_1375 : i32 to vector<16xi32>
    %shift_right_logical3A_1377 = arith.shrui %get3A_1374, %shift_right_logical3A_1376 : vector<16xi32>
    %or3A_1378 = arith.ori %shift_left3A_1370, %shift_right_logical3A_1377 : vector<16xi32>
    %swap3A_1379 = arith.constant 3 : i32
    %swap3A_1380 = arith.index_cast %swap3A_1379 : i32 to index
    %swap3A_1381 = arith.constant 112 : index
    %swap3A_1382 = tpu.vector_load %arg12[%swap3A_1380, %swap3A_1381] {strides = array<i32>} : memref<4x128xi32, #tpu.memory_space<vmem>>, vector<16xi32>,
    tpu.vector_store %arg12[%swap3A_1380, %swap3A_1381], %or3A_1378 {strides = array<i32>} : memref<4x128xi32, #tpu.memory_space<vmem>>, vector<16xi32>,
    %get3A_1383 = arith.constant 3 : i32
    %get3A_1384 = arith.index_cast %get3A_1383 : i32 to index
    %get3A_1385 = arith.constant 112 : index
    %get3A_1386 = tpu.vector_load %arg11[%get3A_1384, %get3A_1385] {strides = array<i32>} : memref<4x128xi32, #tpu.memory_space<vmem>>, vector<16xi32>,
    %and3A_1387 = arith.constant 131071 : i32
    %and3A_1388 = vector.broadcast %and3A_1387 : i32 to vector<16xi32>
    %and3A_1389 = arith.andi %get3A_1386, %and3A_1388 : vector<16xi32>
    %shift_left3A_1390 = arith.constant 3 : i32
    %shift_left3A_1391 = vector.broadcast %shift_left3A_1390 : i32 to vector<16xi32>
    %shift_left3A_1392 = arith.shli %and3A_1389, %shift_left3A_1391 : vector<16xi32>
    %get3A_1393 = arith.constant 3 : i32
    %get3A_1394 = arith.index_cast %get3A_1393 : i32 to index
    %get3A_1395 = arith.constant 112 : index
    %get3A_1396 = tpu.vector_load %arg11[%get3A_1394, %get3A_1395] {strides = array<i32>} : memref<4x128xi32, #tpu.memory_space<vmem>>, vector<16xi32>,
    %shift_right_logical3A_1397 = arith.constant 17 : i32
    %shift_right_logical3A_1398 = vector.broadcast %shift_right_logical3A_1397 : i32 to vector<16xi32>
    %shift_right_logical3A_1399 = arith.shrui %get3A_1396, %shift_right_logical3A_1398 : vector<16xi32>
    %or3A_1400 = arith.ori %shift_left3A_1392, %shift_right_logical3A_1399 : vector<16xi32>
    %swap3A_1401 = arith.constant 3 : i32
    %swap3A_1402 = arith.index_cast %swap3A_1401 : i32 to index
    %swap3A_1403 = arith.constant 112 : index
    %swap3A_1404 = tpu.vector_load %arg13[%swap3A_1402, %swap3A_1403] {strides = array<i32>} : memref<4x128xi32, #tpu.memory_space<vmem>>, vector<16xi32>,
    tpu.vector_store %arg13[%swap3A_1402, %swap3A_1403], %or3A_1400 {strides = array<i32>} : memref<4x128xi32, #tpu.memory_space<vmem>>, vector<16xi32>,
    %dma_start3A = arith.constant 0 : i32
    %dma_start3A_1405 = arith.constant 0 : i32
    %dma_start3A_1406 = arith.constant 0 : i32
    %dma_start3A_1407 = tpu.memref_slice %arg16[%dma_start3A_1405, %dma_start3A_1406] : memref<4x128xf32, #tpu.memory_space<vmem>> -> memref<1x128xf32, #tpu.memory_space<vmem>>
    %dma_start3A_1408 = tpu.memref_squeeze %dma_start3A_1407 : memref<1x128xf32, #tpu.memory_space<vmem>> -> memref<128xf32, #tpu.memory_space<vmem>>
    %dma_start3A_1409 = arith.constant 0 : i32
    %dma_start3A_1410 = tpu.memref_slice %arg10[%dma_start3A, %dma_start3A_1409] : memref<4x128xi32, #tpu.memory_space<vmem>> -> memref<1x128xi32, #tpu.memory_space<vmem>>
    %dma_start3A_1411 = tpu.memref_squeeze %dma_start3A_1410 : memref<1x128xi32, #tpu.memory_space<vmem>> -> memref<128xi32, #tpu.memory_space<vmem>>
    %dma_start3A_1412 = arith.constant 0 : i32
    %dma_start3A_1413 = tpu.memref_slice %arg5[%dma_start3A_1412] : memref<1048576xf32, #tpu.memory_space<hbm>> -> memref<1048576xf32, #tpu.memory_space<hbm>>
    tpu.enqueue_indirect_dma source(%dma_start3A_1413 : memref<1048576xf32, #tpu.memory_space<hbm>>) target(%dma_start3A_1408 : memref<128xf32, #tpu.memory_space<vmem>>) offsets(%dma_start3A_1411 : memref<128xi32, #tpu.memory_space<vmem>>) semaphore(%arg21 : memref<!tpu.dma_semaphore, #tpu.memory_space<semaphore_mem>>)
    %dma_start3A_1414 = arith.constant 0 : i32
    %dma_start3A_1415 = arith.constant 0 : i32
    %dma_start3A_1416 = arith.constant 0 : i32
    %dma_start3A_1417 = tpu.memref_slice %arg17[%dma_start3A_1415, %dma_start3A_1416] : memref<4x128xf32, #tpu.memory_space<vmem>> -> memref<1x128xf32, #tpu.memory_space<vmem>>
    %dma_start3A_1418 = tpu.memref_squeeze %dma_start3A_1417 : memref<1x128xf32, #tpu.memory_space<vmem>> -> memref<128xf32, #tpu.memory_space<vmem>>
    %dma_start3A_1419 = arith.constant 0 : i32
    %dma_start3A_1420 = tpu.memref_slice %arg11[%dma_start3A_1414, %dma_start3A_1419] : memref<4x128xi32, #tpu.memory_space<vmem>> -> memref<1x128xi32, #tpu.memory_space<vmem>>
    %dma_start3A_1421 = tpu.memref_squeeze %dma_start3A_1420 : memref<1x128xi32, #tpu.memory_space<vmem>> -> memref<128xi32, #tpu.memory_space<vmem>>
    %dma_start3A_1422 = arith.constant 0 : i32
    %dma_start3A_1423 = tpu.memref_slice %arg7[%dma_start3A_1422] : memref<1048576xf32, #tpu.memory_space<hbm>> -> memref<1048576xf32, #tpu.memory_space<hbm>>
    tpu.enqueue_indirect_dma source(%dma_start3A_1423 : memref<1048576xf32, #tpu.memory_space<hbm>>) target(%dma_start3A_1418 : memref<128xf32, #tpu.memory_space<vmem>>) offsets(%dma_start3A_1421 : memref<128xi32, #tpu.memory_space<vmem>>) semaphore(%arg21 : memref<!tpu.dma_semaphore, #tpu.memory_space<semaphore_mem>>)
    %dma_start3A_1424 = arith.constant 1 : i32
    %dma_start3A_1425 = arith.constant 1 : i32
    %dma_start3A_1426 = arith.constant 0 : i32
    %dma_start3A_1427 = tpu.memref_slice %arg16[%dma_start3A_1425, %dma_start3A_1426] : memref<4x128xf32, #tpu.memory_space<vmem>> -> memref<1x128xf32, #tpu.memory_space<vmem>>
    %dma_start3A_1428 = tpu.memref_squeeze %dma_start3A_1427 : memref<1x128xf32, #tpu.memory_space<vmem>> -> memref<128xf32, #tpu.memory_space<vmem>>
    %dma_start3A_1429 = arith.constant 0 : i32
    %dma_start3A_1430 = tpu.memref_slice %arg10[%dma_start3A_1424, %dma_start3A_1429] : memref<4x128xi32, #tpu.memory_space<vmem>> -> memref<1x128xi32, #tpu.memory_space<vmem>>
    %dma_start3A_1431 = tpu.memref_squeeze %dma_start3A_1430 : memref<1x128xi32, #tpu.memory_space<vmem>> -> memref<128xi32, #tpu.memory_space<vmem>>
    %dma_start3A_1432 = arith.constant 0 : i32
    %dma_start3A_1433 = tpu.memref_slice %arg5[%dma_start3A_1432] : memref<1048576xf32, #tpu.memory_space<hbm>> -> memref<1048576xf32, #tpu.memory_space<hbm>>
    tpu.enqueue_indirect_dma source(%dma_start3A_1433 : memref<1048576xf32, #tpu.memory_space<hbm>>) target(%dma_start3A_1428 : memref<128xf32, #tpu.memory_space<vmem>>) offsets(%dma_start3A_1431 : memref<128xi32, #tpu.memory_space<vmem>>) semaphore(%arg21 : memref<!tpu.dma_semaphore, #tpu.memory_space<semaphore_mem>>)
    %dma_start3A_1434 = arith.constant 1 : i32
    %dma_start3A_1435 = arith.constant 1 : i32
    %dma_start3A_1436 = arith.constant 0 : i32
    %dma_start3A_1437 = tpu.memref_slice %arg17[%dma_start3A_1435, %dma_start3A_1436] : memref<4x128xf32, #tpu.memory_space<vmem>> -> memref<1x128xf32, #tpu.memory_space<vmem>>
    %dma_start3A_1438 = tpu.memref_squeeze %dma_start3A_1437 : memref<1x128xf32, #tpu.memory_space<vmem>> -> memref<128xf32, #tpu.memory_space<vmem>>
    %dma_start3A_1439 = arith.constant 0 : i32
    %dma_start3A_1440 = tpu.memref_slice %arg11[%dma_start3A_1434, %dma_start3A_1439] : memref<4x128xi32, #tpu.memory_space<vmem>> -> memref<1x128xi32, #tpu.memory_space<vmem>>
    %dma_start3A_1441 = tpu.memref_squeeze %dma_start3A_1440 : memref<1x128xi32, #tpu.memory_space<vmem>> -> memref<128xi32, #tpu.memory_space<vmem>>
    %dma_start3A_1442 = arith.constant 0 : i32
    %dma_start3A_1443 = tpu.memref_slice %arg7[%dma_start3A_1442] : memref<1048576xf32, #tpu.memory_space<hbm>> -> memref<1048576xf32, #tpu.memory_space<hbm>>
    tpu.enqueue_indirect_dma source(%dma_start3A_1443 : memref<1048576xf32, #tpu.memory_space<hbm>>) target(%dma_start3A_1438 : memref<128xf32, #tpu.memory_space<vmem>>) offsets(%dma_start3A_1441 : memref<128xi32, #tpu.memory_space<vmem>>) semaphore(%arg21 : memref<!tpu.dma_semaphore, #tpu.memory_space<semaphore_mem>>)
    %dma_start3A_1444 = arith.constant 2 : i32
    %dma_start3A_1445 = arith.constant 2 : i32
    %dma_start3A_1446 = arith.constant 0 : i32
    %dma_start3A_1447 = tpu.memref_slice %arg16[%dma_start3A_1445, %dma_start3A_1446] : memref<4x128xf32, #tpu.memory_space<vmem>> -> memref<1x128xf32, #tpu.memory_space<vmem>>
    %dma_start3A_1448 = tpu.memref_squeeze %dma_start3A_1447 : memref<1x128xf32, #tpu.memory_space<vmem>> -> memref<128xf32, #tpu.memory_space<vmem>>
    %dma_start3A_1449 = arith.constant 0 : i32
    %dma_start3A_1450 = tpu.memref_slice %arg10[%dma_start3A_1444, %dma_start3A_1449] : memref<4x128xi32, #tpu.memory_space<vmem>> -> memref<1x128xi32, #tpu.memory_space<vmem>>
    %dma_start3A_1451 = tpu.memref_squeeze %dma_start3A_1450 : memref<1x128xi32, #tpu.memory_space<vmem>> -> memref<128xi32, #tpu.memory_space<vmem>>
    %dma_start3A_1452 = arith.constant 0 : i32
    %dma_start3A_1453 = tpu.memref_slice %arg5[%dma_start3A_1452] : memref<1048576xf32, #tpu.memory_space<hbm>> -> memref<1048576xf32, #tpu.memory_space<hbm>>
    tpu.enqueue_indirect_dma source(%dma_start3A_1453 : memref<1048576xf32, #tpu.memory_space<hbm>>) target(%dma_start3A_1448 : memref<128xf32, #tpu.memory_space<vmem>>) offsets(%dma_start3A_1451 : memref<128xi32, #tpu.memory_space<vmem>>) semaphore(%arg21 : memref<!tpu.dma_semaphore, #tpu.memory_space<semaphore_mem>>)
    %dma_start3A_1454 = arith.constant 2 : i32
    %dma_start3A_1455 = arith.constant 2 : i32
    %dma_start3A_1456 = arith.constant 0 : i32
    %dma_start3A_1457 = tpu.memref_slice %arg17[%dma_start3A_1455, %dma_start3A_1456] : memref<4x128xf32, #tpu.memory_space<vmem>> -> memref<1x128xf32, #tpu.memory_space<vmem>>
    %dma_start3A_1458 = tpu.memref_squeeze %dma_start3A_1457 : memref<1x128xf32, #tpu.memory_space<vmem>> -> memref<128xf32, #tpu.memory_space<vmem>>
    %dma_start3A_1459 = arith.constant 0 : i32
    %dma_start3A_1460 = tpu.memref_slice %arg11[%dma_start3A_1454, %dma_start3A_1459] : memref<4x128xi32, #tpu.memory_space<vmem>> -> memref<1x128xi32, #tpu.memory_space<vmem>>
    %dma_start3A_1461 = tpu.memref_squeeze %dma_start3A_1460 : memref<1x128xi32, #tpu.memory_space<vmem>> -> memref<128xi32, #tpu.memory_space<vmem>>
    %dma_start3A_1462 = arith.constant 0 : i32
    %dma_start3A_1463 = tpu.memref_slice %arg7[%dma_start3A_1462] : memref<1048576xf32, #tpu.memory_space<hbm>> -> memref<1048576xf32, #tpu.memory_space<hbm>>
    tpu.enqueue_indirect_dma source(%dma_start3A_1463 : memref<1048576xf32, #tpu.memory_space<hbm>>) target(%dma_start3A_1458 : memref<128xf32, #tpu.memory_space<vmem>>) offsets(%dma_start3A_1461 : memref<128xi32, #tpu.memory_space<vmem>>) semaphore(%arg21 : memref<!tpu.dma_semaphore, #tpu.memory_space<semaphore_mem>>)
    %dma_start3A_1464 = arith.constant 3 : i32
    %dma_start3A_1465 = arith.constant 3 : i32
    %dma_start3A_1466 = arith.constant 0 : i32
    %dma_start3A_1467 = tpu.memref_slice %arg16[%dma_start3A_1465, %dma_start3A_1466] : memref<4x128xf32, #tpu.memory_space<vmem>> -> memref<1x128xf32, #tpu.memory_space<vmem>>
    %dma_start3A_1468 = tpu.memref_squeeze %dma_start3A_1467 : memref<1x128xf32, #tpu.memory_space<vmem>> -> memref<128xf32, #tpu.memory_space<vmem>>
    %dma_start3A_1469 = arith.constant 0 : i32
    %dma_start3A_1470 = tpu.memref_slice %arg10[%dma_start3A_1464, %dma_start3A_1469] : memref<4x128xi32, #tpu.memory_space<vmem>> -> memref<1x128xi32, #tpu.memory_space<vmem>>
    %dma_start3A_1471 = tpu.memref_squeeze %dma_start3A_1470 : memref<1x128xi32, #tpu.memory_space<vmem>> -> memref<128xi32, #tpu.memory_space<vmem>>
    %dma_start3A_1472 = arith.constant 0 : i32
    %dma_start3A_1473 = tpu.memref_slice %arg5[%dma_start3A_1472] : memref<1048576xf32, #tpu.memory_space<hbm>> -> memref<1048576xf32, #tpu.memory_space<hbm>>
    tpu.enqueue_indirect_dma source(%dma_start3A_1473 : memref<1048576xf32, #tpu.memory_space<hbm>>) target(%dma_start3A_1468 : memref<128xf32, #tpu.memory_space<vmem>>) offsets(%dma_start3A_1471 : memref<128xi32, #tpu.memory_space<vmem>>) semaphore(%arg21 : memref<!tpu.dma_semaphore, #tpu.memory_space<semaphore_mem>>)
    %dma_start3A_1474 = arith.constant 3 : i32
    %dma_start3A_1475 = arith.constant 3 : i32
    %dma_start3A_1476 = arith.constant 0 : i32
    %dma_start3A_1477 = tpu.memref_slice %arg17[%dma_start3A_1475, %dma_start3A_1476] : memref<4x128xf32, #tpu.memory_space<vmem>> -> memref<1x128xf32, #tpu.memory_space<vmem>>
    %dma_start3A_1478 = tpu.memref_squeeze %dma_start3A_1477 : memref<1x128xf32, #tpu.memory_space<vmem>> -> memref<128xf32, #tpu.memory_space<vmem>>
    %dma_start3A_1479 = arith.constant 0 : i32
    %dma_start3A_1480 = tpu.memref_slice %arg11[%dma_start3A_1474, %dma_start3A_1479] : memref<4x128xi32, #tpu.memory_space<vmem>> -> memref<1x128xi32, #tpu.memory_space<vmem>>
    %dma_start3A_1481 = tpu.memref_squeeze %dma_start3A_1480 : memref<1x128xi32, #tpu.memory_space<vmem>> -> memref<128xi32, #tpu.memory_space<vmem>>
    %dma_start3A_1482 = arith.constant 0 : i32
    %dma_start3A_1483 = tpu.memref_slice %arg7[%dma_start3A_1482] : memref<1048576xf32, #tpu.memory_space<hbm>> -> memref<1048576xf32, #tpu.memory_space<hbm>>
    tpu.enqueue_indirect_dma source(%dma_start3A_1483 : memref<1048576xf32, #tpu.memory_space<hbm>>) target(%dma_start3A_1478 : memref<128xf32, #tpu.memory_space<vmem>>) offsets(%dma_start3A_1481 : memref<128xi32, #tpu.memory_space<vmem>>) semaphore(%arg21 : memref<!tpu.dma_semaphore, #tpu.memory_space<semaphore_mem>>)
    %dma_start3A_1484 = arith.constant 0 : i32
    %dma_start3A_1485 = arith.constant 0 : i32
    %dma_start3A_1486 = arith.constant 0 : i32
    %dma_start3A_1487 = arith.constant 0 : i32
    %dma_start3A_1488 = tpu.memref_slice %arg14[%dma_start3A_1485, %dma_start3A_1486, %dma_start3A_1487] : memref<2x128x16xf32, #tpu.memory_space<vmem>> -> memref<1x128x16xf32, #tpu.memory_space<vmem>>
    %dma_start3A_1489 = tpu.memref_squeeze %dma_start3A_1488 : memref<1x128x16xf32, #tpu.memory_space<vmem>> -> memref<128x16xf32, #tpu.memory_space<vmem>>
    %dma_start3A_1490 = arith.constant 0 : i32
    %dma_start3A_1491 = tpu.memref_slice %arg12[%dma_start3A_1484, %dma_start3A_1490] : memref<4x128xi32, #tpu.memory_space<vmem>> -> memref<1x128xi32, #tpu.memory_space<vmem>>
    %dma_start3A_1492 = tpu.memref_squeeze %dma_start3A_1491 : memref<1x128xi32, #tpu.memory_space<vmem>> -> memref<128xi32, #tpu.memory_space<vmem>>
    %dma_start3A_1493 = arith.constant 0 : i32
    %dma_start3A_1494 = arith.constant 0 : i32
    %dma_start3A_1495 = tpu.memref_slice %arg4[%dma_start3A_1493, %dma_start3A_1494] : memref<1048576x16xf32, #tpu.memory_space<hbm>> -> memref<1048576x16xf32, #tpu.memory_space<hbm>>
    tpu.enqueue_indirect_dma source(%dma_start3A_1495 : memref<1048576x16xf32, #tpu.memory_space<hbm>>) target(%dma_start3A_1489 : memref<128x16xf32, #tpu.memory_space<vmem>>) offsets(%dma_start3A_1492 : memref<128xi32, #tpu.memory_space<vmem>>) semaphore(%arg20 : memref<!tpu.dma_semaphore, #tpu.memory_space<semaphore_mem>>)
    %dma_start3A_1496 = arith.constant 0 : i32
    %dma_start3A_1497 = arith.constant 0 : i32
    %dma_start3A_1498 = arith.constant 0 : i32
    %dma_start3A_1499 = arith.constant 0 : i32
    %dma_start3A_1500 = tpu.memref_slice %arg15[%dma_start3A_1497, %dma_start3A_1498, %dma_start3A_1499] : memref<2x128x16xf32, #tpu.memory_space<vmem>> -> memref<1x128x16xf32, #tpu.memory_space<vmem>>
    %dma_start3A_1501 = tpu.memref_squeeze %dma_start3A_1500 : memref<1x128x16xf32, #tpu.memory_space<vmem>> -> memref<128x16xf32, #tpu.memory_space<vmem>>
    %dma_start3A_1502 = arith.constant 0 : i32
    %dma_start3A_1503 = tpu.memref_slice %arg13[%dma_start3A_1496, %dma_start3A_1502] : memref<4x128xi32, #tpu.memory_space<vmem>> -> memref<1x128xi32, #tpu.memory_space<vmem>>
    %dma_start3A_1504 = tpu.memref_squeeze %dma_start3A_1503 : memref<1x128xi32, #tpu.memory_space<vmem>> -> memref<128xi32, #tpu.memory_space<vmem>>
    %dma_start3A_1505 = arith.constant 0 : i32
    %dma_start3A_1506 = arith.constant 0 : i32
    %dma_start3A_1507 = tpu.memref_slice %arg6[%dma_start3A_1505, %dma_start3A_1506] : memref<1048576x16xf32, #tpu.memory_space<hbm>> -> memref<1048576x16xf32, #tpu.memory_space<hbm>>
    tpu.enqueue_indirect_dma source(%dma_start3A_1507 : memref<1048576x16xf32, #tpu.memory_space<hbm>>) target(%dma_start3A_1501 : memref<128x16xf32, #tpu.memory_space<vmem>>) offsets(%dma_start3A_1504 : memref<128xi32, #tpu.memory_space<vmem>>) semaphore(%arg20 : memref<!tpu.dma_semaphore, #tpu.memory_space<semaphore_mem>>)
    %broadcast_in_dim3A = arith.constant 0.000000e+00 : f32
    %broadcast_in_dim3A_1508 = vector.broadcast %broadcast_in_dim3A : f32 to vector<16xf32>
    %dma_wait3A = arith.constant 0 : i32
    %dma_wait3A_1509 = arith.constant 0 : i32
    %dma_wait3A_1510 = arith.constant 0 : i32
    %dma_wait3A_1511 = arith.constant 0 : i32
    %dma_wait3A_1512 = tpu.memref_slice %arg14[%dma_wait3A_1509, %dma_wait3A_1510, %dma_wait3A_1511] : memref<2x128x16xf32, #tpu.memory_space<vmem>> -> memref<1x128x16xf32, #tpu.memory_space<vmem>>
    %dma_wait3A_1513 = tpu.memref_squeeze %dma_wait3A_1512 : memref<1x128x16xf32, #tpu.memory_space<vmem>> -> memref<128x16xf32, #tpu.memory_space<vmem>>
    %dma_wait3A_1514 = arith.constant 0 : i32
    %dma_wait3A_1515 = tpu.memref_slice %arg12[%dma_wait3A, %dma_wait3A_1514] : memref<4x128xi32, #tpu.memory_space<vmem>> -> memref<1x128xi32, #tpu.memory_space<vmem>>
    %dma_wait3A_1516 = tpu.memref_squeeze %dma_wait3A_1515 : memref<1x128xi32, #tpu.memory_space<vmem>> -> memref<128xi32, #tpu.memory_space<vmem>>
    %dma_wait3A_1517 = arith.constant 0 : i32
    %dma_wait3A_1518 = arith.constant 0 : i32
    %dma_wait3A_1519 = tpu.memref_slice %arg4[%dma_wait3A_1517, %dma_wait3A_1518] : memref<1048576x16xf32, #tpu.memory_space<hbm>> -> memref<1048576x16xf32, #tpu.memory_space<hbm>>
    tpu.wait_indirect_dma semaphore(%arg20 : memref<!tpu.dma_semaphore, #tpu.memory_space<semaphore_mem>>) src(%dma_wait3A_1519 : memref<1048576x16xf32, #tpu.memory_space<hbm>>) dst(%dma_wait3A_1513 : memref<128x16xf32, #tpu.memory_space<vmem>>)
    %dma_wait3A_1520 = arith.constant 0 : i32
    %dma_wait3A_1521 = arith.constant 0 : i32
    %dma_wait3A_1522 = arith.constant 0 : i32
    %dma_wait3A_1523 = arith.constant 0 : i32
    %dma_wait3A_1524 = tpu.memref_slice %arg15[%dma_wait3A_1521, %dma_wait3A_1522, %dma_wait3A_1523] : memref<2x128x16xf32, #tpu.memory_space<vmem>> -> memref<1x128x16xf32, #tpu.memory_space<vmem>>
    %dma_wait3A_1525 = tpu.memref_squeeze %dma_wait3A_1524 : memref<1x128x16xf32, #tpu.memory_space<vmem>> -> memref<128x16xf32, #tpu.memory_space<vmem>>
    %dma_wait3A_1526 = arith.constant 0 : i32
    %dma_wait3A_1527 = tpu.memref_slice %arg13[%dma_wait3A_1520, %dma_wait3A_1526] : memref<4x128xi32, #tpu.memory_space<vmem>> -> memref<1x128xi32, #tpu.memory_space<vmem>>
    %dma_wait3A_1528 = tpu.memref_squeeze %dma_wait3A_1527 : memref<1x128xi32, #tpu.memory_space<vmem>> -> memref<128xi32, #tpu.memory_space<vmem>>
    %dma_wait3A_1529 = arith.constant 0 : i32
    %dma_wait3A_1530 = arith.constant 0 : i32
    %dma_wait3A_1531 = tpu.memref_slice %arg6[%dma_wait3A_1529, %dma_wait3A_1530] : memref<1048576x16xf32, #tpu.memory_space<hbm>> -> memref<1048576x16xf32, #tpu.memory_space<hbm>>
    tpu.wait_indirect_dma semaphore(%arg20 : memref<!tpu.dma_semaphore, #tpu.memory_space<semaphore_mem>>) src(%dma_wait3A_1531 : memref<1048576x16xf32, #tpu.memory_space<hbm>>) dst(%dma_wait3A_1525 : memref<128x16xf32, #tpu.memory_space<vmem>>)
    %dma_start3A_1532 = arith.constant 1 : i32
    %dma_start3A_1533 = arith.constant 1 : i32
    %dma_start3A_1534 = arith.constant 0 : i32
    %dma_start3A_1535 = arith.constant 0 : i32
    %dma_start3A_1536 = tpu.memref_slice %arg14[%dma_start3A_1533, %dma_start3A_1534, %dma_start3A_1535] : memref<2x128x16xf32, #tpu.memory_space<vmem>> -> memref<1x128x16xf32, #tpu.memory_space<vmem>>
    %dma_start3A_1537 = tpu.memref_squeeze %dma_start3A_1536 : memref<1x128x16xf32, #tpu.memory_space<vmem>> -> memref<128x16xf32, #tpu.memory_space<vmem>>
    %dma_start3A_1538 = arith.constant 0 : i32
    %dma_start3A_1539 = tpu.memref_slice %arg12[%dma_start3A_1532, %dma_start3A_1538] : memref<4x128xi32, #tpu.memory_space<vmem>> -> memref<1x128xi32, #tpu.memory_space<vmem>>
    %dma_start3A_1540 = tpu.memref_squeeze %dma_start3A_1539 : memref<1x128xi32, #tpu.memory_space<vmem>> -> memref<128xi32, #tpu.memory_space<vmem>>
    %dma_start3A_1541 = arith.constant 0 : i32
    %dma_start3A_1542 = arith.constant 0 : i32
    %dma_start3A_1543 = tpu.memref_slice %arg4[%dma_start3A_1541, %dma_start3A_1542] : memref<1048576x16xf32, #tpu.memory_space<hbm>> -> memref<1048576x16xf32, #tpu.memory_space<hbm>>
    tpu.enqueue_indirect_dma source(%dma_start3A_1543 : memref<1048576x16xf32, #tpu.memory_space<hbm>>) target(%dma_start3A_1537 : memref<128x16xf32, #tpu.memory_space<vmem>>) offsets(%dma_start3A_1540 : memref<128xi32, #tpu.memory_space<vmem>>) semaphore(%arg20 : memref<!tpu.dma_semaphore, #tpu.memory_space<semaphore_mem>>)
    %dma_start3A_1544 = arith.constant 1 : i32
    %dma_start3A_1545 = arith.constant 1 : i32
    %dma_start3A_1546 = arith.constant 0 : i32
    %dma_start3A_1547 = arith.constant 0 : i32
    %dma_start3A_1548 = tpu.memref_slice %arg15[%dma_start3A_1545, %dma_start3A_1546, %dma_start3A_1547] : memref<2x128x16xf32, #tpu.memory_space<vmem>> -> memref<1x128x16xf32, #tpu.memory_space<vmem>>
    %dma_start3A_1549 = tpu.memref_squeeze %dma_start3A_1548 : memref<1x128x16xf32, #tpu.memory_space<vmem>> -> memref<128x16xf32, #tpu.memory_space<vmem>>
    %dma_start3A_1550 = arith.constant 0 : i32
    %dma_start3A_1551 = tpu.memref_slice %arg13[%dma_start3A_1544, %dma_start3A_1550] : memref<4x128xi32, #tpu.memory_space<vmem>> -> memref<1x128xi32, #tpu.memory_space<vmem>>
    %dma_start3A_1552 = tpu.memref_squeeze %dma_start3A_1551 : memref<1x128xi32, #tpu.memory_space<vmem>> -> memref<128xi32, #tpu.memory_space<vmem>>
    %dma_start3A_1553 = arith.constant 0 : i32
    %dma_start3A_1554 = arith.constant 0 : i32
    %dma_start3A_1555 = tpu.memref_slice %arg6[%dma_start3A_1553, %dma_start3A_1554] : memref<1048576x16xf32, #tpu.memory_space<hbm>> -> memref<1048576x16xf32, #tpu.memory_space<hbm>>
    tpu.enqueue_indirect_dma source(%dma_start3A_1555 : memref<1048576x16xf32, #tpu.memory_space<hbm>>) target(%dma_start3A_1549 : memref<128x16xf32, #tpu.memory_space<vmem>>) offsets(%dma_start3A_1552 : memref<128xi32, #tpu.memory_space<vmem>>) semaphore(%arg20 : memref<!tpu.dma_semaphore, #tpu.memory_space<semaphore_mem>>)
    %scan3A = arith.constant 0 : i32
    %scan3A_1556 = arith.constant 128 : i32
    %scan3A_1557 = arith.addi %scan3A, %scan3A_1556 : i32
    %scan3A_1558 = arith.constant 1 : i32
    %scan3A_1559 = scf.for %scan3A_2197 = %scan3A to %scan3A_1557 step %scan3A_1558 iter_args(%scan3A_2198 = %broadcast_in_dim3A_1508) -> (vector<16xf32>)  : i32 {
      %get3A_2199 = arith.constant 0 : i32
      %get3A_2200 = arith.index_cast %get3A_2199 : i32 to index
      %get3A_2201 = arith.index_cast %scan3A_2197 : i32 to index
      %get3A_2202 = arith.constant 0 : index
      %get3A_2203 = tpu.vector_load %arg14[%get3A_2200, %get3A_2201, %get3A_2202] {strides = array<i32>} : memref<2x128x16xf32, #tpu.memory_space<vmem>>, vector<16xf32>,
      %get3A_2204 = arith.constant 0 : i32
      %get3A_2205 = arith.index_cast %get3A_2204 : i32 to index
      %get3A_2206 = arith.index_cast %scan3A_2197 : i32 to index
      %get3A_2207 = arith.constant 0 : index
      %get3A_2208 = tpu.vector_load %arg15[%get3A_2205, %get3A_2206, %get3A_2207] {strides = array<i32>} : memref<2x128x16xf32, #tpu.memory_space<vmem>>, vector<16xf32>,
      %mul3A_2209 = arith.mulf %get3A_2203, %get3A_2208 : vector<16xf32>
      %add3A_2210 = arith.addf %scan3A_2198, %mul3A_2209 : vector<16xf32>
      scf.yield %add3A_2210 : vector<16xf32>
    }
    %scan3A_1560 = arith.constant 128 : i32
    %dma_wait3A_1561 = arith.constant 1 : i32
    %dma_wait3A_1562 = arith.constant 1 : i32
    %dma_wait3A_1563 = arith.constant 0 : i32
    %dma_wait3A_1564 = arith.constant 0 : i32
    %dma_wait3A_1565 = tpu.memref_slice %arg14[%dma_wait3A_1562, %dma_wait3A_1563, %dma_wait3A_1564] : memref<2x128x16xf32, #tpu.memory_space<vmem>> -> memref<1x128x16xf32, #tpu.memory_space<vmem>>
    %dma_wait3A_1566 = tpu.memref_squeeze %dma_wait3A_1565 : memref<1x128x16xf32, #tpu.memory_space<vmem>> -> memref<128x16xf32, #tpu.memory_space<vmem>>
    %dma_wait3A_1567 = arith.constant 0 : i32
    %dma_wait3A_1568 = tpu.memref_slice %arg12[%dma_wait3A_1561, %dma_wait3A_1567] : memref<4x128xi32, #tpu.memory_space<vmem>> -> memref<1x128xi32, #tpu.memory_space<vmem>>
    %dma_wait3A_1569 = tpu.memref_squeeze %dma_wait3A_1568 : memref<1x128xi32, #tpu.memory_space<vmem>> -> memref<128xi32, #tpu.memory_space<vmem>>
    %dma_wait3A_1570 = arith.constant 0 : i32
    %dma_wait3A_1571 = arith.constant 0 : i32
    %dma_wait3A_1572 = tpu.memref_slice %arg4[%dma_wait3A_1570, %dma_wait3A_1571] : memref<1048576x16xf32, #tpu.memory_space<hbm>> -> memref<1048576x16xf32, #tpu.memory_space<hbm>>
    tpu.wait_indirect_dma semaphore(%arg20 : memref<!tpu.dma_semaphore, #tpu.memory_space<semaphore_mem>>) src(%dma_wait3A_1572 : memref<1048576x16xf32, #tpu.memory_space<hbm>>) dst(%dma_wait3A_1566 : memref<128x16xf32, #tpu.memory_space<vmem>>)
    %dma_wait3A_1573 = arith.constant 1 : i32
    %dma_wait3A_1574 = arith.constant 1 : i32
    %dma_wait3A_1575 = arith.constant 0 : i32
    %dma_wait3A_1576 = arith.constant 0 : i32
    %dma_wait3A_1577 = tpu.memref_slice %arg15[%dma_wait3A_1574, %dma_wait3A_1575, %dma_wait3A_1576] : memref<2x128x16xf32, #tpu.memory_space<vmem>> -> memref<1x128x16xf32, #tpu.memory_space<vmem>>
    %dma_wait3A_1578 = tpu.memref_squeeze %dma_wait3A_1577 : memref<1x128x16xf32, #tpu.memory_space<vmem>> -> memref<128x16xf32, #tpu.memory_space<vmem>>
    %dma_wait3A_1579 = arith.constant 0 : i32
    %dma_wait3A_1580 = tpu.memref_slice %arg13[%dma_wait3A_1573, %dma_wait3A_1579] : memref<4x128xi32, #tpu.memory_space<vmem>> -> memref<1x128xi32, #tpu.memory_space<vmem>>
    %dma_wait3A_1581 = tpu.memref_squeeze %dma_wait3A_1580 : memref<1x128xi32, #tpu.memory_space<vmem>> -> memref<128xi32, #tpu.memory_space<vmem>>
    %dma_wait3A_1582 = arith.constant 0 : i32
    %dma_wait3A_1583 = arith.constant 0 : i32
    %dma_wait3A_1584 = tpu.memref_slice %arg6[%dma_wait3A_1582, %dma_wait3A_1583] : memref<1048576x16xf32, #tpu.memory_space<hbm>> -> memref<1048576x16xf32, #tpu.memory_space<hbm>>
    tpu.wait_indirect_dma semaphore(%arg20 : memref<!tpu.dma_semaphore, #tpu.memory_space<semaphore_mem>>) src(%dma_wait3A_1584 : memref<1048576x16xf32, #tpu.memory_space<hbm>>) dst(%dma_wait3A_1578 : memref<128x16xf32, #tpu.memory_space<vmem>>)
    %dma_start3A_1585 = arith.constant 2 : i32
    %dma_start3A_1586 = arith.constant 0 : i32
    %dma_start3A_1587 = arith.constant 0 : i32
    %dma_start3A_1588 = arith.constant 0 : i32
    %dma_start3A_1589 = tpu.memref_slice %arg14[%dma_start3A_1586, %dma_start3A_1587, %dma_start3A_1588] : memref<2x128x16xf32, #tpu.memory_space<vmem>> -> memref<1x128x16xf32, #tpu.memory_space<vmem>>
    %dma_start3A_1590 = tpu.memref_squeeze %dma_start3A_1589 : memref<1x128x16xf32, #tpu.memory_space<vmem>> -> memref<128x16xf32, #tpu.memory_space<vmem>>
    %dma_start3A_1591 = arith.constant 0 : i32
    %dma_start3A_1592 = tpu.memref_slice %arg12[%dma_start3A_1585, %dma_start3A_1591] : memref<4x128xi32, #tpu.memory_space<vmem>> -> memref<1x128xi32, #tpu.memory_space<vmem>>
    %dma_start3A_1593 = tpu.memref_squeeze %dma_start3A_1592 : memref<1x128xi32, #tpu.memory_space<vmem>> -> memref<128xi32, #tpu.memory_space<vmem>>
    %dma_start3A_1594 = arith.constant 0 : i32
    %dma_start3A_1595 = arith.constant 0 : i32
    %dma_start3A_1596 = tpu.memref_slice %arg4[%dma_start3A_1594, %dma_start3A_1595] : memref<1048576x16xf32, #tpu.memory_space<hbm>> -> memref<1048576x16xf32, #tpu.memory_space<hbm>>
    tpu.enqueue_indirect_dma source(%dma_start3A_1596 : memref<1048576x16xf32, #tpu.memory_space<hbm>>) target(%dma_start3A_1590 : memref<128x16xf32, #tpu.memory_space<vmem>>) offsets(%dma_start3A_1593 : memref<128xi32, #tpu.memory_space<vmem>>) semaphore(%arg20 : memref<!tpu.dma_semaphore, #tpu.memory_space<semaphore_mem>>)
    %dma_start3A_1597 = arith.constant 2 : i32
    %dma_start3A_1598 = arith.constant 0 : i32
    %dma_start3A_1599 = arith.constant 0 : i32
    %dma_start3A_1600 = arith.constant 0 : i32
    %dma_start3A_1601 = tpu.memref_slice %arg15[%dma_start3A_1598, %dma_start3A_1599, %dma_start3A_1600] : memref<2x128x16xf32, #tpu.memory_space<vmem>> -> memref<1x128x16xf32, #tpu.memory_space<vmem>>
    %dma_start3A_1602 = tpu.memref_squeeze %dma_start3A_1601 : memref<1x128x16xf32, #tpu.memory_space<vmem>> -> memref<128x16xf32, #tpu.memory_space<vmem>>
    %dma_start3A_1603 = arith.constant 0 : i32
    %dma_start3A_1604 = tpu.memref_slice %arg13[%dma_start3A_1597, %dma_start3A_1603] : memref<4x128xi32, #tpu.memory_space<vmem>> -> memref<1x128xi32, #tpu.memory_space<vmem>>
    %dma_start3A_1605 = tpu.memref_squeeze %dma_start3A_1604 : memref<1x128xi32, #tpu.memory_space<vmem>> -> memref<128xi32, #tpu.memory_space<vmem>>
    %dma_start3A_1606 = arith.constant 0 : i32
    %dma_start3A_1607 = arith.constant 0 : i32
    %dma_start3A_1608 = tpu.memref_slice %arg6[%dma_start3A_1606, %dma_start3A_1607] : memref<1048576x16xf32, #tpu.memory_space<hbm>> -> memref<1048576x16xf32, #tpu.memory_space<hbm>>
    tpu.enqueue_indirect_dma source(%dma_start3A_1608 : memref<1048576x16xf32, #tpu.memory_space<hbm>>) target(%dma_start3A_1602 : memref<128x16xf32, #tpu.memory_space<vmem>>) offsets(%dma_start3A_1605 : memref<128xi32, #tpu.memory_space<vmem>>) semaphore(%arg20 : memref<!tpu.dma_semaphore, #tpu.memory_space<semaphore_mem>>)
    %scan3A_1609 = arith.constant 0 : i32
    %scan3A_1610 = arith.constant 128 : i32
    %scan3A_1611 = arith.addi %scan3A_1609, %scan3A_1610 : i32
    %scan3A_1612 = arith.constant 1 : i32
    %scan3A_1613 = scf.for %scan3A_2197 = %scan3A_1609 to %scan3A_1611 step %scan3A_1612 iter_args(%scan3A_2198 = %scan3A_1559) -> (vector<16xf32>)  : i32 {
      %get3A_2199 = arith.constant 1 : i32
      %get3A_2200 = arith.index_cast %get3A_2199 : i32 to index
      %get3A_2201 = arith.index_cast %scan3A_2197 : i32 to index
      %get3A_2202 = arith.constant 0 : index
      %get3A_2203 = tpu.vector_load %arg14[%get3A_2200, %get3A_2201, %get3A_2202] {strides = array<i32>} : memref<2x128x16xf32, #tpu.memory_space<vmem>>, vector<16xf32>,
      %get3A_2204 = arith.constant 1 : i32
      %get3A_2205 = arith.index_cast %get3A_2204 : i32 to index
      %get3A_2206 = arith.index_cast %scan3A_2197 : i32 to index
      %get3A_2207 = arith.constant 0 : index
      %get3A_2208 = tpu.vector_load %arg15[%get3A_2205, %get3A_2206, %get3A_2207] {strides = array<i32>} : memref<2x128x16xf32, #tpu.memory_space<vmem>>, vector<16xf32>,
      %mul3A_2209 = arith.mulf %get3A_2203, %get3A_2208 : vector<16xf32>
      %add3A_2210 = arith.addf %scan3A_2198, %mul3A_2209 : vector<16xf32>
      scf.yield %add3A_2210 : vector<16xf32>
    }
    %scan3A_1614 = arith.constant 128 : i32
    %dma_wait3A_1615 = arith.constant 2 : i32
    %dma_wait3A_1616 = arith.constant 0 : i32
    %dma_wait3A_1617 = arith.constant 0 : i32
    %dma_wait3A_1618 = arith.constant 0 : i32
    %dma_wait3A_1619 = tpu.memref_slice %arg14[%dma_wait3A_1616, %dma_wait3A_1617, %dma_wait3A_1618] : memref<2x128x16xf32, #tpu.memory_space<vmem>> -> memref<1x128x16xf32, #tpu.memory_space<vmem>>
    %dma_wait3A_1620 = tpu.memref_squeeze %dma_wait3A_1619 : memref<1x128x16xf32, #tpu.memory_space<vmem>> -> memref<128x16xf32, #tpu.memory_space<vmem>>
    %dma_wait3A_1621 = arith.constant 0 : i32
    %dma_wait3A_1622 = tpu.memref_slice %arg12[%dma_wait3A_1615, %dma_wait3A_1621] : memref<4x128xi32, #tpu.memory_space<vmem>> -> memref<1x128xi32, #tpu.memory_space<vmem>>
    %dma_wait3A_1623 = tpu.memref_squeeze %dma_wait3A_1622 : memref<1x128xi32, #tpu.memory_space<vmem>> -> memref<128xi32, #tpu.memory_space<vmem>>
    %dma_wait3A_1624 = arith.constant 0 : i32
    %dma_wait3A_1625 = arith.constant 0 : i32
    %dma_wait3A_1626 = tpu.memref_slice %arg4[%dma_wait3A_1624, %dma_wait3A_1625] : memref<1048576x16xf32, #tpu.memory_space<hbm>> -> memref<1048576x16xf32, #tpu.memory_space<hbm>>
    tpu.wait_indirect_dma semaphore(%arg20 : memref<!tpu.dma_semaphore, #tpu.memory_space<semaphore_mem>>) src(%dma_wait3A_1626 : memref<1048576x16xf32, #tpu.memory_space<hbm>>) dst(%dma_wait3A_1620 : memref<128x16xf32, #tpu.memory_space<vmem>>)
    %dma_wait3A_1627 = arith.constant 2 : i32
    %dma_wait3A_1628 = arith.constant 0 : i32
    %dma_wait3A_1629 = arith.constant 0 : i32
    %dma_wait3A_1630 = arith.constant 0 : i32
    %dma_wait3A_1631 = tpu.memref_slice %arg15[%dma_wait3A_1628, %dma_wait3A_1629, %dma_wait3A_1630] : memref<2x128x16xf32, #tpu.memory_space<vmem>> -> memref<1x128x16xf32, #tpu.memory_space<vmem>>
    %dma_wait3A_1632 = tpu.memref_squeeze %dma_wait3A_1631 : memref<1x128x16xf32, #tpu.memory_space<vmem>> -> memref<128x16xf32, #tpu.memory_space<vmem>>
    %dma_wait3A_1633 = arith.constant 0 : i32
    %dma_wait3A_1634 = tpu.memref_slice %arg13[%dma_wait3A_1627, %dma_wait3A_1633] : memref<4x128xi32, #tpu.memory_space<vmem>> -> memref<1x128xi32, #tpu.memory_space<vmem>>
    %dma_wait3A_1635 = tpu.memref_squeeze %dma_wait3A_1634 : memref<1x128xi32, #tpu.memory_space<vmem>> -> memref<128xi32, #tpu.memory_space<vmem>>
    %dma_wait3A_1636 = arith.constant 0 : i32
    %dma_wait3A_1637 = arith.constant 0 : i32
    %dma_wait3A_1638 = tpu.memref_slice %arg6[%dma_wait3A_1636, %dma_wait3A_1637] : memref<1048576x16xf32, #tpu.memory_space<hbm>> -> memref<1048576x16xf32, #tpu.memory_space<hbm>>
    tpu.wait_indirect_dma semaphore(%arg20 : memref<!tpu.dma_semaphore, #tpu.memory_space<semaphore_mem>>) src(%dma_wait3A_1638 : memref<1048576x16xf32, #tpu.memory_space<hbm>>) dst(%dma_wait3A_1632 : memref<128x16xf32, #tpu.memory_space<vmem>>)
    %dma_start3A_1639 = arith.constant 3 : i32
    %dma_start3A_1640 = arith.constant 1 : i32
    %dma_start3A_1641 = arith.constant 0 : i32
    %dma_start3A_1642 = arith.constant 0 : i32
    %dma_start3A_1643 = tpu.memref_slice %arg14[%dma_start3A_1640, %dma_start3A_1641, %dma_start3A_1642] : memref<2x128x16xf32, #tpu.memory_space<vmem>> -> memref<1x128x16xf32, #tpu.memory_space<vmem>>
    %dma_start3A_1644 = tpu.memref_squeeze %dma_start3A_1643 : memref<1x128x16xf32, #tpu.memory_space<vmem>> -> memref<128x16xf32, #tpu.memory_space<vmem>>
    %dma_start3A_1645 = arith.constant 0 : i32
    %dma_start3A_1646 = tpu.memref_slice %arg12[%dma_start3A_1639, %dma_start3A_1645] : memref<4x128xi32, #tpu.memory_space<vmem>> -> memref<1x128xi32, #tpu.memory_space<vmem>>
    %dma_start3A_1647 = tpu.memref_squeeze %dma_start3A_1646 : memref<1x128xi32, #tpu.memory_space<vmem>> -> memref<128xi32, #tpu.memory_space<vmem>>
    %dma_start3A_1648 = arith.constant 0 : i32
    %dma_start3A_1649 = arith.constant 0 : i32
    %dma_start3A_1650 = tpu.memref_slice %arg4[%dma_start3A_1648, %dma_start3A_1649] : memref<1048576x16xf32, #tpu.memory_space<hbm>> -> memref<1048576x16xf32, #tpu.memory_space<hbm>>
    tpu.enqueue_indirect_dma source(%dma_start3A_1650 : memref<1048576x16xf32, #tpu.memory_space<hbm>>) target(%dma_start3A_1644 : memref<128x16xf32, #tpu.memory_space<vmem>>) offsets(%dma_start3A_1647 : memref<128xi32, #tpu.memory_space<vmem>>) semaphore(%arg20 : memref<!tpu.dma_semaphore, #tpu.memory_space<semaphore_mem>>)
    %dma_start3A_1651 = arith.constant 3 : i32
    %dma_start3A_1652 = arith.constant 1 : i32
    %dma_start3A_1653 = arith.constant 0 : i32
    %dma_start3A_1654 = arith.constant 0 : i32
    %dma_start3A_1655 = tpu.memref_slice %arg15[%dma_start3A_1652, %dma_start3A_1653, %dma_start3A_1654] : memref<2x128x16xf32, #tpu.memory_space<vmem>> -> memref<1x128x16xf32, #tpu.memory_space<vmem>>
    %dma_start3A_1656 = tpu.memref_squeeze %dma_start3A_1655 : memref<1x128x16xf32, #tpu.memory_space<vmem>> -> memref<128x16xf32, #tpu.memory_space<vmem>>
    %dma_start3A_1657 = arith.constant 0 : i32
    %dma_start3A_1658 = tpu.memref_slice %arg13[%dma_start3A_1651, %dma_start3A_1657] : memref<4x128xi32, #tpu.memory_space<vmem>> -> memref<1x128xi32, #tpu.memory_space<vmem>>
    %dma_start3A_1659 = tpu.memref_squeeze %dma_start3A_1658 : memref<1x128xi32, #tpu.memory_space<vmem>> -> memref<128xi32, #tpu.memory_space<vmem>>
    %dma_start3A_1660 = arith.constant 0 : i32
    %dma_start3A_1661 = arith.constant 0 : i32
    %dma_start3A_1662 = tpu.memref_slice %arg6[%dma_start3A_1660, %dma_start3A_1661] : memref<1048576x16xf32, #tpu.memory_space<hbm>> -> memref<1048576x16xf32, #tpu.memory_space<hbm>>
    tpu.enqueue_indirect_dma source(%dma_start3A_1662 : memref<1048576x16xf32, #tpu.memory_space<hbm>>) target(%dma_start3A_1656 : memref<128x16xf32, #tpu.memory_space<vmem>>) offsets(%dma_start3A_1659 : memref<128xi32, #tpu.memory_space<vmem>>) semaphore(%arg20 : memref<!tpu.dma_semaphore, #tpu.memory_space<semaphore_mem>>)
    %scan3A_1663 = arith.constant 0 : i32
    %scan3A_1664 = arith.constant 128 : i32
    %scan3A_1665 = arith.addi %scan3A_1663, %scan3A_1664 : i32
    %scan3A_1666 = arith.constant 1 : i32
    %scan3A_1667 = scf.for %scan3A_2197 = %scan3A_1663 to %scan3A_1665 step %scan3A_1666 iter_args(%scan3A_2198 = %scan3A_1613) -> (vector<16xf32>)  : i32 {
      %get3A_2199 = arith.constant 0 : i32
      %get3A_2200 = arith.index_cast %get3A_2199 : i32 to index
      %get3A_2201 = arith.index_cast %scan3A_2197 : i32 to index
      %get3A_2202 = arith.constant 0 : index
      %get3A_2203 = tpu.vector_load %arg14[%get3A_2200, %get3A_2201, %get3A_2202] {strides = array<i32>} : memref<2x128x16xf32, #tpu.memory_space<vmem>>, vector<16xf32>,
      %get3A_2204 = arith.constant 0 : i32
      %get3A_2205 = arith.index_cast %get3A_2204 : i32 to index
      %get3A_2206 = arith.index_cast %scan3A_2197 : i32 to index
      %get3A_2207 = arith.constant 0 : index
      %get3A_2208 = tpu.vector_load %arg15[%get3A_2205, %get3A_2206, %get3A_2207] {strides = array<i32>} : memref<2x128x16xf32, #tpu.memory_space<vmem>>, vector<16xf32>,
      %mul3A_2209 = arith.mulf %get3A_2203, %get3A_2208 : vector<16xf32>
      %add3A_2210 = arith.addf %scan3A_2198, %mul3A_2209 : vector<16xf32>
      scf.yield %add3A_2210 : vector<16xf32>
    }
    %scan3A_1668 = arith.constant 128 : i32
    %dma_wait3A_1669 = arith.constant 3 : i32
    %dma_wait3A_1670 = arith.constant 1 : i32
    %dma_wait3A_1671 = arith.constant 0 : i32
    %dma_wait3A_1672 = arith.constant 0 : i32
    %dma_wait3A_1673 = tpu.memref_slice %arg14[%dma_wait3A_1670, %dma_wait3A_1671, %dma_wait3A_1672] : memref<2x128x16xf32, #tpu.memory_space<vmem>> -> memref<1x128x16xf32, #tpu.memory_space<vmem>>
    %dma_wait3A_1674 = tpu.memref_squeeze %dma_wait3A_1673 : memref<1x128x16xf32, #tpu.memory_space<vmem>> -> memref<128x16xf32, #tpu.memory_space<vmem>>
    %dma_wait3A_1675 = arith.constant 0 : i32
    %dma_wait3A_1676 = tpu.memref_slice %arg12[%dma_wait3A_1669, %dma_wait3A_1675] : memref<4x128xi32, #tpu.memory_space<vmem>> -> memref<1x128xi32, #tpu.memory_space<vmem>>
    %dma_wait3A_1677 = tpu.memref_squeeze %dma_wait3A_1676 : memref<1x128xi32, #tpu.memory_space<vmem>> -> memref<128xi32, #tpu.memory_space<vmem>>
    %dma_wait3A_1678 = arith.constant 0 : i32
    %dma_wait3A_1679 = arith.constant 0 : i32
    %dma_wait3A_1680 = tpu.memref_slice %arg4[%dma_wait3A_1678, %dma_wait3A_1679] : memref<1048576x16xf32, #tpu.memory_space<hbm>> -> memref<1048576x16xf32, #tpu.memory_space<hbm>>
    tpu.wait_indirect_dma semaphore(%arg20 : memref<!tpu.dma_semaphore, #tpu.memory_space<semaphore_mem>>) src(%dma_wait3A_1680 : memref<1048576x16xf32, #tpu.memory_space<hbm>>) dst(%dma_wait3A_1674 : memref<128x16xf32, #tpu.memory_space<vmem>>)
    %dma_wait3A_1681 = arith.constant 3 : i32
    %dma_wait3A_1682 = arith.constant 1 : i32
    %dma_wait3A_1683 = arith.constant 0 : i32
    %dma_wait3A_1684 = arith.constant 0 : i32
    %dma_wait3A_1685 = tpu.memref_slice %arg15[%dma_wait3A_1682, %dma_wait3A_1683, %dma_wait3A_1684] : memref<2x128x16xf32, #tpu.memory_space<vmem>> -> memref<1x128x16xf32, #tpu.memory_space<vmem>>
    %dma_wait3A_1686 = tpu.memref_squeeze %dma_wait3A_1685 : memref<1x128x16xf32, #tpu.memory_space<vmem>> -> memref<128x16xf32, #tpu.memory_space<vmem>>
    %dma_wait3A_1687 = arith.constant 0 : i32
    %dma_wait3A_1688 = tpu.memref_slice %arg13[%dma_wait3A_1681, %dma_wait3A_1687] : memref<4x128xi32, #tpu.memory_space<vmem>> -> memref<1x128xi32, #tpu.memory_space<vmem>>
    %dma_wait3A_1689 = tpu.memref_squeeze %dma_wait3A_1688 : memref<1x128xi32, #tpu.memory_space<vmem>> -> memref<128xi32, #tpu.memory_space<vmem>>
    %dma_wait3A_1690 = arith.constant 0 : i32
    %dma_wait3A_1691 = arith.constant 0 : i32
    %dma_wait3A_1692 = tpu.memref_slice %arg6[%dma_wait3A_1690, %dma_wait3A_1691] : memref<1048576x16xf32, #tpu.memory_space<hbm>> -> memref<1048576x16xf32, #tpu.memory_space<hbm>>
    tpu.wait_indirect_dma semaphore(%arg20 : memref<!tpu.dma_semaphore, #tpu.memory_space<semaphore_mem>>) src(%dma_wait3A_1692 : memref<1048576x16xf32, #tpu.memory_space<hbm>>) dst(%dma_wait3A_1686 : memref<128x16xf32, #tpu.memory_space<vmem>>)
    %scan3A_1693 = arith.constant 0 : i32
    %scan3A_1694 = arith.constant 128 : i32
    %scan3A_1695 = arith.addi %scan3A_1693, %scan3A_1694 : i32
    %scan3A_1696 = arith.constant 1 : i32
    %scan3A_1697 = scf.for %scan3A_2197 = %scan3A_1693 to %scan3A_1695 step %scan3A_1696 iter_args(%scan3A_2198 = %scan3A_1667) -> (vector<16xf32>)  : i32 {
      %get3A_2199 = arith.constant 1 : i32
      %get3A_2200 = arith.index_cast %get3A_2199 : i32 to index
      %get3A_2201 = arith.index_cast %scan3A_2197 : i32 to index
      %get3A_2202 = arith.constant 0 : index
      %get3A_2203 = tpu.vector_load %arg14[%get3A_2200, %get3A_2201, %get3A_2202] {strides = array<i32>} : memref<2x128x16xf32, #tpu.memory_space<vmem>>, vector<16xf32>,
      %get3A_2204 = arith.constant 1 : i32
      %get3A_2205 = arith.index_cast %get3A_2204 : i32 to index
      %get3A_2206 = arith.index_cast %scan3A_2197 : i32 to index
      %get3A_2207 = arith.constant 0 : index
      %get3A_2208 = tpu.vector_load %arg15[%get3A_2205, %get3A_2206, %get3A_2207] {strides = array<i32>} : memref<2x128x16xf32, #tpu.memory_space<vmem>>, vector<16xf32>,
      %mul3A_2209 = arith.mulf %get3A_2203, %get3A_2208 : vector<16xf32>
      %add3A_2210 = arith.addf %scan3A_2198, %mul3A_2209 : vector<16xf32>
      scf.yield %add3A_2210 : vector<16xf32>
    }
    %scan3A_1698 = arith.constant 128 : i32
    %swap3A_1699 = arith.constant 0 : index
    %swap3A_1700 = tpu.vector_load %arg19[%swap3A_1699] {strides = array<i32>} : memref<16xf32, #tpu.memory_space<vmem>>, vector<16xf32>,
    tpu.vector_store %arg19[%swap3A_1699], %scan3A_1697 {strides = array<i32>} : memref<16xf32, #tpu.memory_space<vmem>>, vector<16xf32>,
    "tpu.region"() ({
      %run_scoped3A = tpu.sem_alloc : memref<!tpu.dma_semaphore, #tpu.memory_space<semaphore_mem>>
      %dma_start3A_2197 = arith.constant 0 : i32
      %dma_start3A_2198 = tpu.memref_slice %arg8[%add3A, %dma_start3A_2197] : memref<32x16xf32, #tpu.memory_space<hbm>> -> memref<1x16xf32, #tpu.memory_space<hbm>>
      %dma_start3A_2199 = tpu.memref_squeeze %dma_start3A_2198 : memref<1x16xf32, #tpu.memory_space<hbm>> -> memref<16xf32, #tpu.memory_space<hbm>>
      %dma_start3A_2200 = arith.constant 0 : i32
      %dma_start3A_2201 = tpu.memref_slice %arg8[%add3A, %dma_start3A_2200] : memref<32x16xf32, #tpu.memory_space<hbm>> -> memref<1x16xf32, #tpu.memory_space<hbm>>
      %dma_start3A_2202 = tpu.memref_squeeze %dma_start3A_2201 : memref<1x16xf32, #tpu.memory_space<hbm>> -> memref<16xf32, #tpu.memory_space<hbm>>
      tpu.enqueue_dma source(%arg19 : memref<16xf32, #tpu.memory_space<vmem>>) target(%dma_start3A_2202 : memref<16xf32, #tpu.memory_space<hbm>>) target_semaphore(%run_scoped3A : memref<!tpu.dma_semaphore, #tpu.memory_space<semaphore_mem>>)
      %dma_wait3A_2203 = arith.constant 0 : i32
      %dma_wait3A_2204 = tpu.memref_slice %arg8[%add3A, %dma_wait3A_2203] : memref<32x16xf32, #tpu.memory_space<hbm>> -> memref<1x16xf32, #tpu.memory_space<hbm>>
      %dma_wait3A_2205 = tpu.memref_squeeze %dma_wait3A_2204 : memref<1x16xf32, #tpu.memory_space<hbm>> -> memref<16xf32, #tpu.memory_space<hbm>>
      %dma_wait3A_2206 = arith.constant 0 : i32
      %dma_wait3A_2207 = tpu.memref_slice %arg8[%add3A, %dma_wait3A_2206] : memref<32x16xf32, #tpu.memory_space<hbm>> -> memref<1x16xf32, #tpu.memory_space<hbm>>
      %dma_wait3A_2208 = tpu.memref_squeeze %dma_wait3A_2207 : memref<1x16xf32, #tpu.memory_space<hbm>> -> memref<16xf32, #tpu.memory_space<hbm>>
      tpu.wait_dma2 semaphore(%run_scoped3A : memref<!tpu.dma_semaphore, #tpu.memory_space<semaphore_mem>>) src(%arg19 : memref<16xf32, #tpu.memory_space<vmem>>) dst(%dma_wait3A_2208 : memref<16xf32, #tpu.memory_space<hbm>>)
      tpu.yield
    }) : () -> ()
    %dma_wait3A_1701 = arith.constant 0 : i32
    %dma_wait3A_1702 = arith.constant 0 : i32
    %dma_wait3A_1703 = arith.constant 0 : i32
    %dma_wait3A_1704 = tpu.memref_slice %arg16[%dma_wait3A_1702, %dma_wait3A_1703] : memref<4x128xf32, #tpu.memory_space<vmem>> -> memref<1x128xf32, #tpu.memory_space<vmem>>
    %dma_wait3A_1705 = tpu.memref_squeeze %dma_wait3A_1704 : memref<1x128xf32, #tpu.memory_space<vmem>> -> memref<128xf32, #tpu.memory_space<vmem>>
    %dma_wait3A_1706 = arith.constant 0 : i32
    %dma_wait3A_1707 = tpu.memref_slice %arg10[%dma_wait3A_1701, %dma_wait3A_1706] : memref<4x128xi32, #tpu.memory_space<vmem>> -> memref<1x128xi32, #tpu.memory_space<vmem>>
    %dma_wait3A_1708 = tpu.memref_squeeze %dma_wait3A_1707 : memref<1x128xi32, #tpu.memory_space<vmem>> -> memref<128xi32, #tpu.memory_space<vmem>>
    %dma_wait3A_1709 = arith.constant 0 : i32
    %dma_wait3A_1710 = tpu.memref_slice %arg5[%dma_wait3A_1709] : memref<1048576xf32, #tpu.memory_space<hbm>> -> memref<1048576xf32, #tpu.memory_space<hbm>>
    tpu.wait_indirect_dma semaphore(%arg21 : memref<!tpu.dma_semaphore, #tpu.memory_space<semaphore_mem>>) src(%dma_wait3A_1710 : memref<1048576xf32, #tpu.memory_space<hbm>>) dst(%dma_wait3A_1705 : memref<128xf32, #tpu.memory_space<vmem>>)
    %dma_wait3A_1711 = arith.constant 0 : i32
    %dma_wait3A_1712 = arith.constant 0 : i32
    %dma_wait3A_1713 = arith.constant 0 : i32
    %dma_wait3A_1714 = tpu.memref_slice %arg17[%dma_wait3A_1712, %dma_wait3A_1713] : memref<4x128xf32, #tpu.memory_space<vmem>> -> memref<1x128xf32, #tpu.memory_space<vmem>>
    %dma_wait3A_1715 = tpu.memref_squeeze %dma_wait3A_1714 : memref<1x128xf32, #tpu.memory_space<vmem>> -> memref<128xf32, #tpu.memory_space<vmem>>
    %dma_wait3A_1716 = arith.constant 0 : i32
    %dma_wait3A_1717 = tpu.memref_slice %arg11[%dma_wait3A_1711, %dma_wait3A_1716] : memref<4x128xi32, #tpu.memory_space<vmem>> -> memref<1x128xi32, #tpu.memory_space<vmem>>
    %dma_wait3A_1718 = tpu.memref_squeeze %dma_wait3A_1717 : memref<1x128xi32, #tpu.memory_space<vmem>> -> memref<128xi32, #tpu.memory_space<vmem>>
    %dma_wait3A_1719 = arith.constant 0 : i32
    %dma_wait3A_1720 = tpu.memref_slice %arg7[%dma_wait3A_1719] : memref<1048576xf32, #tpu.memory_space<hbm>> -> memref<1048576xf32, #tpu.memory_space<hbm>>
    tpu.wait_indirect_dma semaphore(%arg21 : memref<!tpu.dma_semaphore, #tpu.memory_space<semaphore_mem>>) src(%dma_wait3A_1720 : memref<1048576xf32, #tpu.memory_space<hbm>>) dst(%dma_wait3A_1715 : memref<128xf32, #tpu.memory_space<vmem>>)
    %dma_wait3A_1721 = arith.constant 1 : i32
    %dma_wait3A_1722 = arith.constant 1 : i32
    %dma_wait3A_1723 = arith.constant 0 : i32
    %dma_wait3A_1724 = tpu.memref_slice %arg16[%dma_wait3A_1722, %dma_wait3A_1723] : memref<4x128xf32, #tpu.memory_space<vmem>> -> memref<1x128xf32, #tpu.memory_space<vmem>>
    %dma_wait3A_1725 = tpu.memref_squeeze %dma_wait3A_1724 : memref<1x128xf32, #tpu.memory_space<vmem>> -> memref<128xf32, #tpu.memory_space<vmem>>
    %dma_wait3A_1726 = arith.constant 0 : i32
    %dma_wait3A_1727 = tpu.memref_slice %arg10[%dma_wait3A_1721, %dma_wait3A_1726] : memref<4x128xi32, #tpu.memory_space<vmem>> -> memref<1x128xi32, #tpu.memory_space<vmem>>
    %dma_wait3A_1728 = tpu.memref_squeeze %dma_wait3A_1727 : memref<1x128xi32, #tpu.memory_space<vmem>> -> memref<128xi32, #tpu.memory_space<vmem>>
    %dma_wait3A_1729 = arith.constant 0 : i32
    %dma_wait3A_1730 = tpu.memref_slice %arg5[%dma_wait3A_1729] : memref<1048576xf32, #tpu.memory_space<hbm>> -> memref<1048576xf32, #tpu.memory_space<hbm>>
    tpu.wait_indirect_dma semaphore(%arg21 : memref<!tpu.dma_semaphore, #tpu.memory_space<semaphore_mem>>) src(%dma_wait3A_1730 : memref<1048576xf32, #tpu.memory_space<hbm>>) dst(%dma_wait3A_1725 : memref<128xf32, #tpu.memory_space<vmem>>)
    %dma_wait3A_1731 = arith.constant 1 : i32
    %dma_wait3A_1732 = arith.constant 1 : i32
    %dma_wait3A_1733 = arith.constant 0 : i32
    %dma_wait3A_1734 = tpu.memref_slice %arg17[%dma_wait3A_1732, %dma_wait3A_1733] : memref<4x128xf32, #tpu.memory_space<vmem>> -> memref<1x128xf32, #tpu.memory_space<vmem>>
    %dma_wait3A_1735 = tpu.memref_squeeze %dma_wait3A_1734 : memref<1x128xf32, #tpu.memory_space<vmem>> -> memref<128xf32, #tpu.memory_space<vmem>>
    %dma_wait3A_1736 = arith.constant 0 : i32
    %dma_wait3A_1737 = tpu.memref_slice %arg11[%dma_wait3A_1731, %dma_wait3A_1736] : memref<4x128xi32, #tpu.memory_space<vmem>> -> memref<1x128xi32, #tpu.memory_space<vmem>>
    %dma_wait3A_1738 = tpu.memref_squeeze %dma_wait3A_1737 : memref<1x128xi32, #tpu.memory_space<vmem>> -> memref<128xi32, #tpu.memory_space<vmem>>
    %dma_wait3A_1739 = arith.constant 0 : i32
    %dma_wait3A_1740 = tpu.memref_slice %arg7[%dma_wait3A_1739] : memref<1048576xf32, #tpu.memory_space<hbm>> -> memref<1048576xf32, #tpu.memory_space<hbm>>
    tpu.wait_indirect_dma semaphore(%arg21 : memref<!tpu.dma_semaphore, #tpu.memory_space<semaphore_mem>>) src(%dma_wait3A_1740 : memref<1048576xf32, #tpu.memory_space<hbm>>) dst(%dma_wait3A_1735 : memref<128xf32, #tpu.memory_space<vmem>>)
    %dma_wait3A_1741 = arith.constant 2 : i32
    %dma_wait3A_1742 = arith.constant 2 : i32
    %dma_wait3A_1743 = arith.constant 0 : i32
    %dma_wait3A_1744 = tpu.memref_slice %arg16[%dma_wait3A_1742, %dma_wait3A_1743] : memref<4x128xf32, #tpu.memory_space<vmem>> -> memref<1x128xf32, #tpu.memory_space<vmem>>
    %dma_wait3A_1745 = tpu.memref_squeeze %dma_wait3A_1744 : memref<1x128xf32, #tpu.memory_space<vmem>> -> memref<128xf32, #tpu.memory_space<vmem>>
    %dma_wait3A_1746 = arith.constant 0 : i32
    %dma_wait3A_1747 = tpu.memref_slice %arg10[%dma_wait3A_1741, %dma_wait3A_1746] : memref<4x128xi32, #tpu.memory_space<vmem>> -> memref<1x128xi32, #tpu.memory_space<vmem>>
    %dma_wait3A_1748 = tpu.memref_squeeze %dma_wait3A_1747 : memref<1x128xi32, #tpu.memory_space<vmem>> -> memref<128xi32, #tpu.memory_space<vmem>>
    %dma_wait3A_1749 = arith.constant 0 : i32
    %dma_wait3A_1750 = tpu.memref_slice %arg5[%dma_wait3A_1749] : memref<1048576xf32, #tpu.memory_space<hbm>> -> memref<1048576xf32, #tpu.memory_space<hbm>>
    tpu.wait_indirect_dma semaphore(%arg21 : memref<!tpu.dma_semaphore, #tpu.memory_space<semaphore_mem>>) src(%dma_wait3A_1750 : memref<1048576xf32, #tpu.memory_space<hbm>>) dst(%dma_wait3A_1745 : memref<128xf32, #tpu.memory_space<vmem>>)
    %dma_wait3A_1751 = arith.constant 2 : i32
    %dma_wait3A_1752 = arith.constant 2 : i32
    %dma_wait3A_1753 = arith.constant 0 : i32
    %dma_wait3A_1754 = tpu.memref_slice %arg17[%dma_wait3A_1752, %dma_wait3A_1753] : memref<4x128xf32, #tpu.memory_space<vmem>> -> memref<1x128xf32, #tpu.memory_space<vmem>>
    %dma_wait3A_1755 = tpu.memref_squeeze %dma_wait3A_1754 : memref<1x128xf32, #tpu.memory_space<vmem>> -> memref<128xf32, #tpu.memory_space<vmem>>
    %dma_wait3A_1756 = arith.constant 0 : i32
    %dma_wait3A_1757 = tpu.memref_slice %arg11[%dma_wait3A_1751, %dma_wait3A_1756] : memref<4x128xi32, #tpu.memory_space<vmem>> -> memref<1x128xi32, #tpu.memory_space<vmem>>
    %dma_wait3A_1758 = tpu.memref_squeeze %dma_wait3A_1757 : memref<1x128xi32, #tpu.memory_space<vmem>> -> memref<128xi32, #tpu.memory_space<vmem>>
    %dma_wait3A_1759 = arith.constant 0 : i32
    %dma_wait3A_1760 = tpu.memref_slice %arg7[%dma_wait3A_1759] : memref<1048576xf32, #tpu.memory_space<hbm>> -> memref<1048576xf32, #tpu.memory_space<hbm>>
    tpu.wait_indirect_dma semaphore(%arg21 : memref<!tpu.dma_semaphore, #tpu.memory_space<semaphore_mem>>) src(%dma_wait3A_1760 : memref<1048576xf32, #tpu.memory_space<hbm>>) dst(%dma_wait3A_1755 : memref<128xf32, #tpu.memory_space<vmem>>)
    %dma_wait3A_1761 = arith.constant 3 : i32
    %dma_wait3A_1762 = arith.constant 3 : i32
    %dma_wait3A_1763 = arith.constant 0 : i32
    %dma_wait3A_1764 = tpu.memref_slice %arg16[%dma_wait3A_1762, %dma_wait3A_1763] : memref<4x128xf32, #tpu.memory_space<vmem>> -> memref<1x128xf32, #tpu.memory_space<vmem>>
    %dma_wait3A_1765 = tpu.memref_squeeze %dma_wait3A_1764 : memref<1x128xf32, #tpu.memory_space<vmem>> -> memref<128xf32, #tpu.memory_space<vmem>>
    %dma_wait3A_1766 = arith.constant 0 : i32
    %dma_wait3A_1767 = tpu.memref_slice %arg10[%dma_wait3A_1761, %dma_wait3A_1766] : memref<4x128xi32, #tpu.memory_space<vmem>> -> memref<1x128xi32, #tpu.memory_space<vmem>>
    %dma_wait3A_1768 = tpu.memref_squeeze %dma_wait3A_1767 : memref<1x128xi32, #tpu.memory_space<vmem>> -> memref<128xi32, #tpu.memory_space<vmem>>
    %dma_wait3A_1769 = arith.constant 0 : i32
    %dma_wait3A_1770 = tpu.memref_slice %arg5[%dma_wait3A_1769] : memref<1048576xf32, #tpu.memory_space<hbm>> -> memref<1048576xf32, #tpu.memory_space<hbm>>
    tpu.wait_indirect_dma semaphore(%arg21 : memref<!tpu.dma_semaphore, #tpu.memory_space<semaphore_mem>>) src(%dma_wait3A_1770 : memref<1048576xf32, #tpu.memory_space<hbm>>) dst(%dma_wait3A_1765 : memref<128xf32, #tpu.memory_space<vmem>>)
    %dma_wait3A_1771 = arith.constant 3 : i32
    %dma_wait3A_1772 = arith.constant 3 : i32
    %dma_wait3A_1773 = arith.constant 0 : i32
    %dma_wait3A_1774 = tpu.memref_slice %arg17[%dma_wait3A_1772, %dma_wait3A_1773] : memref<4x128xf32, #tpu.memory_space<vmem>> -> memref<1x128xf32, #tpu.memory_space<vmem>>
    %dma_wait3A_1775 = tpu.memref_squeeze %dma_wait3A_1774 : memref<1x128xf32, #tpu.memory_space<vmem>> -> memref<128xf32, #tpu.memory_space<vmem>>
    %dma_wait3A_1776 = arith.constant 0 : i32
    %dma_wait3A_1777 = tpu.memref_slice %arg11[%dma_wait3A_1771, %dma_wait3A_1776] : memref<4x128xi32, #tpu.memory_space<vmem>> -> memref<1x128xi32, #tpu.memory_space<vmem>>
    %dma_wait3A_1778 = tpu.memref_squeeze %dma_wait3A_1777 : memref<1x128xi32, #tpu.memory_space<vmem>> -> memref<128xi32, #tpu.memory_space<vmem>>
    %dma_wait3A_1779 = arith.constant 0 : i32
    %dma_wait3A_1780 = tpu.memref_slice %arg7[%dma_wait3A_1779] : memref<1048576xf32, #tpu.memory_space<hbm>> -> memref<1048576xf32, #tpu.memory_space<hbm>>
    tpu.wait_indirect_dma semaphore(%arg21 : memref<!tpu.dma_semaphore, #tpu.memory_space<semaphore_mem>>) src(%dma_wait3A_1780 : memref<1048576xf32, #tpu.memory_space<hbm>>) dst(%dma_wait3A_1775 : memref<128xf32, #tpu.memory_space<vmem>>)
    %get3A_1781 = arith.constant 0 : i32
    %get3A_1782 = arith.index_cast %get3A_1781 : i32 to index
    %get3A_1783 = arith.constant 0 : index
    %get3A_1784 = tpu.vector_load %arg16[%get3A_1782, %get3A_1783] {strides = array<i32>} : memref<4x128xf32, #tpu.memory_space<vmem>>, vector<16xf32>,
    %get3A_1785 = arith.constant 0 : i32
    %get3A_1786 = arith.index_cast %get3A_1785 : i32 to index
    %get3A_1787 = arith.constant 0 : index
    %get3A_1788 = tpu.vector_load %arg17[%get3A_1786, %get3A_1787] {strides = array<i32>} : memref<4x128xf32, #tpu.memory_space<vmem>>, vector<16xf32>,
    %add3A_1789 = arith.addf %get3A_1784, %get3A_1788 : vector<16xf32>
    %swap3A_1790 = arith.constant 0 : i32
    %swap3A_1791 = arith.index_cast %swap3A_1790 : i32 to index
    %swap3A_1792 = arith.constant 0 : index
    %swap3A_1793 = tpu.vector_load %arg18[%swap3A_1791, %swap3A_1792] {strides = array<i32>} : memref<4x128xf32, #tpu.memory_space<vmem>>, vector<16xf32>,
    tpu.vector_store %arg18[%swap3A_1791, %swap3A_1792], %add3A_1789 {strides = array<i32>} : memref<4x128xf32, #tpu.memory_space<vmem>>, vector<16xf32>,
    %get3A_1794 = arith.constant 0 : i32
    %get3A_1795 = arith.index_cast %get3A_1794 : i32 to index
    %get3A_1796 = arith.constant 16 : index
    %get3A_1797 = tpu.vector_load %arg16[%get3A_1795, %get3A_1796] {strides = array<i32>} : memref<4x128xf32, #tpu.memory_space<vmem>>, vector<16xf32>,
    %get3A_1798 = arith.constant 0 : i32
    %get3A_1799 = arith.index_cast %get3A_1798 : i32 to index
    %get3A_1800 = arith.constant 16 : index
    %get3A_1801 = tpu.vector_load %arg17[%get3A_1799, %get3A_1800] {strides = array<i32>} : memref<4x128xf32, #tpu.memory_space<vmem>>, vector<16xf32>,
    %add3A_1802 = arith.addf %get3A_1797, %get3A_1801 : vector<16xf32>
    %swap3A_1803 = arith.constant 0 : i32
    %swap3A_1804 = arith.index_cast %swap3A_1803 : i32 to index
    %swap3A_1805 = arith.constant 16 : index
    %swap3A_1806 = tpu.vector_load %arg18[%swap3A_1804, %swap3A_1805] {strides = array<i32>} : memref<4x128xf32, #tpu.memory_space<vmem>>, vector<16xf32>,
    tpu.vector_store %arg18[%swap3A_1804, %swap3A_1805], %add3A_1802 {strides = array<i32>} : memref<4x128xf32, #tpu.memory_space<vmem>>, vector<16xf32>,
    %get3A_1807 = arith.constant 0 : i32
    %get3A_1808 = arith.index_cast %get3A_1807 : i32 to index
    %get3A_1809 = arith.constant 32 : index
    %get3A_1810 = tpu.vector_load %arg16[%get3A_1808, %get3A_1809] {strides = array<i32>} : memref<4x128xf32, #tpu.memory_space<vmem>>, vector<16xf32>,
    %get3A_1811 = arith.constant 0 : i32
    %get3A_1812 = arith.index_cast %get3A_1811 : i32 to index
    %get3A_1813 = arith.constant 32 : index
    %get3A_1814 = tpu.vector_load %arg17[%get3A_1812, %get3A_1813] {strides = array<i32>} : memref<4x128xf32, #tpu.memory_space<vmem>>, vector<16xf32>,
    %add3A_1815 = arith.addf %get3A_1810, %get3A_1814 : vector<16xf32>
    %swap3A_1816 = arith.constant 0 : i32
    %swap3A_1817 = arith.index_cast %swap3A_1816 : i32 to index
    %swap3A_1818 = arith.constant 32 : index
    %swap3A_1819 = tpu.vector_load %arg18[%swap3A_1817, %swap3A_1818] {strides = array<i32>} : memref<4x128xf32, #tpu.memory_space<vmem>>, vector<16xf32>,
    tpu.vector_store %arg18[%swap3A_1817, %swap3A_1818], %add3A_1815 {strides = array<i32>} : memref<4x128xf32, #tpu.memory_space<vmem>>, vector<16xf32>,
    %get3A_1820 = arith.constant 0 : i32
    %get3A_1821 = arith.index_cast %get3A_1820 : i32 to index
    %get3A_1822 = arith.constant 48 : index
    %get3A_1823 = tpu.vector_load %arg16[%get3A_1821, %get3A_1822] {strides = array<i32>} : memref<4x128xf32, #tpu.memory_space<vmem>>, vector<16xf32>,
    %get3A_1824 = arith.constant 0 : i32
    %get3A_1825 = arith.index_cast %get3A_1824 : i32 to index
    %get3A_1826 = arith.constant 48 : index
    %get3A_1827 = tpu.vector_load %arg17[%get3A_1825, %get3A_1826] {strides = array<i32>} : memref<4x128xf32, #tpu.memory_space<vmem>>, vector<16xf32>,
    %add3A_1828 = arith.addf %get3A_1823, %get3A_1827 : vector<16xf32>
    %swap3A_1829 = arith.constant 0 : i32
    %swap3A_1830 = arith.index_cast %swap3A_1829 : i32 to index
    %swap3A_1831 = arith.constant 48 : index
    %swap3A_1832 = tpu.vector_load %arg18[%swap3A_1830, %swap3A_1831] {strides = array<i32>} : memref<4x128xf32, #tpu.memory_space<vmem>>, vector<16xf32>,
    tpu.vector_store %arg18[%swap3A_1830, %swap3A_1831], %add3A_1828 {strides = array<i32>} : memref<4x128xf32, #tpu.memory_space<vmem>>, vector<16xf32>,
    %get3A_1833 = arith.constant 0 : i32
    %get3A_1834 = arith.index_cast %get3A_1833 : i32 to index
    %get3A_1835 = arith.constant 64 : index
    %get3A_1836 = tpu.vector_load %arg16[%get3A_1834, %get3A_1835] {strides = array<i32>} : memref<4x128xf32, #tpu.memory_space<vmem>>, vector<16xf32>,
    %get3A_1837 = arith.constant 0 : i32
    %get3A_1838 = arith.index_cast %get3A_1837 : i32 to index
    %get3A_1839 = arith.constant 64 : index
    %get3A_1840 = tpu.vector_load %arg17[%get3A_1838, %get3A_1839] {strides = array<i32>} : memref<4x128xf32, #tpu.memory_space<vmem>>, vector<16xf32>,
    %add3A_1841 = arith.addf %get3A_1836, %get3A_1840 : vector<16xf32>
    %swap3A_1842 = arith.constant 0 : i32
    %swap3A_1843 = arith.index_cast %swap3A_1842 : i32 to index
    %swap3A_1844 = arith.constant 64 : index
    %swap3A_1845 = tpu.vector_load %arg18[%swap3A_1843, %swap3A_1844] {strides = array<i32>} : memref<4x128xf32, #tpu.memory_space<vmem>>, vector<16xf32>,
    tpu.vector_store %arg18[%swap3A_1843, %swap3A_1844], %add3A_1841 {strides = array<i32>} : memref<4x128xf32, #tpu.memory_space<vmem>>, vector<16xf32>,
    %get3A_1846 = arith.constant 0 : i32
    %get3A_1847 = arith.index_cast %get3A_1846 : i32 to index
    %get3A_1848 = arith.constant 80 : index
    %get3A_1849 = tpu.vector_load %arg16[%get3A_1847, %get3A_1848] {strides = array<i32>} : memref<4x128xf32, #tpu.memory_space<vmem>>, vector<16xf32>,
    %get3A_1850 = arith.constant 0 : i32
    %get3A_1851 = arith.index_cast %get3A_1850 : i32 to index
    %get3A_1852 = arith.constant 80 : index
    %get3A_1853 = tpu.vector_load %arg17[%get3A_1851, %get3A_1852] {strides = array<i32>} : memref<4x128xf32, #tpu.memory_space<vmem>>, vector<16xf32>,
    %add3A_1854 = arith.addf %get3A_1849, %get3A_1853 : vector<16xf32>
    %swap3A_1855 = arith.constant 0 : i32
    %swap3A_1856 = arith.index_cast %swap3A_1855 : i32 to index
    %swap3A_1857 = arith.constant 80 : index
    %swap3A_1858 = tpu.vector_load %arg18[%swap3A_1856, %swap3A_1857] {strides = array<i32>} : memref<4x128xf32, #tpu.memory_space<vmem>>, vector<16xf32>,
    tpu.vector_store %arg18[%swap3A_1856, %swap3A_1857], %add3A_1854 {strides = array<i32>} : memref<4x128xf32, #tpu.memory_space<vmem>>, vector<16xf32>,
    %get3A_1859 = arith.constant 0 : i32
    %get3A_1860 = arith.index_cast %get3A_1859 : i32 to index
    %get3A_1861 = arith.constant 96 : index
    %get3A_1862 = tpu.vector_load %arg16[%get3A_1860, %get3A_1861] {strides = array<i32>} : memref<4x128xf32, #tpu.memory_space<vmem>>, vector<16xf32>,
    %get3A_1863 = arith.constant 0 : i32
    %get3A_1864 = arith.index_cast %get3A_1863 : i32 to index
    %get3A_1865 = arith.constant 96 : index
    %get3A_1866 = tpu.vector_load %arg17[%get3A_1864, %get3A_1865] {strides = array<i32>} : memref<4x128xf32, #tpu.memory_space<vmem>>, vector<16xf32>,
    %add3A_1867 = arith.addf %get3A_1862, %get3A_1866 : vector<16xf32>
    %swap3A_1868 = arith.constant 0 : i32
    %swap3A_1869 = arith.index_cast %swap3A_1868 : i32 to index
    %swap3A_1870 = arith.constant 96 : index
    %swap3A_1871 = tpu.vector_load %arg18[%swap3A_1869, %swap3A_1870] {strides = array<i32>} : memref<4x128xf32, #tpu.memory_space<vmem>>, vector<16xf32>,
    tpu.vector_store %arg18[%swap3A_1869, %swap3A_1870], %add3A_1867 {strides = array<i32>} : memref<4x128xf32, #tpu.memory_space<vmem>>, vector<16xf32>,
    %get3A_1872 = arith.constant 0 : i32
    %get3A_1873 = arith.index_cast %get3A_1872 : i32 to index
    %get3A_1874 = arith.constant 112 : index
    %get3A_1875 = tpu.vector_load %arg16[%get3A_1873, %get3A_1874] {strides = array<i32>} : memref<4x128xf32, #tpu.memory_space<vmem>>, vector<16xf32>,
    %get3A_1876 = arith.constant 0 : i32
    %get3A_1877 = arith.index_cast %get3A_1876 : i32 to index
    %get3A_1878 = arith.constant 112 : index
    %get3A_1879 = tpu.vector_load %arg17[%get3A_1877, %get3A_1878] {strides = array<i32>} : memref<4x128xf32, #tpu.memory_space<vmem>>, vector<16xf32>,
    %add3A_1880 = arith.addf %get3A_1875, %get3A_1879 : vector<16xf32>
    %swap3A_1881 = arith.constant 0 : i32
    %swap3A_1882 = arith.index_cast %swap3A_1881 : i32 to index
    %swap3A_1883 = arith.constant 112 : index
    %swap3A_1884 = tpu.vector_load %arg18[%swap3A_1882, %swap3A_1883] {strides = array<i32>} : memref<4x128xf32, #tpu.memory_space<vmem>>, vector<16xf32>,
    tpu.vector_store %arg18[%swap3A_1882, %swap3A_1883], %add3A_1880 {strides = array<i32>} : memref<4x128xf32, #tpu.memory_space<vmem>>, vector<16xf32>,
    %get3A_1885 = arith.constant 1 : i32
    %get3A_1886 = arith.index_cast %get3A_1885 : i32 to index
    %get3A_1887 = arith.constant 0 : index
    %get3A_1888 = tpu.vector_load %arg16[%get3A_1886, %get3A_1887] {strides = array<i32>} : memref<4x128xf32, #tpu.memory_space<vmem>>, vector<16xf32>,
    %get3A_1889 = arith.constant 1 : i32
    %get3A_1890 = arith.index_cast %get3A_1889 : i32 to index
    %get3A_1891 = arith.constant 0 : index
    %get3A_1892 = tpu.vector_load %arg17[%get3A_1890, %get3A_1891] {strides = array<i32>} : memref<4x128xf32, #tpu.memory_space<vmem>>, vector<16xf32>,
    %add3A_1893 = arith.addf %get3A_1888, %get3A_1892 : vector<16xf32>
    %swap3A_1894 = arith.constant 1 : i32
    %swap3A_1895 = arith.index_cast %swap3A_1894 : i32 to index
    %swap3A_1896 = arith.constant 0 : index
    %swap3A_1897 = tpu.vector_load %arg18[%swap3A_1895, %swap3A_1896] {strides = array<i32>} : memref<4x128xf32, #tpu.memory_space<vmem>>, vector<16xf32>,
    tpu.vector_store %arg18[%swap3A_1895, %swap3A_1896], %add3A_1893 {strides = array<i32>} : memref<4x128xf32, #tpu.memory_space<vmem>>, vector<16xf32>,
    %get3A_1898 = arith.constant 1 : i32
    %get3A_1899 = arith.index_cast %get3A_1898 : i32 to index
    %get3A_1900 = arith.constant 16 : index
    %get3A_1901 = tpu.vector_load %arg16[%get3A_1899, %get3A_1900] {strides = array<i32>} : memref<4x128xf32, #tpu.memory_space<vmem>>, vector<16xf32>,
    %get3A_1902 = arith.constant 1 : i32
    %get3A_1903 = arith.index_cast %get3A_1902 : i32 to index
    %get3A_1904 = arith.constant 16 : index
    %get3A_1905 = tpu.vector_load %arg17[%get3A_1903, %get3A_1904] {strides = array<i32>} : memref<4x128xf32, #tpu.memory_space<vmem>>, vector<16xf32>,
    %add3A_1906 = arith.addf %get3A_1901, %get3A_1905 : vector<16xf32>
    %swap3A_1907 = arith.constant 1 : i32
    %swap3A_1908 = arith.index_cast %swap3A_1907 : i32 to index
    %swap3A_1909 = arith.constant 16 : index
    %swap3A_1910 = tpu.vector_load %arg18[%swap3A_1908, %swap3A_1909] {strides = array<i32>} : memref<4x128xf32, #tpu.memory_space<vmem>>, vector<16xf32>,
    tpu.vector_store %arg18[%swap3A_1908, %swap3A_1909], %add3A_1906 {strides = array<i32>} : memref<4x128xf32, #tpu.memory_space<vmem>>, vector<16xf32>,
    %get3A_1911 = arith.constant 1 : i32
    %get3A_1912 = arith.index_cast %get3A_1911 : i32 to index
    %get3A_1913 = arith.constant 32 : index
    %get3A_1914 = tpu.vector_load %arg16[%get3A_1912, %get3A_1913] {strides = array<i32>} : memref<4x128xf32, #tpu.memory_space<vmem>>, vector<16xf32>,
    %get3A_1915 = arith.constant 1 : i32
    %get3A_1916 = arith.index_cast %get3A_1915 : i32 to index
    %get3A_1917 = arith.constant 32 : index
    %get3A_1918 = tpu.vector_load %arg17[%get3A_1916, %get3A_1917] {strides = array<i32>} : memref<4x128xf32, #tpu.memory_space<vmem>>, vector<16xf32>,
    %add3A_1919 = arith.addf %get3A_1914, %get3A_1918 : vector<16xf32>
    %swap3A_1920 = arith.constant 1 : i32
    %swap3A_1921 = arith.index_cast %swap3A_1920 : i32 to index
    %swap3A_1922 = arith.constant 32 : index
    %swap3A_1923 = tpu.vector_load %arg18[%swap3A_1921, %swap3A_1922] {strides = array<i32>} : memref<4x128xf32, #tpu.memory_space<vmem>>, vector<16xf32>,
    tpu.vector_store %arg18[%swap3A_1921, %swap3A_1922], %add3A_1919 {strides = array<i32>} : memref<4x128xf32, #tpu.memory_space<vmem>>, vector<16xf32>,
    %get3A_1924 = arith.constant 1 : i32
    %get3A_1925 = arith.index_cast %get3A_1924 : i32 to index
    %get3A_1926 = arith.constant 48 : index
    %get3A_1927 = tpu.vector_load %arg16[%get3A_1925, %get3A_1926] {strides = array<i32>} : memref<4x128xf32, #tpu.memory_space<vmem>>, vector<16xf32>,
    %get3A_1928 = arith.constant 1 : i32
    %get3A_1929 = arith.index_cast %get3A_1928 : i32 to index
    %get3A_1930 = arith.constant 48 : index
    %get3A_1931 = tpu.vector_load %arg17[%get3A_1929, %get3A_1930] {strides = array<i32>} : memref<4x128xf32, #tpu.memory_space<vmem>>, vector<16xf32>,
    %add3A_1932 = arith.addf %get3A_1927, %get3A_1931 : vector<16xf32>
    %swap3A_1933 = arith.constant 1 : i32
    %swap3A_1934 = arith.index_cast %swap3A_1933 : i32 to index
    %swap3A_1935 = arith.constant 48 : index
    %swap3A_1936 = tpu.vector_load %arg18[%swap3A_1934, %swap3A_1935] {strides = array<i32>} : memref<4x128xf32, #tpu.memory_space<vmem>>, vector<16xf32>,
    tpu.vector_store %arg18[%swap3A_1934, %swap3A_1935], %add3A_1932 {strides = array<i32>} : memref<4x128xf32, #tpu.memory_space<vmem>>, vector<16xf32>,
    %get3A_1937 = arith.constant 1 : i32
    %get3A_1938 = arith.index_cast %get3A_1937 : i32 to index
    %get3A_1939 = arith.constant 64 : index
    %get3A_1940 = tpu.vector_load %arg16[%get3A_1938, %get3A_1939] {strides = array<i32>} : memref<4x128xf32, #tpu.memory_space<vmem>>, vector<16xf32>,
    %get3A_1941 = arith.constant 1 : i32
    %get3A_1942 = arith.index_cast %get3A_1941 : i32 to index
    %get3A_1943 = arith.constant 64 : index
    %get3A_1944 = tpu.vector_load %arg17[%get3A_1942, %get3A_1943] {strides = array<i32>} : memref<4x128xf32, #tpu.memory_space<vmem>>, vector<16xf32>,
    %add3A_1945 = arith.addf %get3A_1940, %get3A_1944 : vector<16xf32>
    %swap3A_1946 = arith.constant 1 : i32
    %swap3A_1947 = arith.index_cast %swap3A_1946 : i32 to index
    %swap3A_1948 = arith.constant 64 : index
    %swap3A_1949 = tpu.vector_load %arg18[%swap3A_1947, %swap3A_1948] {strides = array<i32>} : memref<4x128xf32, #tpu.memory_space<vmem>>, vector<16xf32>,
    tpu.vector_store %arg18[%swap3A_1947, %swap3A_1948], %add3A_1945 {strides = array<i32>} : memref<4x128xf32, #tpu.memory_space<vmem>>, vector<16xf32>,
    %get3A_1950 = arith.constant 1 : i32
    %get3A_1951 = arith.index_cast %get3A_1950 : i32 to index
    %get3A_1952 = arith.constant 80 : index
    %get3A_1953 = tpu.vector_load %arg16[%get3A_1951, %get3A_1952] {strides = array<i32>} : memref<4x128xf32, #tpu.memory_space<vmem>>, vector<16xf32>,
    %get3A_1954 = arith.constant 1 : i32
    %get3A_1955 = arith.index_cast %get3A_1954 : i32 to index
    %get3A_1956 = arith.constant 80 : index
    %get3A_1957 = tpu.vector_load %arg17[%get3A_1955, %get3A_1956] {strides = array<i32>} : memref<4x128xf32, #tpu.memory_space<vmem>>, vector<16xf32>,
    %add3A_1958 = arith.addf %get3A_1953, %get3A_1957 : vector<16xf32>
    %swap3A_1959 = arith.constant 1 : i32
    %swap3A_1960 = arith.index_cast %swap3A_1959 : i32 to index
    %swap3A_1961 = arith.constant 80 : index
    %swap3A_1962 = tpu.vector_load %arg18[%swap3A_1960, %swap3A_1961] {strides = array<i32>} : memref<4x128xf32, #tpu.memory_space<vmem>>, vector<16xf32>,
    tpu.vector_store %arg18[%swap3A_1960, %swap3A_1961], %add3A_1958 {strides = array<i32>} : memref<4x128xf32, #tpu.memory_space<vmem>>, vector<16xf32>,
    %get3A_1963 = arith.constant 1 : i32
    %get3A_1964 = arith.index_cast %get3A_1963 : i32 to index
    %get3A_1965 = arith.constant 96 : index
    %get3A_1966 = tpu.vector_load %arg16[%get3A_1964, %get3A_1965] {strides = array<i32>} : memref<4x128xf32, #tpu.memory_space<vmem>>, vector<16xf32>,
    %get3A_1967 = arith.constant 1 : i32
    %get3A_1968 = arith.index_cast %get3A_1967 : i32 to index
    %get3A_1969 = arith.constant 96 : index
    %get3A_1970 = tpu.vector_load %arg17[%get3A_1968, %get3A_1969] {strides = array<i32>} : memref<4x128xf32, #tpu.memory_space<vmem>>, vector<16xf32>,
    %add3A_1971 = arith.addf %get3A_1966, %get3A_1970 : vector<16xf32>
    %swap3A_1972 = arith.constant 1 : i32
    %swap3A_1973 = arith.index_cast %swap3A_1972 : i32 to index
    %swap3A_1974 = arith.constant 96 : index
    %swap3A_1975 = tpu.vector_load %arg18[%swap3A_1973, %swap3A_1974] {strides = array<i32>} : memref<4x128xf32, #tpu.memory_space<vmem>>, vector<16xf32>,
    tpu.vector_store %arg18[%swap3A_1973, %swap3A_1974], %add3A_1971 {strides = array<i32>} : memref<4x128xf32, #tpu.memory_space<vmem>>, vector<16xf32>,
    %get3A_1976 = arith.constant 1 : i32
    %get3A_1977 = arith.index_cast %get3A_1976 : i32 to index
    %get3A_1978 = arith.constant 112 : index
    %get3A_1979 = tpu.vector_load %arg16[%get3A_1977, %get3A_1978] {strides = array<i32>} : memref<4x128xf32, #tpu.memory_space<vmem>>, vector<16xf32>,
    %get3A_1980 = arith.constant 1 : i32
    %get3A_1981 = arith.index_cast %get3A_1980 : i32 to index
    %get3A_1982 = arith.constant 112 : index
    %get3A_1983 = tpu.vector_load %arg17[%get3A_1981, %get3A_1982] {strides = array<i32>} : memref<4x128xf32, #tpu.memory_space<vmem>>, vector<16xf32>,
    %add3A_1984 = arith.addf %get3A_1979, %get3A_1983 : vector<16xf32>
    %swap3A_1985 = arith.constant 1 : i32
    %swap3A_1986 = arith.index_cast %swap3A_1985 : i32 to index
    %swap3A_1987 = arith.constant 112 : index
    %swap3A_1988 = tpu.vector_load %arg18[%swap3A_1986, %swap3A_1987] {strides = array<i32>} : memref<4x128xf32, #tpu.memory_space<vmem>>, vector<16xf32>,
    tpu.vector_store %arg18[%swap3A_1986, %swap3A_1987], %add3A_1984 {strides = array<i32>} : memref<4x128xf32, #tpu.memory_space<vmem>>, vector<16xf32>,
    %get3A_1989 = arith.constant 2 : i32
    %get3A_1990 = arith.index_cast %get3A_1989 : i32 to index
    %get3A_1991 = arith.constant 0 : index
    %get3A_1992 = tpu.vector_load %arg16[%get3A_1990, %get3A_1991] {strides = array<i32>} : memref<4x128xf32, #tpu.memory_space<vmem>>, vector<16xf32>,
    %get3A_1993 = arith.constant 2 : i32
    %get3A_1994 = arith.index_cast %get3A_1993 : i32 to index
    %get3A_1995 = arith.constant 0 : index
    %get3A_1996 = tpu.vector_load %arg17[%get3A_1994, %get3A_1995] {strides = array<i32>} : memref<4x128xf32, #tpu.memory_space<vmem>>, vector<16xf32>,
    %add3A_1997 = arith.addf %get3A_1992, %get3A_1996 : vector<16xf32>
    %swap3A_1998 = arith.constant 2 : i32
    %swap3A_1999 = arith.index_cast %swap3A_1998 : i32 to index
    %swap3A_2000 = arith.constant 0 : index
    %swap3A_2001 = tpu.vector_load %arg18[%swap3A_1999, %swap3A_2000] {strides = array<i32>} : memref<4x128xf32, #tpu.memory_space<vmem>>, vector<16xf32>,
    tpu.vector_store %arg18[%swap3A_1999, %swap3A_2000], %add3A_1997 {strides = array<i32>} : memref<4x128xf32, #tpu.memory_space<vmem>>, vector<16xf32>,
    %get3A_2002 = arith.constant 2 : i32
    %get3A_2003 = arith.index_cast %get3A_2002 : i32 to index
    %get3A_2004 = arith.constant 16 : index
    %get3A_2005 = tpu.vector_load %arg16[%get3A_2003, %get3A_2004] {strides = array<i32>} : memref<4x128xf32, #tpu.memory_space<vmem>>, vector<16xf32>,
    %get3A_2006 = arith.constant 2 : i32
    %get3A_2007 = arith.index_cast %get3A_2006 : i32 to index
    %get3A_2008 = arith.constant 16 : index
    %get3A_2009 = tpu.vector_load %arg17[%get3A_2007, %get3A_2008] {strides = array<i32>} : memref<4x128xf32, #tpu.memory_space<vmem>>, vector<16xf32>,
    %add3A_2010 = arith.addf %get3A_2005, %get3A_2009 : vector<16xf32>
    %swap3A_2011 = arith.constant 2 : i32
    %swap3A_2012 = arith.index_cast %swap3A_2011 : i32 to index
    %swap3A_2013 = arith.constant 16 : index
    %swap3A_2014 = tpu.vector_load %arg18[%swap3A_2012, %swap3A_2013] {strides = array<i32>} : memref<4x128xf32, #tpu.memory_space<vmem>>, vector<16xf32>,
    tpu.vector_store %arg18[%swap3A_2012, %swap3A_2013], %add3A_2010 {strides = array<i32>} : memref<4x128xf32, #tpu.memory_space<vmem>>, vector<16xf32>,
    %get3A_2015 = arith.constant 2 : i32
    %get3A_2016 = arith.index_cast %get3A_2015 : i32 to index
    %get3A_2017 = arith.constant 32 : index
    %get3A_2018 = tpu.vector_load %arg16[%get3A_2016, %get3A_2017] {strides = array<i32>} : memref<4x128xf32, #tpu.memory_space<vmem>>, vector<16xf32>,
    %get3A_2019 = arith.constant 2 : i32
    %get3A_2020 = arith.index_cast %get3A_2019 : i32 to index
    %get3A_2021 = arith.constant 32 : index
    %get3A_2022 = tpu.vector_load %arg17[%get3A_2020, %get3A_2021] {strides = array<i32>} : memref<4x128xf32, #tpu.memory_space<vmem>>, vector<16xf32>,
    %add3A_2023 = arith.addf %get3A_2018, %get3A_2022 : vector<16xf32>
    %swap3A_2024 = arith.constant 2 : i32
    %swap3A_2025 = arith.index_cast %swap3A_2024 : i32 to index
    %swap3A_2026 = arith.constant 32 : index
    %swap3A_2027 = tpu.vector_load %arg18[%swap3A_2025, %swap3A_2026] {strides = array<i32>} : memref<4x128xf32, #tpu.memory_space<vmem>>, vector<16xf32>,
    tpu.vector_store %arg18[%swap3A_2025, %swap3A_2026], %add3A_2023 {strides = array<i32>} : memref<4x128xf32, #tpu.memory_space<vmem>>, vector<16xf32>,
    %get3A_2028 = arith.constant 2 : i32
    %get3A_2029 = arith.index_cast %get3A_2028 : i32 to index
    %get3A_2030 = arith.constant 48 : index
    %get3A_2031 = tpu.vector_load %arg16[%get3A_2029, %get3A_2030] {strides = array<i32>} : memref<4x128xf32, #tpu.memory_space<vmem>>, vector<16xf32>,
    %get3A_2032 = arith.constant 2 : i32
    %get3A_2033 = arith.index_cast %get3A_2032 : i32 to index
    %get3A_2034 = arith.constant 48 : index
    %get3A_2035 = tpu.vector_load %arg17[%get3A_2033, %get3A_2034] {strides = array<i32>} : memref<4x128xf32, #tpu.memory_space<vmem>>, vector<16xf32>,
    %add3A_2036 = arith.addf %get3A_2031, %get3A_2035 : vector<16xf32>
    %swap3A_2037 = arith.constant 2 : i32
    %swap3A_2038 = arith.index_cast %swap3A_2037 : i32 to index
    %swap3A_2039 = arith.constant 48 : index
    %swap3A_2040 = tpu.vector_load %arg18[%swap3A_2038, %swap3A_2039] {strides = array<i32>} : memref<4x128xf32, #tpu.memory_space<vmem>>, vector<16xf32>,
    tpu.vector_store %arg18[%swap3A_2038, %swap3A_2039], %add3A_2036 {strides = array<i32>} : memref<4x128xf32, #tpu.memory_space<vmem>>, vector<16xf32>,
    %get3A_2041 = arith.constant 2 : i32
    %get3A_2042 = arith.index_cast %get3A_2041 : i32 to index
    %get3A_2043 = arith.constant 64 : index
    %get3A_2044 = tpu.vector_load %arg16[%get3A_2042, %get3A_2043] {strides = array<i32>} : memref<4x128xf32, #tpu.memory_space<vmem>>, vector<16xf32>,
    %get3A_2045 = arith.constant 2 : i32
    %get3A_2046 = arith.index_cast %get3A_2045 : i32 to index
    %get3A_2047 = arith.constant 64 : index
    %get3A_2048 = tpu.vector_load %arg17[%get3A_2046, %get3A_2047] {strides = array<i32>} : memref<4x128xf32, #tpu.memory_space<vmem>>, vector<16xf32>,
    %add3A_2049 = arith.addf %get3A_2044, %get3A_2048 : vector<16xf32>
    %swap3A_2050 = arith.constant 2 : i32
    %swap3A_2051 = arith.index_cast %swap3A_2050 : i32 to index
    %swap3A_2052 = arith.constant 64 : index
    %swap3A_2053 = tpu.vector_load %arg18[%swap3A_2051, %swap3A_2052] {strides = array<i32>} : memref<4x128xf32, #tpu.memory_space<vmem>>, vector<16xf32>,
    tpu.vector_store %arg18[%swap3A_2051, %swap3A_2052], %add3A_2049 {strides = array<i32>} : memref<4x128xf32, #tpu.memory_space<vmem>>, vector<16xf32>,
    %get3A_2054 = arith.constant 2 : i32
    %get3A_2055 = arith.index_cast %get3A_2054 : i32 to index
    %get3A_2056 = arith.constant 80 : index
    %get3A_2057 = tpu.vector_load %arg16[%get3A_2055, %get3A_2056] {strides = array<i32>} : memref<4x128xf32, #tpu.memory_space<vmem>>, vector<16xf32>,
    %get3A_2058 = arith.constant 2 : i32
    %get3A_2059 = arith.index_cast %get3A_2058 : i32 to index
    %get3A_2060 = arith.constant 80 : index
    %get3A_2061 = tpu.vector_load %arg17[%get3A_2059, %get3A_2060] {strides = array<i32>} : memref<4x128xf32, #tpu.memory_space<vmem>>, vector<16xf32>,
    %add3A_2062 = arith.addf %get3A_2057, %get3A_2061 : vector<16xf32>
    %swap3A_2063 = arith.constant 2 : i32
    %swap3A_2064 = arith.index_cast %swap3A_2063 : i32 to index
    %swap3A_2065 = arith.constant 80 : index
    %swap3A_2066 = tpu.vector_load %arg18[%swap3A_2064, %swap3A_2065] {strides = array<i32>} : memref<4x128xf32, #tpu.memory_space<vmem>>, vector<16xf32>,
    tpu.vector_store %arg18[%swap3A_2064, %swap3A_2065], %add3A_2062 {strides = array<i32>} : memref<4x128xf32, #tpu.memory_space<vmem>>, vector<16xf32>,
    %get3A_2067 = arith.constant 2 : i32
    %get3A_2068 = arith.index_cast %get3A_2067 : i32 to index
    %get3A_2069 = arith.constant 96 : index
    %get3A_2070 = tpu.vector_load %arg16[%get3A_2068, %get3A_2069] {strides = array<i32>} : memref<4x128xf32, #tpu.memory_space<vmem>>, vector<16xf32>,
    %get3A_2071 = arith.constant 2 : i32
    %get3A_2072 = arith.index_cast %get3A_2071 : i32 to index
    %get3A_2073 = arith.constant 96 : index
    %get3A_2074 = tpu.vector_load %arg17[%get3A_2072, %get3A_2073] {strides = array<i32>} : memref<4x128xf32, #tpu.memory_space<vmem>>, vector<16xf32>,
    %add3A_2075 = arith.addf %get3A_2070, %get3A_2074 : vector<16xf32>
    %swap3A_2076 = arith.constant 2 : i32
    %swap3A_2077 = arith.index_cast %swap3A_2076 : i32 to index
    %swap3A_2078 = arith.constant 96 : index
    %swap3A_2079 = tpu.vector_load %arg18[%swap3A_2077, %swap3A_2078] {strides = array<i32>} : memref<4x128xf32, #tpu.memory_space<vmem>>, vector<16xf32>,
    tpu.vector_store %arg18[%swap3A_2077, %swap3A_2078], %add3A_2075 {strides = array<i32>} : memref<4x128xf32, #tpu.memory_space<vmem>>, vector<16xf32>,
    %get3A_2080 = arith.constant 2 : i32
    %get3A_2081 = arith.index_cast %get3A_2080 : i32 to index
    %get3A_2082 = arith.constant 112 : index
    %get3A_2083 = tpu.vector_load %arg16[%get3A_2081, %get3A_2082] {strides = array<i32>} : memref<4x128xf32, #tpu.memory_space<vmem>>, vector<16xf32>,
    %get3A_2084 = arith.constant 2 : i32
    %get3A_2085 = arith.index_cast %get3A_2084 : i32 to index
    %get3A_2086 = arith.constant 112 : index
    %get3A_2087 = tpu.vector_load %arg17[%get3A_2085, %get3A_2086] {strides = array<i32>} : memref<4x128xf32, #tpu.memory_space<vmem>>, vector<16xf32>,
    %add3A_2088 = arith.addf %get3A_2083, %get3A_2087 : vector<16xf32>
    %swap3A_2089 = arith.constant 2 : i32
    %swap3A_2090 = arith.index_cast %swap3A_2089 : i32 to index
    %swap3A_2091 = arith.constant 112 : index
    %swap3A_2092 = tpu.vector_load %arg18[%swap3A_2090, %swap3A_2091] {strides = array<i32>} : memref<4x128xf32, #tpu.memory_space<vmem>>, vector<16xf32>,
    tpu.vector_store %arg18[%swap3A_2090, %swap3A_2091], %add3A_2088 {strides = array<i32>} : memref<4x128xf32, #tpu.memory_space<vmem>>, vector<16xf32>,
    %get3A_2093 = arith.constant 3 : i32
    %get3A_2094 = arith.index_cast %get3A_2093 : i32 to index
    %get3A_2095 = arith.constant 0 : index
    %get3A_2096 = tpu.vector_load %arg16[%get3A_2094, %get3A_2095] {strides = array<i32>} : memref<4x128xf32, #tpu.memory_space<vmem>>, vector<16xf32>,
    %get3A_2097 = arith.constant 3 : i32
    %get3A_2098 = arith.index_cast %get3A_2097 : i32 to index
    %get3A_2099 = arith.constant 0 : index
    %get3A_2100 = tpu.vector_load %arg17[%get3A_2098, %get3A_2099] {strides = array<i32>} : memref<4x128xf32, #tpu.memory_space<vmem>>, vector<16xf32>,
    %add3A_2101 = arith.addf %get3A_2096, %get3A_2100 : vector<16xf32>
    %swap3A_2102 = arith.constant 3 : i32
    %swap3A_2103 = arith.index_cast %swap3A_2102 : i32 to index
    %swap3A_2104 = arith.constant 0 : index
    %swap3A_2105 = tpu.vector_load %arg18[%swap3A_2103, %swap3A_2104] {strides = array<i32>} : memref<4x128xf32, #tpu.memory_space<vmem>>, vector<16xf32>,
    tpu.vector_store %arg18[%swap3A_2103, %swap3A_2104], %add3A_2101 {strides = array<i32>} : memref<4x128xf32, #tpu.memory_space<vmem>>, vector<16xf32>,
    %get3A_2106 = arith.constant 3 : i32
    %get3A_2107 = arith.index_cast %get3A_2106 : i32 to index
    %get3A_2108 = arith.constant 16 : index
    %get3A_2109 = tpu.vector_load %arg16[%get3A_2107, %get3A_2108] {strides = array<i32>} : memref<4x128xf32, #tpu.memory_space<vmem>>, vector<16xf32>,
    %get3A_2110 = arith.constant 3 : i32
    %get3A_2111 = arith.index_cast %get3A_2110 : i32 to index
    %get3A_2112 = arith.constant 16 : index
    %get3A_2113 = tpu.vector_load %arg17[%get3A_2111, %get3A_2112] {strides = array<i32>} : memref<4x128xf32, #tpu.memory_space<vmem>>, vector<16xf32>,
    %add3A_2114 = arith.addf %get3A_2109, %get3A_2113 : vector<16xf32>
    %swap3A_2115 = arith.constant 3 : i32
    %swap3A_2116 = arith.index_cast %swap3A_2115 : i32 to index
    %swap3A_2117 = arith.constant 16 : index
    %swap3A_2118 = tpu.vector_load %arg18[%swap3A_2116, %swap3A_2117] {strides = array<i32>} : memref<4x128xf32, #tpu.memory_space<vmem>>, vector<16xf32>,
    tpu.vector_store %arg18[%swap3A_2116, %swap3A_2117], %add3A_2114 {strides = array<i32>} : memref<4x128xf32, #tpu.memory_space<vmem>>, vector<16xf32>,
    %get3A_2119 = arith.constant 3 : i32
    %get3A_2120 = arith.index_cast %get3A_2119 : i32 to index
    %get3A_2121 = arith.constant 32 : index
    %get3A_2122 = tpu.vector_load %arg16[%get3A_2120, %get3A_2121] {strides = array<i32>} : memref<4x128xf32, #tpu.memory_space<vmem>>, vector<16xf32>,
    %get3A_2123 = arith.constant 3 : i32
    %get3A_2124 = arith.index_cast %get3A_2123 : i32 to index
    %get3A_2125 = arith.constant 32 : index
    %get3A_2126 = tpu.vector_load %arg17[%get3A_2124, %get3A_2125] {strides = array<i32>} : memref<4x128xf32, #tpu.memory_space<vmem>>, vector<16xf32>,
    %add3A_2127 = arith.addf %get3A_2122, %get3A_2126 : vector<16xf32>
    %swap3A_2128 = arith.constant 3 : i32
    %swap3A_2129 = arith.index_cast %swap3A_2128 : i32 to index
    %swap3A_2130 = arith.constant 32 : index
    %swap3A_2131 = tpu.vector_load %arg18[%swap3A_2129, %swap3A_2130] {strides = array<i32>} : memref<4x128xf32, #tpu.memory_space<vmem>>, vector<16xf32>,
    tpu.vector_store %arg18[%swap3A_2129, %swap3A_2130], %add3A_2127 {strides = array<i32>} : memref<4x128xf32, #tpu.memory_space<vmem>>, vector<16xf32>,
    %get3A_2132 = arith.constant 3 : i32
    %get3A_2133 = arith.index_cast %get3A_2132 : i32 to index
    %get3A_2134 = arith.constant 48 : index
    %get3A_2135 = tpu.vector_load %arg16[%get3A_2133, %get3A_2134] {strides = array<i32>} : memref<4x128xf32, #tpu.memory_space<vmem>>, vector<16xf32>,
    %get3A_2136 = arith.constant 3 : i32
    %get3A_2137 = arith.index_cast %get3A_2136 : i32 to index
    %get3A_2138 = arith.constant 48 : index
    %get3A_2139 = tpu.vector_load %arg17[%get3A_2137, %get3A_2138] {strides = array<i32>} : memref<4x128xf32, #tpu.memory_space<vmem>>, vector<16xf32>,
    %add3A_2140 = arith.addf %get3A_2135, %get3A_2139 : vector<16xf32>
    %swap3A_2141 = arith.constant 3 : i32
    %swap3A_2142 = arith.index_cast %swap3A_2141 : i32 to index
    %swap3A_2143 = arith.constant 48 : index
    %swap3A_2144 = tpu.vector_load %arg18[%swap3A_2142, %swap3A_2143] {strides = array<i32>} : memref<4x128xf32, #tpu.memory_space<vmem>>, vector<16xf32>,
    tpu.vector_store %arg18[%swap3A_2142, %swap3A_2143], %add3A_2140 {strides = array<i32>} : memref<4x128xf32, #tpu.memory_space<vmem>>, vector<16xf32>,
    %get3A_2145 = arith.constant 3 : i32
    %get3A_2146 = arith.index_cast %get3A_2145 : i32 to index
    %get3A_2147 = arith.constant 64 : index
    %get3A_2148 = tpu.vector_load %arg16[%get3A_2146, %get3A_2147] {strides = array<i32>} : memref<4x128xf32, #tpu.memory_space<vmem>>, vector<16xf32>,
    %get3A_2149 = arith.constant 3 : i32
    %get3A_2150 = arith.index_cast %get3A_2149 : i32 to index
    %get3A_2151 = arith.constant 64 : index
    %get3A_2152 = tpu.vector_load %arg17[%get3A_2150, %get3A_2151] {strides = array<i32>} : memref<4x128xf32, #tpu.memory_space<vmem>>, vector<16xf32>,
    %add3A_2153 = arith.addf %get3A_2148, %get3A_2152 : vector<16xf32>
    %swap3A_2154 = arith.constant 3 : i32
    %swap3A_2155 = arith.index_cast %swap3A_2154 : i32 to index
    %swap3A_2156 = arith.constant 64 : index
    %swap3A_2157 = tpu.vector_load %arg18[%swap3A_2155, %swap3A_2156] {strides = array<i32>} : memref<4x128xf32, #tpu.memory_space<vmem>>, vector<16xf32>,
    tpu.vector_store %arg18[%swap3A_2155, %swap3A_2156], %add3A_2153 {strides = array<i32>} : memref<4x128xf32, #tpu.memory_space<vmem>>, vector<16xf32>,
    %get3A_2158 = arith.constant 3 : i32
    %get3A_2159 = arith.index_cast %get3A_2158 : i32 to index
    %get3A_2160 = arith.constant 80 : index
    %get3A_2161 = tpu.vector_load %arg16[%get3A_2159, %get3A_2160] {strides = array<i32>} : memref<4x128xf32, #tpu.memory_space<vmem>>, vector<16xf32>,
    %get3A_2162 = arith.constant 3 : i32
    %get3A_2163 = arith.index_cast %get3A_2162 : i32 to index
    %get3A_2164 = arith.constant 80 : index
    %get3A_2165 = tpu.vector_load %arg17[%get3A_2163, %get3A_2164] {strides = array<i32>} : memref<4x128xf32, #tpu.memory_space<vmem>>, vector<16xf32>,
    %add3A_2166 = arith.addf %get3A_2161, %get3A_2165 : vector<16xf32>
    %swap3A_2167 = arith.constant 3 : i32
    %swap3A_2168 = arith.index_cast %swap3A_2167 : i32 to index
    %swap3A_2169 = arith.constant 80 : index
    %swap3A_2170 = tpu.vector_load %arg18[%swap3A_2168, %swap3A_2169] {strides = array<i32>} : memref<4x128xf32, #tpu.memory_space<vmem>>, vector<16xf32>,
    tpu.vector_store %arg18[%swap3A_2168, %swap3A_2169], %add3A_2166 {strides = array<i32>} : memref<4x128xf32, #tpu.memory_space<vmem>>, vector<16xf32>,
    %get3A_2171 = arith.constant 3 : i32
    %get3A_2172 = arith.index_cast %get3A_2171 : i32 to index
    %get3A_2173 = arith.constant 96 : index
    %get3A_2174 = tpu.vector_load %arg16[%get3A_2172, %get3A_2173] {strides = array<i32>} : memref<4x128xf32, #tpu.memory_space<vmem>>, vector<16xf32>,
    %get3A_2175 = arith.constant 3 : i32
    %get3A_2176 = arith.index_cast %get3A_2175 : i32 to index
    %get3A_2177 = arith.constant 96 : index
    %get3A_2178 = tpu.vector_load %arg17[%get3A_2176, %get3A_2177] {strides = array<i32>} : memref<4x128xf32, #tpu.memory_space<vmem>>, vector<16xf32>,
    %add3A_2179 = arith.addf %get3A_2174, %get3A_2178 : vector<16xf32>
    %swap3A_2180 = arith.constant 3 : i32
    %swap3A_2181 = arith.index_cast %swap3A_2180 : i32 to index
    %swap3A_2182 = arith.constant 96 : index
    %swap3A_2183 = tpu.vector_load %arg18[%swap3A_2181, %swap3A_2182] {strides = array<i32>} : memref<4x128xf32, #tpu.memory_space<vmem>>, vector<16xf32>,
    tpu.vector_store %arg18[%swap3A_2181, %swap3A_2182], %add3A_2179 {strides = array<i32>} : memref<4x128xf32, #tpu.memory_space<vmem>>, vector<16xf32>,
    %get3A_2184 = arith.constant 3 : i32
    %get3A_2185 = arith.index_cast %get3A_2184 : i32 to index
    %get3A_2186 = arith.constant 112 : index
    %get3A_2187 = tpu.vector_load %arg16[%get3A_2185, %get3A_2186] {strides = array<i32>} : memref<4x128xf32, #tpu.memory_space<vmem>>, vector<16xf32>,
    %get3A_2188 = arith.constant 3 : i32
    %get3A_2189 = arith.index_cast %get3A_2188 : i32 to index
    %get3A_2190 = arith.constant 112 : index
    %get3A_2191 = tpu.vector_load %arg17[%get3A_2189, %get3A_2190] {strides = array<i32>} : memref<4x128xf32, #tpu.memory_space<vmem>>, vector<16xf32>,
    %add3A_2192 = arith.addf %get3A_2187, %get3A_2191 : vector<16xf32>
    %swap3A_2193 = arith.constant 3 : i32
    %swap3A_2194 = arith.index_cast %swap3A_2193 : i32 to index
    %swap3A_2195 = arith.constant 112 : index
    %swap3A_2196 = tpu.vector_load %arg18[%swap3A_2194, %swap3A_2195] {strides = array<i32>} : memref<4x128xf32, #tpu.memory_space<vmem>>, vector<16xf32>,
    tpu.vector_store %arg18[%swap3A_2194, %swap3A_2195], %add3A_2192 {strides = array<i32>} : memref<4x128xf32, #tpu.memory_space<vmem>>, vector<16xf32>,
    "tpu.region"() ({
      %run_scoped3A = tpu.sem_alloc : memref<!tpu.dma_semaphore, #tpu.memory_space<semaphore_mem>>
      %dma_start3A_2197 = arith.constant 0 : i32
      %dma_start3A_2198 = tpu.memref_slice %arg9[%mul3A_2, %dma_start3A_2197] : memref<128x128xf32, #tpu.memory_space<hbm>> -> memref<4x128xf32, #tpu.memory_space<hbm>>
      %dma_start3A_2199 = arith.constant 0 : i32
      %dma_start3A_2200 = tpu.memref_slice %arg9[%mul3A_2, %dma_start3A_2199] : memref<128x128xf32, #tpu.memory_space<hbm>> -> memref<4x128xf32, #tpu.memory_space<hbm>>
      tpu.enqueue_dma source(%arg18 : memref<4x128xf32, #tpu.memory_space<vmem>>) target(%dma_start3A_2200 : memref<4x128xf32, #tpu.memory_space<hbm>>) target_semaphore(%run_scoped3A : memref<!tpu.dma_semaphore, #tpu.memory_space<semaphore_mem>>)
      %dma_wait3A_2201 = arith.constant 0 : i32
      %dma_wait3A_2202 = tpu.memref_slice %arg9[%mul3A_2, %dma_wait3A_2201] : memref<128x128xf32, #tpu.memory_space<hbm>> -> memref<4x128xf32, #tpu.memory_space<hbm>>
      %dma_wait3A_2203 = arith.constant 0 : i32
      %dma_wait3A_2204 = tpu.memref_slice %arg9[%mul3A_2, %dma_wait3A_2203] : memref<128x128xf32, #tpu.memory_space<hbm>> -> memref<4x128xf32, #tpu.memory_space<hbm>>
      tpu.wait_dma2 semaphore(%run_scoped3A : memref<!tpu.dma_semaphore, #tpu.memory_space<semaphore_mem>>) src(%arg18 : memref<4x128xf32, #tpu.memory_space<vmem>>) dst(%dma_wait3A_2204 : memref<4x128xf32, #tpu.memory_space<hbm>>)
      tpu.yield
    }) : () -> ()
    return
  }
}

module attributes {stable_mosaic.version = 14 : i64} {
  func.func @_repack_body(%arg0: i32, %arg1: memref<16x4096xf32, #tpu.memory_space<vmem>>, %arg2: memref<16x4096xf32, #tpu.memory_space<vmem>>, %arg3: memref<16x4096xf32, #tpu.memory_space<vmem>>, %arg4: memref<16x4096xf32, #tpu.memory_space<vmem>>, %arg5: memref<16x4096xf32, #tpu.memory_space<vmem>>, %arg6: memref<16x4096xf32, #tpu.memory_space<vmem>>, %arg7: memref<16x4096xf32, #tpu.memory_space<vmem>>, %arg8: memref<16x4096xf32, #tpu.memory_space<vmem>>, %arg9: memref<16x4096xf32, #tpu.memory_space<vmem>>, %arg10: memref<16x4096xf32, #tpu.memory_space<vmem>>, %arg11: memref<16x4096xf32, #tpu.memory_space<vmem>>, %arg12: memref<16x4096xf32, #tpu.memory_space<vmem>>, %arg13: memref<16x4096xf32, #tpu.memory_space<vmem>>, %arg14: memref<16x4096xf32, #tpu.memory_space<vmem>>, %arg15: memref<16x4096xf32, #tpu.memory_space<vmem>>, %arg16: memref<16x4096xf32, #tpu.memory_space<vmem>>, %arg17: memref<1x32768xf32, #tpu.memory_space<vmem>>, %arg18: memref<1x32768xf32, #tpu.memory_space<vmem>>, %arg19: memref<4096x128xf32, #tpu.memory_space<vmem>>, %arg20: memref<4096x128xf32, #tpu.memory_space<vmem>>, %arg21: memref<256x128xf32, #tpu.memory_space<vmem>>, %arg22: memref<256x128xf32, #tpu.memory_space<vmem>>, %arg23: memref<128x4096xf32, #tpu.memory_space<vmem>>) attributes {dimension_semantics = [#tpu.dimension_semantics<arbitrary>], iteration_bounds = array<i64: 32>, scalar_prefetch = 0 : i64, scratch_operands = 1 : i64, tpu.core_type = #tpu.core_type<tc>, window_params = [{transform_indices = @transform_0, window_bounds = array<i64: 16, 4096>}, {transform_indices = @transform_1, window_bounds = array<i64: 16, 4096>}, {transform_indices = @transform_2, window_bounds = array<i64: 16, 4096>}, {transform_indices = @transform_3, window_bounds = array<i64: 16, 4096>}, {transform_indices = @transform_4, window_bounds = array<i64: 16, 4096>}, {transform_indices = @transform_5, window_bounds = array<i64: 16, 4096>}, {transform_indices = @transform_6, window_bounds = array<i64: 16, 4096>}, {transform_indices = @transform_7, window_bounds = array<i64: 16, 4096>}, {transform_indices = @transform_8, window_bounds = array<i64: 16, 4096>}, {transform_indices = @transform_9, window_bounds = array<i64: 16, 4096>}, {transform_indices = @transform_10, window_bounds = array<i64: 16, 4096>}, {transform_indices = @transform_11, window_bounds = array<i64: 16, 4096>}, {transform_indices = @transform_12, window_bounds = array<i64: 16, 4096>}, {transform_indices = @transform_13, window_bounds = array<i64: 16, 4096>}, {transform_indices = @transform_14, window_bounds = array<i64: 16, 4096>}, {transform_indices = @transform_15, window_bounds = array<i64: 16, 4096>}, {transform_indices = @transform_16, window_bounds = array<i64: 1, 32768>}, {transform_indices = @transform_17, window_bounds = array<i64: 1, 32768>}, {transform_indices = @transform_18, window_bounds = array<i64: 4096, 128>}, {transform_indices = @transform_19, window_bounds = array<i64: 4096, 128>}, {transform_indices = @transform_20, window_bounds = array<i64: 256, 128>}, {transform_indices = @transform_21, window_bounds = array<i64: 256, 128>}]} {
    %get3A = arith.constant 0 : index
    %get3A_0 = arith.constant 0 : index
    %get3A_1 = vector.load %arg1[%get3A, %get3A_0] : memref<16x4096xf32, #tpu.memory_space<vmem>>, vector<16x4096xf32>
    %swap3A = arith.constant 0 : index
    %swap3A_2 = arith.constant 0 : index
    %swap3A_3 = vector.load %arg23[%swap3A, %swap3A_2] : memref<128x4096xf32, #tpu.memory_space<vmem>>, vector<16x4096xf32>
    tpu.vector_store %arg23[%swap3A, %swap3A_2], %get3A_1 {strides = array<i32>} : memref<128x4096xf32, #tpu.memory_space<vmem>>, vector<16x4096xf32>,
    %get3A_4 = arith.constant 0 : index
    %get3A_5 = arith.constant 0 : index
    %get3A_6 = vector.load %arg2[%get3A_4, %get3A_5] : memref<16x4096xf32, #tpu.memory_space<vmem>>, vector<16x4096xf32>
    %swap3A_7 = arith.constant 16 : index
    %swap3A_8 = arith.constant 0 : index
    %swap3A_9 = vector.load %arg23[%swap3A_7, %swap3A_8] : memref<128x4096xf32, #tpu.memory_space<vmem>>, vector<16x4096xf32>
    tpu.vector_store %arg23[%swap3A_7, %swap3A_8], %get3A_6 {strides = array<i32>} : memref<128x4096xf32, #tpu.memory_space<vmem>>, vector<16x4096xf32>,
    %get3A_10 = arith.constant 0 : index
    %get3A_11 = arith.constant 0 : index
    %get3A_12 = vector.load %arg3[%get3A_10, %get3A_11] : memref<16x4096xf32, #tpu.memory_space<vmem>>, vector<16x4096xf32>
    %swap3A_13 = arith.constant 32 : index
    %swap3A_14 = arith.constant 0 : index
    %swap3A_15 = vector.load %arg23[%swap3A_13, %swap3A_14] : memref<128x4096xf32, #tpu.memory_space<vmem>>, vector<16x4096xf32>
    tpu.vector_store %arg23[%swap3A_13, %swap3A_14], %get3A_12 {strides = array<i32>} : memref<128x4096xf32, #tpu.memory_space<vmem>>, vector<16x4096xf32>,
    %get3A_16 = arith.constant 0 : index
    %get3A_17 = arith.constant 0 : index
    %get3A_18 = vector.load %arg4[%get3A_16, %get3A_17] : memref<16x4096xf32, #tpu.memory_space<vmem>>, vector<16x4096xf32>
    %swap3A_19 = arith.constant 48 : index
    %swap3A_20 = arith.constant 0 : index
    %swap3A_21 = vector.load %arg23[%swap3A_19, %swap3A_20] : memref<128x4096xf32, #tpu.memory_space<vmem>>, vector<16x4096xf32>
    tpu.vector_store %arg23[%swap3A_19, %swap3A_20], %get3A_18 {strides = array<i32>} : memref<128x4096xf32, #tpu.memory_space<vmem>>, vector<16x4096xf32>,
    %get3A_22 = arith.constant 0 : index
    %get3A_23 = arith.constant 0 : index
    %get3A_24 = vector.load %arg5[%get3A_22, %get3A_23] : memref<16x4096xf32, #tpu.memory_space<vmem>>, vector<16x4096xf32>
    %swap3A_25 = arith.constant 64 : index
    %swap3A_26 = arith.constant 0 : index
    %swap3A_27 = vector.load %arg23[%swap3A_25, %swap3A_26] : memref<128x4096xf32, #tpu.memory_space<vmem>>, vector<16x4096xf32>
    tpu.vector_store %arg23[%swap3A_25, %swap3A_26], %get3A_24 {strides = array<i32>} : memref<128x4096xf32, #tpu.memory_space<vmem>>, vector<16x4096xf32>,
    %get3A_28 = arith.constant 0 : index
    %get3A_29 = arith.constant 0 : index
    %get3A_30 = vector.load %arg6[%get3A_28, %get3A_29] : memref<16x4096xf32, #tpu.memory_space<vmem>>, vector<16x4096xf32>
    %swap3A_31 = arith.constant 80 : index
    %swap3A_32 = arith.constant 0 : index
    %swap3A_33 = vector.load %arg23[%swap3A_31, %swap3A_32] : memref<128x4096xf32, #tpu.memory_space<vmem>>, vector<16x4096xf32>
    tpu.vector_store %arg23[%swap3A_31, %swap3A_32], %get3A_30 {strides = array<i32>} : memref<128x4096xf32, #tpu.memory_space<vmem>>, vector<16x4096xf32>,
    %get3A_34 = arith.constant 0 : index
    %get3A_35 = arith.constant 0 : index
    %get3A_36 = vector.load %arg7[%get3A_34, %get3A_35] : memref<16x4096xf32, #tpu.memory_space<vmem>>, vector<16x4096xf32>
    %swap3A_37 = arith.constant 96 : index
    %swap3A_38 = arith.constant 0 : index
    %swap3A_39 = vector.load %arg23[%swap3A_37, %swap3A_38] : memref<128x4096xf32, #tpu.memory_space<vmem>>, vector<16x4096xf32>
    tpu.vector_store %arg23[%swap3A_37, %swap3A_38], %get3A_36 {strides = array<i32>} : memref<128x4096xf32, #tpu.memory_space<vmem>>, vector<16x4096xf32>,
    %get3A_40 = arith.constant 0 : index
    %get3A_41 = arith.constant 0 : index
    %get3A_42 = vector.load %arg8[%get3A_40, %get3A_41] : memref<16x4096xf32, #tpu.memory_space<vmem>>, vector<16x4096xf32>
    %swap3A_43 = arith.constant 112 : index
    %swap3A_44 = arith.constant 0 : index
    %swap3A_45 = vector.load %arg23[%swap3A_43, %swap3A_44] : memref<128x4096xf32, #tpu.memory_space<vmem>>, vector<16x4096xf32>
    tpu.vector_store %arg23[%swap3A_43, %swap3A_44], %get3A_42 {strides = array<i32>} : memref<128x4096xf32, #tpu.memory_space<vmem>>, vector<16x4096xf32>,
    %get3A_46 = arith.constant 0 : index
    %get3A_47 = arith.constant 0 : index
    %get3A_48 = vector.load %arg23[%get3A_46, %get3A_47] : memref<128x4096xf32, #tpu.memory_space<vmem>>, vector<128x4096xf32>
    %transpose3A = tpu.transpose %get3A_48, [1, 0] : vector<128x4096xf32> -> vector<4096x128xf32>
    %swap3A_49 = arith.constant 0 : index
    %swap3A_50 = arith.constant 0 : index
    %swap3A_51 = vector.load %arg19[%swap3A_49, %swap3A_50] : memref<4096x128xf32, #tpu.memory_space<vmem>>, vector<4096x128xf32>
    tpu.vector_store %arg19[%swap3A_49, %swap3A_50], %transpose3A {strides = array<i32>} : memref<4096x128xf32, #tpu.memory_space<vmem>>, vector<4096x128xf32>,
    %get3A_52 = arith.constant 0 : index
    %get3A_53 = arith.constant 0 : index
    %get3A_54 = vector.load %arg9[%get3A_52, %get3A_53] : memref<16x4096xf32, #tpu.memory_space<vmem>>, vector<16x4096xf32>
    %swap3A_55 = arith.constant 0 : index
    %swap3A_56 = arith.constant 0 : index
    %swap3A_57 = vector.load %arg23[%swap3A_55, %swap3A_56] : memref<128x4096xf32, #tpu.memory_space<vmem>>, vector<16x4096xf32>
    tpu.vector_store %arg23[%swap3A_55, %swap3A_56], %get3A_54 {strides = array<i32>} : memref<128x4096xf32, #tpu.memory_space<vmem>>, vector<16x4096xf32>,
    %get3A_58 = arith.constant 0 : index
    %get3A_59 = arith.constant 0 : index
    %get3A_60 = vector.load %arg10[%get3A_58, %get3A_59] : memref<16x4096xf32, #tpu.memory_space<vmem>>, vector<16x4096xf32>
    %swap3A_61 = arith.constant 16 : index
    %swap3A_62 = arith.constant 0 : index
    %swap3A_63 = vector.load %arg23[%swap3A_61, %swap3A_62] : memref<128x4096xf32, #tpu.memory_space<vmem>>, vector<16x4096xf32>
    tpu.vector_store %arg23[%swap3A_61, %swap3A_62], %get3A_60 {strides = array<i32>} : memref<128x4096xf32, #tpu.memory_space<vmem>>, vector<16x4096xf32>,
    %get3A_64 = arith.constant 0 : index
    %get3A_65 = arith.constant 0 : index
    %get3A_66 = vector.load %arg11[%get3A_64, %get3A_65] : memref<16x4096xf32, #tpu.memory_space<vmem>>, vector<16x4096xf32>
    %swap3A_67 = arith.constant 32 : index
    %swap3A_68 = arith.constant 0 : index
    %swap3A_69 = vector.load %arg23[%swap3A_67, %swap3A_68] : memref<128x4096xf32, #tpu.memory_space<vmem>>, vector<16x4096xf32>
    tpu.vector_store %arg23[%swap3A_67, %swap3A_68], %get3A_66 {strides = array<i32>} : memref<128x4096xf32, #tpu.memory_space<vmem>>, vector<16x4096xf32>,
    %get3A_70 = arith.constant 0 : index
    %get3A_71 = arith.constant 0 : index
    %get3A_72 = vector.load %arg12[%get3A_70, %get3A_71] : memref<16x4096xf32, #tpu.memory_space<vmem>>, vector<16x4096xf32>
    %swap3A_73 = arith.constant 48 : index
    %swap3A_74 = arith.constant 0 : index
    %swap3A_75 = vector.load %arg23[%swap3A_73, %swap3A_74] : memref<128x4096xf32, #tpu.memory_space<vmem>>, vector<16x4096xf32>
    tpu.vector_store %arg23[%swap3A_73, %swap3A_74], %get3A_72 {strides = array<i32>} : memref<128x4096xf32, #tpu.memory_space<vmem>>, vector<16x4096xf32>,
    %get3A_76 = arith.constant 0 : index
    %get3A_77 = arith.constant 0 : index
    %get3A_78 = vector.load %arg13[%get3A_76, %get3A_77] : memref<16x4096xf32, #tpu.memory_space<vmem>>, vector<16x4096xf32>
    %swap3A_79 = arith.constant 64 : index
    %swap3A_80 = arith.constant 0 : index
    %swap3A_81 = vector.load %arg23[%swap3A_79, %swap3A_80] : memref<128x4096xf32, #tpu.memory_space<vmem>>, vector<16x4096xf32>
    tpu.vector_store %arg23[%swap3A_79, %swap3A_80], %get3A_78 {strides = array<i32>} : memref<128x4096xf32, #tpu.memory_space<vmem>>, vector<16x4096xf32>,
    %get3A_82 = arith.constant 0 : index
    %get3A_83 = arith.constant 0 : index
    %get3A_84 = vector.load %arg14[%get3A_82, %get3A_83] : memref<16x4096xf32, #tpu.memory_space<vmem>>, vector<16x4096xf32>
    %swap3A_85 = arith.constant 80 : index
    %swap3A_86 = arith.constant 0 : index
    %swap3A_87 = vector.load %arg23[%swap3A_85, %swap3A_86] : memref<128x4096xf32, #tpu.memory_space<vmem>>, vector<16x4096xf32>
    tpu.vector_store %arg23[%swap3A_85, %swap3A_86], %get3A_84 {strides = array<i32>} : memref<128x4096xf32, #tpu.memory_space<vmem>>, vector<16x4096xf32>,
    %get3A_88 = arith.constant 0 : index
    %get3A_89 = arith.constant 0 : index
    %get3A_90 = vector.load %arg15[%get3A_88, %get3A_89] : memref<16x4096xf32, #tpu.memory_space<vmem>>, vector<16x4096xf32>
    %swap3A_91 = arith.constant 96 : index
    %swap3A_92 = arith.constant 0 : index
    %swap3A_93 = vector.load %arg23[%swap3A_91, %swap3A_92] : memref<128x4096xf32, #tpu.memory_space<vmem>>, vector<16x4096xf32>
    tpu.vector_store %arg23[%swap3A_91, %swap3A_92], %get3A_90 {strides = array<i32>} : memref<128x4096xf32, #tpu.memory_space<vmem>>, vector<16x4096xf32>,
    %get3A_94 = arith.constant 0 : index
    %get3A_95 = arith.constant 0 : index
    %get3A_96 = vector.load %arg16[%get3A_94, %get3A_95] : memref<16x4096xf32, #tpu.memory_space<vmem>>, vector<16x4096xf32>
    %swap3A_97 = arith.constant 112 : index
    %swap3A_98 = arith.constant 0 : index
    %swap3A_99 = vector.load %arg23[%swap3A_97, %swap3A_98] : memref<128x4096xf32, #tpu.memory_space<vmem>>, vector<16x4096xf32>
    tpu.vector_store %arg23[%swap3A_97, %swap3A_98], %get3A_96 {strides = array<i32>} : memref<128x4096xf32, #tpu.memory_space<vmem>>, vector<16x4096xf32>,
    %get3A_100 = arith.constant 0 : index
    %get3A_101 = arith.constant 0 : index
    %get3A_102 = vector.load %arg23[%get3A_100, %get3A_101] : memref<128x4096xf32, #tpu.memory_space<vmem>>, vector<128x4096xf32>
    %transpose3A_103 = tpu.transpose %get3A_102, [1, 0] : vector<128x4096xf32> -> vector<4096x128xf32>
    %swap3A_104 = arith.constant 0 : index
    %swap3A_105 = arith.constant 0 : index
    %swap3A_106 = vector.load %arg20[%swap3A_104, %swap3A_105] : memref<4096x128xf32, #tpu.memory_space<vmem>>, vector<4096x128xf32>
    tpu.vector_store %arg20[%swap3A_104, %swap3A_105], %transpose3A_103 {strides = array<i32>} : memref<4096x128xf32, #tpu.memory_space<vmem>>, vector<4096x128xf32>,
    %get3A_107 = arith.constant 0 : index
    %get3A_108 = arith.constant 0 : index
    %get3A_109 = vector.load %arg17[%get3A_107, %get3A_108] : memref<1x32768xf32, #tpu.memory_space<vmem>>, vector<1x32768xf32>
    %reshape3A = vector.shape_cast %get3A_109 : vector<1x32768xf32> to vector<256x128xf32>
    %swap3A_110 = arith.constant 0 : index
    %swap3A_111 = arith.constant 0 : index
    %swap3A_112 = vector.load %arg21[%swap3A_110, %swap3A_111] : memref<256x128xf32, #tpu.memory_space<vmem>>, vector<256x128xf32>
    tpu.vector_store %arg21[%swap3A_110, %swap3A_111], %reshape3A {strides = array<i32>} : memref<256x128xf32, #tpu.memory_space<vmem>>, vector<256x128xf32>,
    %get3A_113 = arith.constant 0 : index
    %get3A_114 = arith.constant 0 : index
    %get3A_115 = vector.load %arg18[%get3A_113, %get3A_114] : memref<1x32768xf32, #tpu.memory_space<vmem>>, vector<1x32768xf32>
    %reshape3A_116 = vector.shape_cast %get3A_115 : vector<1x32768xf32> to vector<256x128xf32>
    %swap3A_117 = arith.constant 0 : index
    %swap3A_118 = arith.constant 0 : index
    %swap3A_119 = vector.load %arg22[%swap3A_117, %swap3A_118] : memref<256x128xf32, #tpu.memory_space<vmem>>, vector<256x128xf32>
    tpu.vector_store %arg22[%swap3A_117, %swap3A_118], %reshape3A_116 {strides = array<i32>} : memref<256x128xf32, #tpu.memory_space<vmem>>, vector<256x128xf32>,
    return
  }
  func.func @transform_0(%arg0: i32) -> (i32, i32) {
    %add3A = arith.constant 0 : i32
    %add3A_0 = arith.addi %add3A, %arg0 : i32
    %min3A = arith.constant 244 : i32
    %min3A_1 = arith.minsi %add3A_0, %min3A : i32
    %c0_i32 = arith.constant 0 : i32
    %c0_i32_2 = arith.constant 0 : i32
    return %c0_i32, %min3A_1 : i32, i32
  }
  func.func @transform_1(%arg0: i32) -> (i32, i32) {
    %add3A = arith.constant 32 : i32
    %add3A_0 = arith.addi %add3A, %arg0 : i32
    %min3A = arith.constant 244 : i32
    %min3A_1 = arith.minsi %add3A_0, %min3A : i32
    %c0_i32 = arith.constant 0 : i32
    %c0_i32_2 = arith.constant 0 : i32
    return %c0_i32, %min3A_1 : i32, i32
  }
  func.func @transform_2(%arg0: i32) -> (i32, i32) {
    %add3A = arith.constant 64 : i32
    %add3A_0 = arith.addi %add3A, %arg0 : i32
    %min3A = arith.constant 244 : i32
    %min3A_1 = arith.minsi %add3A_0, %min3A : i32
    %c0_i32 = arith.constant 0 : i32
    %c0_i32_2 = arith.constant 0 : i32
    return %c0_i32, %min3A_1 : i32, i32
  }
  func.func @transform_3(%arg0: i32) -> (i32, i32) {
    %add3A = arith.constant 96 : i32
    %add3A_0 = arith.addi %add3A, %arg0 : i32
    %min3A = arith.constant 244 : i32
    %min3A_1 = arith.minsi %add3A_0, %min3A : i32
    %c0_i32 = arith.constant 0 : i32
    %c0_i32_2 = arith.constant 0 : i32
    return %c0_i32, %min3A_1 : i32, i32
  }
  func.func @transform_4(%arg0: i32) -> (i32, i32) {
    %add3A = arith.constant 128 : i32
    %add3A_0 = arith.addi %add3A, %arg0 : i32
    %min3A = arith.constant 244 : i32
    %min3A_1 = arith.minsi %add3A_0, %min3A : i32
    %c0_i32 = arith.constant 0 : i32
    %c0_i32_2 = arith.constant 0 : i32
    return %c0_i32, %min3A_1 : i32, i32
  }
  func.func @transform_5(%arg0: i32) -> (i32, i32) {
    %add3A = arith.constant 160 : i32
    %add3A_0 = arith.addi %add3A, %arg0 : i32
    %min3A = arith.constant 244 : i32
    %min3A_1 = arith.minsi %add3A_0, %min3A : i32
    %c0_i32 = arith.constant 0 : i32
    %c0_i32_2 = arith.constant 0 : i32
    return %c0_i32, %min3A_1 : i32, i32
  }
  func.func @transform_6(%arg0: i32) -> (i32, i32) {
    %add3A = arith.constant 192 : i32
    %add3A_0 = arith.addi %add3A, %arg0 : i32
    %min3A = arith.constant 244 : i32
    %min3A_1 = arith.minsi %add3A_0, %min3A : i32
    %c0_i32 = arith.constant 0 : i32
    %c0_i32_2 = arith.constant 0 : i32
    return %c0_i32, %min3A_1 : i32, i32
  }
  func.func @transform_7(%arg0: i32) -> (i32, i32) {
    %add3A = arith.constant 224 : i32
    %add3A_0 = arith.addi %add3A, %arg0 : i32
    %min3A = arith.constant 244 : i32
    %min3A_1 = arith.minsi %add3A_0, %min3A : i32
    %c0_i32 = arith.constant 0 : i32
    %c0_i32_2 = arith.constant 0 : i32
    return %c0_i32, %min3A_1 : i32, i32
  }
  func.func @transform_8(%arg0: i32) -> (i32, i32) {
    %add3A = arith.constant 0 : i32
    %add3A_0 = arith.addi %add3A, %arg0 : i32
    %min3A = arith.constant 244 : i32
    %min3A_1 = arith.minsi %add3A_0, %min3A : i32
    %c0_i32 = arith.constant 0 : i32
    %c0_i32_2 = arith.constant 0 : i32
    return %c0_i32, %min3A_1 : i32, i32
  }
  func.func @transform_9(%arg0: i32) -> (i32, i32) {
    %add3A = arith.constant 32 : i32
    %add3A_0 = arith.addi %add3A, %arg0 : i32
    %min3A = arith.constant 244 : i32
    %min3A_1 = arith.minsi %add3A_0, %min3A : i32
    %c0_i32 = arith.constant 0 : i32
    %c0_i32_2 = arith.constant 0 : i32
    return %c0_i32, %min3A_1 : i32, i32
  }
  func.func @transform_10(%arg0: i32) -> (i32, i32) {
    %add3A = arith.constant 64 : i32
    %add3A_0 = arith.addi %add3A, %arg0 : i32
    %min3A = arith.constant 244 : i32
    %min3A_1 = arith.minsi %add3A_0, %min3A : i32
    %c0_i32 = arith.constant 0 : i32
    %c0_i32_2 = arith.constant 0 : i32
    return %c0_i32, %min3A_1 : i32, i32
  }
  func.func @transform_11(%arg0: i32) -> (i32, i32) {
    %add3A = arith.constant 96 : i32
    %add3A_0 = arith.addi %add3A, %arg0 : i32
    %min3A = arith.constant 244 : i32
    %min3A_1 = arith.minsi %add3A_0, %min3A : i32
    %c0_i32 = arith.constant 0 : i32
    %c0_i32_2 = arith.constant 0 : i32
    return %c0_i32, %min3A_1 : i32, i32
  }
  func.func @transform_12(%arg0: i32) -> (i32, i32) {
    %add3A = arith.constant 128 : i32
    %add3A_0 = arith.addi %add3A, %arg0 : i32
    %min3A = arith.constant 244 : i32
    %min3A_1 = arith.minsi %add3A_0, %min3A : i32
    %c0_i32 = arith.constant 0 : i32
    %c0_i32_2 = arith.constant 0 : i32
    return %c0_i32, %min3A_1 : i32, i32
  }
  func.func @transform_13(%arg0: i32) -> (i32, i32) {
    %add3A = arith.constant 160 : i32
    %add3A_0 = arith.addi %add3A, %arg0 : i32
    %min3A = arith.constant 244 : i32
    %min3A_1 = arith.minsi %add3A_0, %min3A : i32
    %c0_i32 = arith.constant 0 : i32
    %c0_i32_2 = arith.constant 0 : i32
    return %c0_i32, %min3A_1 : i32, i32
  }
  func.func @transform_14(%arg0: i32) -> (i32, i32) {
    %add3A = arith.constant 192 : i32
    %add3A_0 = arith.addi %add3A, %arg0 : i32
    %min3A = arith.constant 244 : i32
    %min3A_1 = arith.minsi %add3A_0, %min3A : i32
    %c0_i32 = arith.constant 0 : i32
    %c0_i32_2 = arith.constant 0 : i32
    return %c0_i32, %min3A_1 : i32, i32
  }
  func.func @transform_15(%arg0: i32) -> (i32, i32) {
    %add3A = arith.constant 224 : i32
    %add3A_0 = arith.addi %add3A, %arg0 : i32
    %min3A = arith.constant 244 : i32
    %min3A_1 = arith.minsi %add3A_0, %min3A : i32
    %c0_i32 = arith.constant 0 : i32
    %c0_i32_2 = arith.constant 0 : i32
    return %c0_i32, %min3A_1 : i32, i32
  }
  func.func @transform_16(%arg0: i32) -> (i32, i32) {
    %min3A = arith.constant 30 : i32
    %min3A_0 = arith.minsi %arg0, %min3A : i32
    %c0_i32 = arith.constant 0 : i32
    %c0_i32_1 = arith.constant 0 : i32
    return %c0_i32, %min3A_0 : i32, i32
  }
  func.func @transform_17(%arg0: i32) -> (i32, i32) {
    %min3A = arith.constant 30 : i32
    %min3A_0 = arith.minsi %arg0, %min3A : i32
    %c0_i32 = arith.constant 0 : i32
    %c0_i32_1 = arith.constant 0 : i32
    return %c0_i32, %min3A_0 : i32, i32
  }
  func.func @transform_18(%arg0: i32) -> (i32, i32) {
    %c0_i32 = arith.constant 0 : i32
    %c0_i32_0 = arith.constant 0 : i32
    return %arg0, %c0_i32 : i32, i32
  }
  func.func @transform_19(%arg0: i32) -> (i32, i32) {
    %c0_i32 = arith.constant 0 : i32
    %c0_i32_0 = arith.constant 0 : i32
    return %arg0, %c0_i32 : i32, i32
  }
  func.func @transform_20(%arg0: i32) -> (i32, i32) {
    %c0_i32 = arith.constant 0 : i32
    %c0_i32_0 = arith.constant 0 : i32
    return %arg0, %c0_i32 : i32, i32
  }
  func.func @transform_21(%arg0: i32) -> (i32, i32) {
    %c0_i32 = arith.constant 0 : i32
    %c0_i32_0 = arith.constant 0 : i32
    return %arg0, %c0_i32 : i32, i32
  }
}

module attributes {stable_mosaic.version = 14 : i64} {
  func.func @_combine_body(%arg0: memref<32x16xf32, #tpu.memory_space<vmem>>, %arg1: memref<128x128xf32, #tpu.memory_space<vmem>>, %arg2: memref<128x128xf32, #tpu.memory_space<vmem>>) attributes {dimension_semantics = [], scalar_prefetch = 0 : i64, scratch_operands = 0 : i64, tpu.core_type = #tpu.core_type<tc>} {
    %get3A = arith.constant 0 : index
    %get3A_0 = arith.constant 0 : index
    %get3A_1 = vector.load %arg0[%get3A, %get3A_0] : memref<32x16xf32, #tpu.memory_space<vmem>>, vector<32x16xf32>
    %reduce_sum3A = vector.shape_cast %get3A_1 : vector<32x16xf32> to vector<1x32x16xf32>
    %reduce_sum3A_2 = arith.constant dense<0.000000e+00> : vector<1xf32>
    %reduce_sum3A_3 = vector.multi_reduction <add>, %reduce_sum3A, %reduce_sum3A_2 [1, 2] : vector<1x32x16xf32> to vector<1xf32>
    %reduce_sum3A_4 = vector.shape_cast %reduce_sum3A_3 : vector<1xf32> to vector<1x1x1xf32>
    %reduce_sum3A_5 = vector.extract %reduce_sum3A_4[0, 0, 0] : f32 from vector<1x1x1xf32>
    %get3A_6 = arith.constant 0 : index
    %get3A_7 = arith.constant 0 : index
    %get3A_8 = vector.load %arg1[%get3A_6, %get3A_7] : memref<128x128xf32, #tpu.memory_space<vmem>>, vector<128x128xf32>
    %add3A = vector.broadcast %reduce_sum3A_5 : f32 to vector<128x128xf32>
    %add3A_9 = arith.addf %add3A, %get3A_8 : vector<128x128xf32>
    %logistic3A = arith.negf %add3A_9 : vector<128x128xf32>
    %logistic3A_10 = math.exp %logistic3A : vector<128x128xf32>
    %logistic3A_11 = arith.constant 1.000000e+00 : f32
    %logistic3A_12 = vector.broadcast %logistic3A_11 : f32 to vector<128x128xf32>
    %logistic3A_13 = arith.addf %logistic3A_12, %logistic3A_10 : vector<128x128xf32>
    %logistic3A_14 = arith.divf %logistic3A_12, %logistic3A_13 : vector<128x128xf32>
    %swap3A = arith.constant 0 : index
    %swap3A_15 = arith.constant 0 : index
    %swap3A_16 = vector.load %arg2[%swap3A, %swap3A_15] : memref<128x128xf32, #tpu.memory_space<vmem>>, vector<128x128xf32>
    tpu.vector_store %arg2[%swap3A, %swap3A_15], %logistic3A_14 {strides = array<i32>} : memref<128x128xf32, #tpu.memory_space<vmem>>, vector<128x128xf32>,
    return
  }
}

</mosaic_0001>

<sc_bundles>
// kernel: kernel.5.cloned.1.call-start
scs
__scs_entry_jumppad:
0x0: {  	(pc) =	sbr.rel $0x88, $3  }
0x1: {  	(tag) =	ssettag $0x0;
	lr =	simm.s32 $0x1  }
0x2: {  	[smem:$0x3F9C] =	sst lr;
	_ =	strace $0xD0000000  }
0x3: {  	_ = 	snop  }
0x4: {  	_ = 	snop  }
0x5: {  	_ = 	snop  }
0x6: {  	_ = 	snop  }
0x7: {  	_ = 	snop  }
__scs_overlays_trampoline_lowered:
0x8: {  	[smem:$0x3FAB] =	sst s0  }
0x9: {  	[smem:$0x3FAC] =	sst s1  }
0xa: {  	[smem:$0x3FAD] =	sst s2  }
0xb: {  	[smem:$0x3FAE] =	sst s3  }
0xc: {  	[smem:$0x3FAF] =	sst s4  }
0xd: {  	[smem:$0x3FB0] =	sst s5  }
0xe: {  	[smem:$0x3FB1] =	sst s6  }
0xf: {  	[smem:$0x3FB2] =	sst s7  }
0x10: {  	[smem:$0x3FB3] =	sst s8  }
0x11: {  	[smem:$0x3FB4] =	sst s9;
	s0 =	simm.s32 @!p0 $0x0  }
0x12: {  	s1 =	sld [smem:$0x3F9A];
	s0 =	simm.s32 @p0 $0x1  }
0x13: {  	[smem:$0x3FB5] =	sst s0;
	s0 =	simm.s32 @!p1 $0x0  }
0x14: {  	s2 =	sld [smem:$0x3F99];
	s0 =	simm.s32 @p1 $0x1  }
0x15: {  	[smem:$0x3FB6] =	sst s0;
	s0 =	simm.s32 @!p2 $0x0  }
0x16: {  	s3 =	sld [smem:$0x3FDB];
	s0 =	simm.s32 @p2 $0x1  }
0x17: {  	s4 =	simm.s32 $0x1BF5;
	[smem:$0x3FB8] =	sst s0  }
0x18: {  	s0 =	sld [smem:$0x3F9B];
	_ =	swait.ge [sflag:s4], $0x0  }
0x19: {  	s7 =	sld [smem:$0x3F9C]  }
0x1a: {  	s8 =	sadd.s32 $0xFFFFE003, lr  }
0x1b: {  	s9 =	sadd.s32 $0xFFFFFEF7, lr;
	s5 =	simm.s32 $0xFFFFFFFF;
	p2 =	slt.u32 s8, $0xFFFFF086  }
0x1c: {  	p1 =	slt.u32 s9, $0xF7A;
	s5 =	simm.s32 @!p2 $0x0  }
0x1d: {  	s5 =	simm.s32 @p1 $0x1;
	p0 =	seq.s32 s7, s2  }
0x1e: {  	s7 =	smul.u32 @!p0 $0xF7A, s2;
	p2 =	seq.s32 @!p0 s5, $0x0  }
0x1f: {  	s9 =	smul.u32 $0xF7A, s1;
	s8 =	simm.s32 @!p0 $0x1BF5;
	p2 =	por !p2, p0  }
0x20: {  	[sflag:s8] =	ssyncset.s32 @!p0 $0xFFFFF086;
	s6 =	sadd.s32 @!p0 s3, s7;
	s7 =	simm.s32 @!p0 $0x108  }
0x21: {  	s3 =	sadd.s32 s3, s9;
	s6 =	sadd.s32 @!p0 $0x88, s6;
	s7 =	simm.s32 @p2 $0x1082  }
0x22: {  	[simem:s7], [sflag:s8] =	dma.local @!p0 [hbm:s6], $0xF7A  }
0x23: {  	s9 =	sor.u32 $0xD0000000, s2;
	s6 =	simm.s32 $0x108;
	_ =	swait.ge @!p0 [sflag:s8], $0x0  }
0x24: {  	s3 =	sadd.s32 $0x88, s3;
	s6 =	simm.s32 @!p1 $0x1082;
	[sflag:s4] =	ssyncset.s32 $0xFFFFF086  }
0x25: {  	[simem:s6], [sflag:s4] =	dma.local [hbm:s3], $0xF7A  }
0x26: {  	[smem:$0x3F9C] =	sst s1;
	(tag) =	ssettag s2;
	_ =	strace s9  }
0x27: {  	s1 =	sld [smem:$0x3FAC]  }
0x28: {  	s2 =	sld [smem:$0x3FAD]  }
0x29: {  	s4 =	sld [smem:$0x3FAF]  }
0x2a: {  	p0 =	seq.s32 s5, $0x0;
	s5 =	sld [smem:$0x3FB0]  }
0x2b: {  	s6 =	sld [smem:$0x3FB1]  }
0x2c: {  	s7 =	sld [smem:$0x3FB2]  }
0x2d: {  	s3 =	simm.s32 $0x108;
	s8 =	sld [smem:$0x3FB3]  }
0x2e: {  	s3 =	simm.s32 @!p0 $0x1082;
	s9 =	sld [smem:$0x3FB4]  }
0x2f: {  	lr =	sadd.s32 s0, s3;
	s0 =	sld [smem:$0x3FAB]  }
0x30: {  	s3 =	sld [smem:$0x3FAE]  }
0x31: {  	[smem:$0x3FB7] =	sst s10  }
0x32: {  	s10 =	sld [smem:$0x3FB5];
	_ =	sdelay $0x3  }
0x33: {  	p0 =	seq.s32 s10, $0x1;
	s10 =	sld [smem:$0x3FB7];
	_ =	sdelay $0x3  }
0x34: {  	[smem:$0x3FB7] =	sst s10  }
0x35: {  	s10 =	sld [smem:$0x3FB6];
	_ =	sdelay $0x3  }
0x36: {  	p1 =	seq.s32 s10, $0x1;
	s10 =	sld [smem:$0x3FB7];
	_ =	sdelay $0x3  }
0x37: {  	[smem:$0x3FB7] =	sst s10  }
0x38: {  	s10 =	sld [smem:$0x3FB8]  }
0x39: {  	_ = 	snop;
	(pc) =	sbr.ind lr, $3  }
0x3a: {  	_ = 	snop  }
0x3b: {  	_ = 	snop  }
0x3c: {  	p2 =	seq.s32 s10, $0x1;
	s10 =	sld [smem:$0x3FB7]  }
0x3d: {  	_ =	shalt  }
0x3e: {  	_ =	shalt  }
0x3f: {  	_ =	shalt  }
0x40: {  	_ =	shalt  }
0x41: {  	_ =	shalt  }
0x42: {  	_ =	shalt  }
0x43: {  	_ =	shalt  }
0x44: {  	_ =	shalt  }
0x45: {  	_ =	shalt  }
0x46: {  	_ =	shalt  }
0x47: {  	_ =	shalt  }
0x48: {  	_ =	shalt  }
0x49: {  	_ =	shalt  }
0x4a: {  	_ =	shalt  }
0x4b: {  	_ =	shalt  }
0x4c: {  	_ =	shalt  }
0x4d: {  	_ =	shalt  }
0x4e: {  	_ =	shalt  }
0x4f: {  	_ =	shalt  }
0x50: {  	_ =	shalt  }
0x51: {  	_ =	shalt  }
0x52: {  	_ =	shalt  }
0x53: {  	_ =	shalt  }
0x54: {  	_ =	shalt  }
0x55: {  	_ =	shalt  }
0x56: {  	_ =	shalt  }
0x57: {  	_ =	shalt  }
0x58: {  	_ =	shalt  }
0x59: {  	_ =	shalt  }
0x5a: {  	_ =	shalt  }
0x5b: {  	_ =	shalt  }
0x5c: {  	_ =	shalt  }
0x5d: {  	_ =	shalt  }
0x5e: {  	_ =	shalt  }
0x5f: {  	_ =	shalt  }
0x60: {  	_ =	shalt  }
0x61: {  	_ =	shalt  }
0x62: {  	_ =	shalt  }
0x63: {  	_ =	shalt  }
0x64: {  	_ =	shalt  }
0x65: {  	_ =	shalt  }
0x66: {  	_ =	shalt  }
0x67: {  	_ =	shalt  }
0x68: {  	_ =	shalt  }
0x69: {  	_ =	shalt  }
0x6a: {  	_ =	shalt  }
0x6b: {  	_ =	shalt  }
0x6c: {  	_ =	shalt  }
0x6d: {  	_ =	shalt  }
0x6e: {  	_ =	shalt  }
0x6f: {  	_ =	shalt  }
0x70: {  	_ =	shalt  }
0x71: {  	_ =	shalt  }
0x72: {  	_ =	shalt  }
0x73: {  	_ =	shalt  }
0x74: {  	_ =	shalt  }
0x75: {  	_ =	shalt  }
0x76: {  	_ =	shalt  }
0x77: {  	_ =	shalt  }
0x78: {  	_ =	shalt  }
0x79: {  	_ =	shalt  }
0x7a: {  	_ =	shalt  }
0x7b: {  	_ =	shalt  }
0x7c: {  	_ =	shalt  }
0x7d: {  	_ =	shalt  }
0x7e: {  	_ =	shalt  }
0x7f: {  	_ =	shalt  }
0x80: {  	_ =	shalt  }
0x81: {  	_ =	shalt  }
0x82: {  	_ =	shalt  }
0x83: {  	_ =	shalt  }
0x84: {  	_ =	shalt  }
0x85: {  	_ =	shalt  }
0x86: {  	_ =	shalt  }
0x87: {  	_ =	shalt  }
.Lfunc_end0:
.L_simem_size_0:
called_computation_lowered:
.L_overlay_start_0:
0x88: {  	s2 =	sld [smem:$0x3FD9]  }
0x89: {  	s3 =	sld [smem:$0x3FFE];
	_ =	sdelay $0x1  }
0x8a: {  	s1 =	srdreg.scid  }
0x8b: {  	s0 =	sand.u32 $0x1, s1  }
0x8c: {  	s17 =	sshll.u32 s0, $0xA;
	s2 =	sadd.s32 s3, s2  }
0x8d: {  	s2 =	sadd.s32 s2, s17  }
0x8e: {  	[smem:$0x3FC3] =	sst s2  }
0x8f: {  	_ = 	snop  }
0x90: {  	s2 =	sld [smem:$0x3FD0];
	(tm) =	ssettm $0x1  }
0x91: {  	s18 =	sld [smem:$0x3FFB];
	_ =	sdelay $0x3  }
0x92: {  	_ =	strace s18  }
0x93: {  	s3 =	sld [smem:$0x3FFC];
	_ =	sdelay $0x3  }
0x94: {  	_ =	strace s3  }
0x95: {  	s3 =	sld [smem:$0x3FFD];
	_ =	sdelay $0x3  }
0x96: {  	_ =	strace s3  }
0x97: {  	_ =	strace $0x8FFFFFFF  }
0x98: {  	s19 =	sld [smem:$0x3FDB];
	_ =	sdelay $0x1  }
0x99: {  	s4 =	simm.s32 $_scs_section_size  }
0x9a: {  	s5 =	simm.s32 $_size__tile_overlayer_lowered;
	s6 =	simm.s32 $_tile_overlayer_lowered  }
0x9b: {  	s22 =	simm.s32 $0x1BFF;
	s21 =	sshll.u32 s6, $0x1;
	s3 =	sadd.s32 s4, s19  }
0x9c: {  	s7 =	simm.s32 $0x0;
	s20 =	sshll.u32 s5, $0x1;
	s5 =	sadd.s32 s21, s3  }
0x9d: {  	[timem:s7], [sflag:s22] =	dma.local [hbm:s5], s20  }
0x9e: {  	_ =	swait.ge [sflag:s22], s20  }
0x9f: {  	s4 =	ssub.s32 $0x0, s20;
	[sflag:s22] =	ssyncset.done $0x0  }
0xa0: {  	[sflag:s22] =	ssyncadd.s32 s4;
	_ =	sdelay $0x1  }
0xa1: {  	s23 =	simm.s32 $0x1B8B  }
0xa2: {  	_ =	swait.ge [sflag:s23], $0x1  }
0xa3: {  	[sflag:s23] =	ssyncset.done $0x0  }
0xa4: {  	s25 =	simm.s32 $0x1B8E;
	s24 =	sld [smem:$0x3FFE];
	[sflag:s23] =	ssyncadd.s32 $0xFFFFFFFF  }
0xa5: {  	s26 =	simm.s32 $execute0_lowered;
	[smem:$0x3FD2] =	sst s25  }
0xa6: {  	s5 =	sshll.u32 s26, $0x1;
	_ =	strace $0x80000046;
	[dreg:$0x1] =	wrdreg $0xFFFFFFFF  }
0xa7: {  	s28 =	simm.s32 $_size_execute0_lowered;
	s3 =	sadd.s32 s3, s5;
	[dreg:$0x0] =	wrdreg $0x0  }
0xa8: {  	s5 =	sshll.u32 s28, $0x1;
	[dreg:$0x2] =	wrdreg s3  }
0xa9: {  	[dreg:$0x3] =	wrdreg s5  }
0xaa: {  	[dreg:$0x4] =	wrdreg $0xC0  }
0xab: {  	_ =	task [dreg:s7], $0x5FFFF  }
0xac: {  	[dreg:$0x1] =	wrdreg $0xFFFFFFFF  }
0xad: {  	[dreg:$0x0] =	wrdreg $0x60  }
0xae: {  	[dreg:$0x2] =	wrdreg s24  }
0xaf: {  	[dreg:$0x3] =	wrdreg s2  }
0xb0: {  	[dreg:$0x4] =	wrdreg $0x9  }
0xb1: {  	_ =	task.clear_ibuf [dreg:s7], $0x5FFFF;
	_ =	strace $0x90000046  }
0xb2: {  	s29 =	simm.s32 $0x9;
	_ =	strace $0x80000048  }
0xb3: {  	_ =	swait.ge [sflag:s29], $0x1  }
0xb4: {  	[sflag:s29] =	ssyncadd.s32 $0xFFFFFFFF  }
0xb5: {  	_ =	strace $0x90000048  }
0xb6: {  	_ =	sfence  }
0xb7: {  	s30 =	sld [smem:$0x0];
	_ =	sdelay $0x2  }
0xb8: {  	s31 =	sshll.u32 s1, $0xD;
	s1 =	sshrl.u32 s1, $0x2  }
0xb9: {  	s3 =	sand.u32 $0x4000, s31;
	s1 =	sadd.s32 s1, s30  }
0xba: {  	s0 =	sor.u32 s3, s0;
	s1 =	sshll.u32 s1, $0x11  }
0xbb: {  	s0 =	sor.u32 s1, s0  }
0xbc: {  	s0 =	sadd.s32 $0x8F2B, s0  }
0xbd: {  	[sflag:s0] =	ssyncadd.remote.s32 $0x1  }
0xbe: {  	_ =	sfence.sel $0xFFFF  }
0xbf: {  	[dreg:$0x0] =	wrdreg $0xFFFFFFFF;
	(pc) =	sbr.abs _section_cstart, $3  }
0xc0: {  	[dreg:$0x1] =	wrdreg $0xFFFFFFFF  }
0xc1: {  	_ =	task.clear_ibuf [dreg:s7], $0x2FFFF;
	_ =	strace $0x9FFFFFFF  }
0xc2: {  	(tm) =	ssettm $0x7FFFFFFF  }
0xc3: {  	_ =	shalt  }
tec
execute0_lowered:
.L_overlay_start_1:
0x0: {  	(tag) =	ssettag $0x1  }
0x1: {  	s0 =	rddreg [dreg:$0x0]  }
0x2: {  	s2 =	rddreg [dreg:$0x1];
	s1 =	simm.s32 $0x0  }
0x3: {  	s5 =	srdreg.scid;
	s6 =	stileid.u32;
	s12 =	simm.s32 $0x3  }
0x4: {  	s13 =	simm.s32 $0x200;
	s14 =	simm.s32 $0x80;
	s30 =	simm.s32 $0x800  }
0x5: {  	s31 =	simm.s32 $0x600;
	s15 =	simm.s32 $0x480;
	s16 =	simm.s32 $0x1000  }
0x6: {  	s17 =	simm.s32 $0x680;
	s18 =	simm.s32 $0x2000;
	s19 =	simm.s32 $0x500  }
0x7: {  	s20 =	simm.s32 $0x700;
	s21 =	simm.s32 $0x580;
	s22 =	simm.s32 $0x780  }
0x8: {  	s23 =	simm.s32 $0x2E00;
	s24 =	simm.s32 $0x2;
	s25 =	simm.s32 $0x2C00  }
0x9: {  	s26 =	simm.s32 $0x0;
	[smem:$0x7FF] =	sst s1;
	s3 =	sadd.s32 $0x1E00, s0  }
0xa: {  	s4 =	sadd.s32 $0x401E00, s0;
	s7 =	sand.u32 $0x1, s5;
	s8 =	sshll.u32 s6, $0x1  }
0xb: {  	s5 =	sadd.s32 $0x201E00, s0;
	s6 =	sadd.s32 $0x421E00, s0;
	s8 =	sor.u32 s7, s8  }
0xc: {  	_ =	strace $0x80000047;
	s7 =	ssub.s32 $0x2, s7;
	s9 =	sshll.u32 s8, $0x1  }
0xd: {  	s8 =	sshll.u32 s8, $0x6;
	s10 =	sshrl.u32 s7, $0x1;
	s9 =	sadd.s32 s9, s0  }
0xe: {  	s0 =	sadd.s32 s8, s0;
	s11 =	ssub.s32 s7, s10;
	s8 =	sadd.s32 s2, s8  }
0xf: {  	s2 =	simm.s32 $0x1;
	s7 =	sadd.s32 $0x1600, s0;
	s9 =	sadd.s32 $0x441E00, s9  }
0x10: {  	s10 =	sadd.s32 $0x442000, s0;
	s11 =	smax.u32 s11, $0x1;
	s0 =	simm.s32 $0x1800  }
.LBB2_1:
0x11: {  	[tilespmem:s1], [sflag:$0x3] =	stream.linear.gather [hbm4b:s7+s1], $0x200, $0x38;
	[tilespmem:$0x2E10] =	vst v63  }
0x12: {  	_ =	swait.ge [sflag:s12], $0x200  }
0x13: {  	[sflag:s12] =	ssyncset.done $0x0  }
0x14: {  	[sflag:s12] =	ssyncadd.s32 $0xFFFFFE00  }
0x15: {  	[tilespmem:s13], [sflag:$0x3] =	stream.linear.gather [hbm4b:s8+s1], $0x200, $0x38;
	[tilespmem:$0x2E10] =	vst v63  }
0x16: {  	_ =	swait.ge [sflag:s12], $0x200  }
0x17: {  	[sflag:s12] =	ssyncset.done $0x0  }
0x18: {  	[sflag:s12] =	ssyncadd.s32 $0xFFFFFE00  }
0x19: {  	v0 =	vld [tilespmem:$0x0]  }
0x1a: {  	v1 =	vld [tilespmem:$0x200]  }
0x1b: {  	v2 =	vld [tilespmem:$0x10]  }
0x1c: {  	v3 =	vld [tilespmem:$0x210]  }
0x1d: {  	v5 =	vld [tilespmem:$0x20]  }
0x1e: {  	v7 =	vld [tilespmem:$0x220]  }
0x1f: {  	v34 =	vld [tilespmem:$0x30]  }
0x20: {  	v9 =	vld [tilespmem:$0x230]  }
0x21: {  	v10 =	vld [tilespmem:$0x40]  }
0x22: {  	v39 =	vld [tilespmem:$0x240]  }
0x23: {  	v12 =	vld [tilespmem:$0x50]  }
0x24: {  	v13 =	vld [tilespmem:$0x250]  }
0x25: {  	v44 =	vld [tilespmem:$0x60]  }
0x26: {  	v15 =	vld [tilespmem:$0x260]  }
0x27: {  	v16 =	vld [tilespmem:$0x70]  }
0x28: {  	v49 =	vld [tilespmem:$0x270];
	v4 =	vshll.u32 v0, $0x3;
	v6 =	vshll.u32 v1, $0x3;
	v0 =	vshrl.u32 v0, $0x11  }
0x29: {  	v18 =	vld [tilespmem:$0x80];
	v1 =	vshrl.u32 v1, $0x11;
	v33 =	vshll.u32 v2, $0x3;
	v2 =	vshrl.u32 v2, $0x11  }
0x2a: {  	v19 =	vld [tilespmem:$0x280];
	v8 =	vshll.u32 v3, $0x3;
	v36 =	vshll.u32 v5, $0x3;
	v3 =	vshrl.u32 v3, $0x11  }
0x2b: {  	v54 =	vld [tilespmem:$0x90];
	v5 =	vshrl.u32 v5, $0x11;
	v38 =	vshll.u32 v7, $0x3;
	v7 =	vshrl.u32 v7, $0x11  }
0x2c: {  	v21 =	vld [tilespmem:$0x290];
	v11 =	vshll.u32 v34, $0x3;
	v41 =	vshll.u32 v9, $0x3;
	v9 =	vshrl.u32 v9, $0x11  }
0x2d: {  	v22 =	vld [tilespmem:$0xA0];
	v43 =	vshll.u32 v10, $0x3;
	v10 =	vshrl.u32 v10, $0x11;
	v14 =	vshll.u32 v39, $0x3  }
0x2e: {  	v59 =	vld [tilespmem:$0x2A0];
	v46 =	vshll.u32 v12, $0x3;
	v12 =	vshrl.u32 v12, $0x11;
	v48 =	vshll.u32 v13, $0x3  }
0x2f: {  	v23 =	vld [tilespmem:$0xB0];
	v13 =	vshrl.u32 v13, $0x11;
	v17 =	vshll.u32 v44, $0x3;
	v51 =	vshll.u32 v15, $0x3  }
0x30: {  	v15 =	vshrl.u32 v15, $0x11;
	v53 =	vshll.u32 v16, $0x3;
	v16 =	vshrl.u32 v16, $0x11  }
0x31: {  	v20 =	vshll.u32 v49, $0x3;
	v56 =	vshll.u32 v18, $0x3;
	v18 =	vshrl.u32 v18, $0x11  }
0x32: {  	v58 =	vshll.u32 v19, $0x3;
	v60 =	vshrl.u32 v19, $0x11;
	v61 =	vshll.u32 v54, $0x3  }
0x33: {  	v62 =	vshll.u32 v21, $0x3;
	v24 =	vshrl.u32 v21, $0x11;
	v27 =	vshrl.u32 v22, $0x11  }
0x34: {  	v29 =	vld [tilespmem:$0x2C0];
	v28 =	vshll.u32 v59, $0x3;
	v31 =	vshll.u32 v23, $0x3;
	v32 =	vshrl.u32 v59, $0x11  }
0x35: {  	v4 =	vand.u32 $0xFFFF8, v4;
	v6 =	vand.u32 $0xFFFF8, v6;
	v35 =	vand.u32 $0xFFFF8, v8  }
0x36: {  	v8 =	vand.u32 $0xFFFF8, v36;
	v40 =	vand.u32 $0xFFFF8, v11;
	v11 =	vand.u32 $0xFFFF8, v41  }
0x37: {  	v45 =	vand.u32 $0xFFFF8, v14;
	v14 =	vand.u32 $0xFFFF8, v46;
	v50 =	vand.u32 $0xFFFF8, v17  }
0x38: {  	v17 =	vand.u32 $0xFFFF8, v51;
	v55 =	vand.u32 $0xFFFF8, v20;
	v20 =	vand.u32 $0xFFFF8, v56  }
0x39: {  	v63 =	vand.u32 $0xFFFF8, v62;
	v30 =	vand.u32 $0xFFFF8, v28;
	v41 =	vshll.u32 v29, $0x3  }
0x3a: {  	v25 =	vld [tilespmem:$0x2B0];
	v0 =	vor.u32 v0, v4;
	v1 =	vor.u32 v1, v6;
	v4 =	vand.u32 $0xFFFF8, v33  }
0x3b: {  	v26 =	vld [tilespmem:$0xC0];
	v3 =	vor.u32 v3, v35;
	v37 =	vor.u32 v5, v8;
	v5 =	vand.u32 $0xFFFF8, v38  }
0x3c: {  	v6 =	vshrl.u32 v34, $0x11;
	v42 =	vor.u32 v9, v11;
	v9 =	vand.u32 $0xFFFF8, v43  }
0x3d: {  	v8 =	vshrl.u32 v39, $0x11;
	v47 =	vor.u32 v12, v14;
	v12 =	vand.u32 $0xFFFF8, v48  }
0x3e: {  	v11 =	vshrl.u32 v44, $0x11;
	v52 =	vor.u32 v15, v17;
	v15 =	vand.u32 $0xFFFF8, v53  }
0x3f: {  	v14 =	vshrl.u32 v49, $0x11;
	v57 =	vor.u32 v18, v20;
	v33 =	vshrl.u32 v23, $0x11;
	[tilespmem:$0x400] =	vst v0  }
0x40: {  	v35 =	vshll.u32 v25, $0x3;
	v38 =	vshll.u32 v26, $0x3;
	v43 =	vshrl.u32 v29, $0x11;
	[tilespmem:$0x600] =	vst v1  }
0x41: {  	v2 =	vor.u32 v2, v4;
	v5 =	vor.u32 v7, v5;
	v6 =	vor.u32 v6, v40;
	[tilespmem:$0x610] =	vst v3  }
0x42: {  	v9 =	vor.u32 v10, v9;
	v8 =	vor.u32 v8, v45;
	v12 =	vor.u32 v13, v12;
	[tilespmem:$0x420] =	vst v37  }
0x43: {  	v11 =	vor.u32 v11, v50;
	v15 =	vor.u32 v16, v15;
	v14 =	vor.u32 v14, v55;
	[tilespmem:$0x630] =	vst v42  }
0x44: {  	v59 =	vld [tilespmem:$0x110];
	v0 =	vand.u32 $0xFFFF8, v58;
	v1 =	vand.u32 $0xFFFF8, v61;
	v3 =	vshll.u32 v22, $0x3;
	[tilespmem:$0x410] =	vst v2  }
0x45: {  	v36 =	vld [tilespmem:$0x2D0];
	v4 =	vor.u32 v32, v30;
	v37 =	vshrl.u32 v25, $0x11;
	v40 =	vand.u32 $0xFFFF8, v38;
	[tilespmem:$0x620] =	vst v5  }
0x46: {  	v46 =	vld [tilespmem:$0xF0];
	v42 =	vshrl.u32 v26, $0x11;
	v0 =	vor.u32 v60, v0;
	v2 =	vshrl.u32 v54, $0x11;
	[tilespmem:$0x430] =	vst v6  }
0x47: {  	v56 =	vld [tilespmem:$0x300];
	v3 =	vand.u32 $0xFFFF8, v3;
	v5 =	vand.u32 $0xFFFF8, v31;
	[tilespmem:$0x440] =	vst v9;
	v6 =	vand.u32 $0xFFFF8, v35  }
0x48: {  	v34 =	vld [tilespmem:$0xD0];
	[tilespmem:$0x640] =	vst v8;
	v9 =	vand.u32 $0xFFFF8, v41;
	v8 =	vor.u32 v42, v40;
	v1 =	vor.u32 v2, v1  }
0x49: {  	v39 =	vld [tilespmem:$0xE0];
	[tilespmem:$0x450] =	vst v47;
	v2 =	vor.u32 v24, v63;
	v3 =	vor.u32 v27, v3;
	v5 =	vor.u32 v33, v5  }
0x4a: {  	v44 =	vld [tilespmem:$0x2E0];
	[tilespmem:$0x660] =	vst v52;
	v6 =	vor.u32 v37, v6;
	v9 =	vor.u32 v43, v9;
	v27 =	vshll.u32 v59, $0x3  }
0x4b: {  	v49 =	vld [tilespmem:$0x2F0];
	[tilespmem:$0x480] =	vst v57;
	v29 =	vshrl.u32 v59, $0x11;
	v48 =	vshll.u32 v36, $0x3;
	v7 =	vshrl.u32 v36, $0x11  }
0x4c: {  	v53 =	vld [tilespmem:$0x100];
	v58 =	vshll.u32 v46, $0x3;
	[tilespmem:$0x490] =	vst v1;
	v1 =	vshrl.u32 v46, $0x11;
	v24 =	vshll.u32 v56, $0x3  }
0x4d: {  	v20 =	vld [tilespmem:$0x310];
	[tilespmem:$0x650] =	vst v12;
	v28 =	vshrl.u32 v56, $0x11;
	v12 =	vand.u32 $0xFFFF8, v27;
	v45 =	vshll.u32 v34, $0x3  }
0x4e: {  	[tilespmem:$0x460] =	vst v11;
	v47 =	vshrl.u32 v34, $0x11;
	v50 =	vand.u32 $0xFFFF8, v48;
	v51 =	vshll.u32 v39, $0x3  }
0x4f: {  	v17 =	vld [tilespmem:$0x180];
	[tilespmem:$0x470] =	vst v15;
	v52 =	vshrl.u32 v39, $0x11;
	v55 =	vshll.u32 v44, $0x3;
	v57 =	vshrl.u32 v44, $0x11  }
0x50: {  	v22 =	vld [tilespmem:$0x120];
	[tilespmem:$0x670] =	vst v14;
	v60 =	vand.u32 $0xFFFF8, v58;
	v61 =	vshll.u32 v49, $0x3;
	v63 =	vshrl.u32 v49, $0x11  }
0x51: {  	v25 =	vld [tilespmem:$0x320];
	[tilespmem:$0x6A0] =	vst v4;
	v21 =	vshll.u32 v53, $0x3;
	v23 =	vshrl.u32 v53, $0x11;
	v26 =	vand.u32 $0xFFFF8, v24  }
0x52: {  	v30 =	vld [tilespmem:$0x130];
	[tilespmem:$0x680] =	vst v0;
	v31 =	vor.u32 v29, v12;
	v32 =	vshll.u32 v20, $0x3;
	v34 =	vshrl.u32 v20, $0x11  }
0x53: {  	[tilespmem:$0x4C0] =	vst v8;
	v10 =	vand.u32 $0xFFFF8, v45;
	v13 =	vand.u32 $0xFFFF8, v51;
	v7 =	vor.u32 v7, v50  }
0x54: {  	[tilespmem:$0x4A0] =	vst v3;
	v62 =	vand.u32 $0xFFFF8, v61;
	v1 =	vor.u32 v1, v60;
	v3 =	vand.u32 $0xFFFF8, v21  }
0x55: {  	[tilespmem:$0x6B0] =	vst v6;
	v4 =	vor.u32 v28, v26;
	v6 =	vand.u32 $0xFFFF8, v32;
	v35 =	vshll.u32 v22, $0x3  }
0x56: {  	v41 =	vld [tilespmem:$0x340];
	[tilespmem:$0x690] =	vst v2;
	v38 =	vshll.u32 v25, $0x3;
	v39 =	vshrl.u32 v22, $0x11;
	v40 =	vshrl.u32 v25, $0x11  }
0x57: {  	[tilespmem:$0x4B0] =	vst v5;
	v44 =	vshll.u32 v30, $0x3;
	v46 =	vshrl.u32 v30, $0x11;
	v28 =	vshll.u32 v17, $0x3  }
0x58: {  	v33 =	vld [tilespmem:$0x330];
	[tilespmem:$0x510] =	vst v31;
	v31 =	vshrl.u32 v17, $0x11;
	v10 =	vor.u32 v47, v10;
	v54 =	vor.u32 v52, v13  }
0x59: {  	v36 =	vld [tilespmem:$0x140];
	[tilespmem:$0x6C0] =	vst v9;
	v13 =	vand.u32 $0xFFFF8, v55;
	v2 =	vor.u32 v63, v62;
	v3 =	vor.u32 v23, v3  }
0x5a: {  	v48 =	vld [tilespmem:$0x350];
	v6 =	vor.u32 v34, v6;
	v37 =	vand.u32 $0xFFFF8, v35;
	v9 =	vand.u32 $0xFFFF8, v38;
	[tilespmem:$0x6D0] =	vst v7  }
0x5b: {  	v20 =	vld [tilespmem:$0x380];
	[tilespmem:$0x4F0] =	vst v1;
	v53 =	vshll.u32 v41, $0x3;
	v55 =	vshrl.u32 v41, $0x11;
	v0 =	vor.u32 v57, v13  }
0x5c: {  	v24 =	vld [tilespmem:$0x190];
	[tilespmem:$0x700] =	vst v4;
	v42 =	vor.u32 v39, v37;
	v43 =	vor.u32 v40, v9;
	v9 =	vand.u32 $0xFFFF8, v44  }
0x5d: {  	v29 =	vld [tilespmem:$0x1A0];
	v47 =	vshll.u32 v33, $0x3;
	v1 =	vshrl.u32 v33, $0x11;
	[tilespmem:$0x500] =	vst v3;
	v3 =	vand.u32 $0xFFFF8, v53  }
0x5e: {  	v45 =	vld [tilespmem:$0x150];
	[tilespmem:$0x6E0] =	vst v0;
	v0 =	vor.u32 v46, v9;
	v49 =	vand.u32 $0xFFFF8, v47;
	v50 =	vshll.u32 v36, $0x3  }
0x5f: {  	[tilespmem:$0x4D0] =	vst v10;
	v51 =	vshrl.u32 v36, $0x11;
	v3 =	vor.u32 v55, v3;
	v11 =	vand.u32 $0xFFFF8, v50  }
0x60: {  	v26 =	vld [tilespmem:$0x390];
	[tilespmem:$0x4E0] =	vst v54;
	v1 =	vor.u32 v1, v49;
	v59 =	vshll.u32 v48, $0x3;
	v61 =	vshrl.u32 v48, $0x11  }
0x61: {  	v52 =	vld [tilespmem:$0x160];
	[tilespmem:$0x740] =	vst v3;
	v3 =	vand.u32 $0xFFFF8, v28;
	v30 =	vshll.u32 v20, $0x3;
	v32 =	vshrl.u32 v20, $0x11  }
0x62: {  	v62 =	vld [tilespmem:$0x370];
	[tilespmem:$0x6F0] =	vst v2;
	v35 =	vshll.u32 v24, $0x3;
	v37 =	vshrl.u32 v24, $0x11;
	v41 =	vshll.u32 v29, $0x3  }
0x63: {  	v54 =	vld [tilespmem:$0x360];
	[tilespmem:$0x520] =	vst v42;
	v42 =	vshrl.u32 v29, $0x11;
	v2 =	vor.u32 v51, v11;
	v56 =	vshll.u32 v45, $0x3  }
0x64: {  	v57 =	vld [tilespmem:$0x170];
	[tilespmem:$0x710] =	vst v6;
	v60 =	vshrl.u32 v45, $0x11;
	v9 =	vand.u32 $0xFFFF8, v59;
	v7 =	vand.u32 $0xFFFF8, v30  }
0x65: {  	v33 =	vld [tilespmem:$0x3A0];
	[tilespmem:$0x720] =	vst v43;
	v3 =	vor.u32 v31, v3;
	v5 =	vand.u32 $0xFFFF8, v35;
	v38 =	vshll.u32 v26, $0x3  }
0x66: {  	v39 =	vld [tilespmem:$0x3B0];
	[tilespmem:$0x530] =	vst v0;
	v58 =	vand.u32 $0xFFFF8, v56;
	v63 =	vor.u32 v61, v9;
	v16 =	vshll.u32 v52, $0x3  }
0x67: {  	[tilespmem:$0x730] =	vst v1;
	v18 =	vshrl.u32 v52, $0x11;
	v25 =	vshll.u32 v62, $0x3;
	v27 =	vshrl.u32 v62, $0x11  }
0x68: {  	v36 =	vld [tilespmem:$0x1B0];
	[tilespmem:$0x540] =	vst v2;
	v34 =	vor.u32 v32, v7;
	v40 =	vand.u32 $0xFFFF8, v38;
	v4 =	vor.u32 v60, v58  }
0x69: {  	v43 =	vld [tilespmem:$0x1C0];
	[tilespmem:$0x580] =	vst v3;
	v6 =	vand.u32 $0xFFFF8, v16;
	v19 =	vshll.u32 v54, $0x3;
	v22 =	vshll.u32 v57, $0x3  }
0x6a: {  	v0 =	vshrl.u32 v54, $0x11;
	v23 =	vshrl.u32 v57, $0x11;
	v2 =	vand.u32 $0xFFFF8, v25;
	[tilespmem:$0x750] =	vst v63  }
0x6b: {  	v48 =	vld [tilespmem:$0x1D0];
	v44 =	vshll.u32 v33, $0x3;
	v46 =	vshrl.u32 v33, $0x11;
	[tilespmem:$0x780] =	vst v34;
	v50 =	vshll.u32 v39, $0x3  }
0x6c: {  	v51 =	vshrl.u32 v39, $0x11;
	v6 =	vor.u32 v18, v6;
	v21 =	vand.u32 $0xFFFF8, v19;
	[tilespmem:$0x550] =	vst v4  }
0x6d: {  	v45 =	vld [tilespmem:$0x3C0];
	v8 =	vand.u32 $0xFFFF8, v22;
	v2 =	vor.u32 v27, v2;
	v3 =	vand.u32 $0xFFFF8, v44;
	[tilespmem:$0x560] =	vst v6  }
0x6e: {  	v47 =	vshll.u32 v36, $0x3;
	v53 =	vshll.u32 v43, $0x3;
	v0 =	vor.u32 v0, v21;
	[tilespmem:$0x770] =	vst v2  }
0x6f: {  	v55 =	vshrl.u32 v43, $0x11;
	v1 =	vor.u32 v23, v8;
	v6 =	vand.u32 $0xFFFF8, v41;
	[tilespmem:$0x760] =	vst v0  }
0x70: {  	v52 =	vld [tilespmem:$0x3D0];
	v3 =	vor.u32 v46, v3;
	v49 =	vand.u32 $0xFFFF8, v47;
	v58 =	vshll.u32 v48, $0x3;
	[tilespmem:$0x570] =	vst v1  }
0x71: {  	v54 =	vld [tilespmem:$0x1E0];
	v59 =	vshrl.u32 v48, $0x11;
	v0 =	vor.u32 v37, v5;
	v1 =	vshrl.u32 v26, $0x11;
	[tilespmem:$0x7A0] =	vst v3  }
0x72: {  	v57 =	vld [tilespmem:$0x3E0];
	v2 =	vor.u32 v42, v6;
	v5 =	vand.u32 $0xFFFF8, v50;
	v56 =	vshll.u32 v45, $0x3;
	[tilespmem:$0x590] =	vst v0  }
0x73: {  	v4 =	vand.u32 $0xFFFF8, v58;
	v1 =	vor.u32 v1, v40;
	v0 =	vshrl.u32 v36, $0x11;
	[tilespmem:$0x5A0] =	vst v2  }
0x74: {  	v2 =	vand.u32 $0xFFFF8, v53;
	v3 =	vand.u32 $0xFFFF8, v56;
	[tilespmem:$0x790] =	vst v1;
	v0 =	vor.u32 v0, v49  }
0x75: {  	v60 =	vld [tilespmem:$0x1F0];
	v1 =	vor.u32 v51, v5;
	v2 =	vor.u32 v55, v2;
	[tilespmem:$0x5B0] =	vst v0;
	v0 =	vshrl.u32 v45, $0x11  }
0x76: {  	v61 =	vld [tilespmem:$0x3F0];
	v62 =	vshll.u32 v54, $0x3;
	[tilespmem:$0x7B0] =	vst v1;
	v0 =	vor.u32 v0, v3;
	v3 =	vshll.u32 v52, $0x3  }
0x77: {  	v63 =	vshrl.u32 v57, $0x11;
	[tilespmem:$0x5C0] =	vst v2;
	v2 =	vand.u32 $0xFFFF8, v3;
	v3 =	vshrl.u32 v52, $0x11  }
0x78: {  	v1 =	vor.u32 v59, v4;
	[tilespmem:$0x7C0] =	vst v0;
	v0 =	vor.u32 v3, v2;
	v3 =	vshll.u32 v57, $0x3  }
0x79: {  	[tilespmem:$0x5D0] =	vst v1;
	v1 =	vshrl.u32 v54, $0x11;
	v2 =	vand.u32 $0xFFFF8, v62;
	v3 =	vand.u32 $0xFFFF8, v3  }
0x7a: {  	[tilespmem:$0x7D0] =	vst v0;
	v0 =	vor.u32 v1, v2;
	v2 =	vshll.u32 v60, $0x3;
	v1 =	vor.u32 v63, v3  }
0x7b: {  	[tilespmem:$0x5E0] =	vst v0;
	v0 =	vand.u32 $0xFFFF8, v2;
	v2 =	vshrl.u32 v60, $0x11;
	v3 =	vshll.u32 v61, $0x3  }
0x7c: {  	[tilespmem:$0x7E0] =	vst v1;
	v0 =	vor.u32 v2, v0;
	v1 =	vand.u32 $0xFFFF8, v3;
	v2 =	vshrl.u32 v61, $0x11  }
0x7d: {  	[tilespmem:$0x5F0] =	vst v0;
	v0 =	vor.u32 v2, v1  }
0x7e: {  	s28 =	simm.s32 $0x2800;
	[tilespmem:$0x7F0] =	vst v0  }
0x7f: {  	[tilespmem:s28], [sflag:$0x2] =	stream.indirect.gather [hbm4b:s4+s14], $0x1, s1, s14, $0xb8;
	[tilespmem:$0x2E10] =	vst v63  }
0x80: {  	s28 =	simm.s32 $0x2A00  }
0x81: {  	[tilespmem:s28], [sflag:$0x2] =	stream.indirect.gather [hbm4b:s6+s14], $0x1, s13, s14, $0xb8;
	[tilespmem:$0x2E10] =	vst v63  }
0x82: {  	s28 =	simm.s32 $0x2880  }
0x83: {  	[tilespmem:s28], [sflag:$0x2] =	stream.indirect.gather [hbm4b:s4+s14], $0x1, s14, s14, $0xb8;
	[tilespmem:$0x2E10] =	vst v63  }
0x84: {  	s29 =	simm.s32 $0x2A80;
	s28 =	simm.s32 $0x280  }
0x85: {  	[tilespmem:s29], [sflag:$0x2] =	stream.indirect.gather [hbm4b:s6+s14], $0x1, s28, s14, $0xb8;
	[tilespmem:$0x2E10] =	vst v63  }
0x86: {  	s28 =	simm.s32 $0x100;
	s29 =	simm.s32 $0x2900  }
0x87: {  	[tilespmem:s29], [sflag:$0x2] =	stream.indirect.gather [hbm4b:s4+s14], $0x1, s28, s14, $0xb8;
	[tilespmem:$0x2E10] =	vst v63  }
0x88: {  	s28 =	simm.s32 $0x300;
	s29 =	simm.s32 $0x2B00  }
0x89: {  	[tilespmem:s29], [sflag:$0x2] =	stream.indirect.gather [hbm4b:s6+s14], $0x1, s28, s14, $0xb8;
	[tilespmem:$0x2E10] =	vst v63  }
0x8a: {  	s28 =	simm.s32 $0x180;
	s29 =	simm.s32 $0x2980  }
0x8b: {  	[tilespmem:s29], [sflag:$0x2] =	stream.indirect.gather [hbm4b:s4+s14], $0x1, s28, s14, $0xb8;
	[tilespmem:$0x2E10] =	vst v63  }
0x8c: {  	s28 =	simm.s32 $0x380;
	s29 =	simm.s32 $0x2B80  }
0x8d: {  	[tilespmem:s29], [sflag:$0x2] =	stream.indirect.gather [hbm4b:s6+s14], $0x1, s28, s14, $0xb8;
	[tilespmem:$0x2E10] =	vst v63  }
0x8e: {  	s28 =	simm.s32 $0x400  }
0x8f: {  	[tilespmem:s30], [sflag:$0x1] =	stream.indirect.gather [hbm4b:s3+s14], $0x10, s28, s14, $0xb8;
	[tilespmem:$0x2E10] =	vst v63  }
0x90: {  	_ = 	snop  }
0x91: {  	[tilespmem:s0], [sflag:$0x1] =	stream.indirect.gather [hbm4b:s5+s14], $0x10, s31, s14, $0xb8;
	[tilespmem:$0x2E10] =	vst v63  }
0x92: {  	_ =	swait.ge [sflag:s2], $0x800  }
0x93: {  	[sflag:s2] =	ssyncset.done $0x0  }
0x94: {  	[sflag:s2] =	ssyncadd.s32 $0xFFFFF800  }
0x95: {  	_ =	swait.ge [sflag:s2], $0x800  }
0x96: {  	[sflag:s2] =	ssyncset.done $0x0  }
0x97: {  	[sflag:s2] =	ssyncadd.s32 $0xFFFFF800  }
0x98: {  	[tilespmem:s16], [sflag:$0x1] =	stream.indirect.gather [hbm4b:s3+s14], $0x10, s15, s14, $0xb8;
	[tilespmem:$0x2E10] =	vst v63  }
0x99: {  	s28 =	simm.s32 $0x0  }
0x9a: {  	[tilespmem:s18], [sflag:$0x1] =	stream.indirect.gather [hbm4b:s5+s14], $0x10, s17, s14, $0xb8;
	[tilespmem:$0x2E10] =	vst v63  }
0x9b: {  	v1 =	vld [tilespmem:s28+$0x800]  }
0x9c: {  	v0 =	vimm.f32 $0.0e+00;
	v2 =	vld [tilespmem:s28+$0x1800];
	s28 =	simm.s32 $0x40  }
.LBB2_2:
0x9d: {  	_ = 	snop  }
0x9e: {  	p0 =	sne.s32 s28, $0x1FC0  }
.Ltmp0:
0x9f: {  	_ = 	snop;
	(pc) =	sbr.rel @p0 .LBB2_2-.Ltmp0, $4  }
0xa0: {  	_ = 	snop  }
0xa1: {  	s29 =	sshra.s32 s28, $0x2;
	v3 =	vmul.f32 v2, v1  }
0xa2: {  	v1 =	vld [tilespmem:s29+$0x800]  }
0xa3: {  	s28 =	sadd.s32 $0x40, s28;
	v2 =	vld [tilespmem:s29+$0x1800];
	v0 =	vadd.f32 v3, v0  }
0xa4: {  	_ =	swait.ge [sflag:s2], $0x800  }
0xa5: {  	[sflag:s2] =	ssyncset.done $0x0  }
0xa6: {  	[sflag:s2] =	ssyncadd.s32 $0xFFFFF800  }
0xa7: {  	_ =	swait.ge [sflag:s2], $0x800  }
0xa8: {  	[sflag:s2] =	ssyncset.done $0x0  }
0xa9: {  	[sflag:s2] =	ssyncadd.s32 $0xFFFFF800  }
0xaa: {  	[tilespmem:s30], [sflag:$0x1] =	stream.indirect.gather [hbm4b:s3+s14], $0x10, s19, s14, $0xb8;
	[tilespmem:$0x2E10] =	vst v63  }
0xab: {  	s29 =	simm.s32 $0x0  }
0xac: {  	v2 =	vmul.f32 v2, v1;
	[tilespmem:s0], [sflag:$0x1] =	stream.indirect.gather [hbm4b:s5+s14], $0x10, s20, s14, $0xb8;
	[tilespmem:$0x2E10] =	vst v63  }
0xad: {  	v1 =	vld [tilespmem:s29+$0x1000]  }
0xae: {  	s28 =	simm.s32 $0x40;
	v0 =	vadd.f32 v2, v0;
	v2 =	vld [tilespmem:s29+$0x2000]  }
.LBB2_4:
0xaf: {  	_ = 	snop  }
0xb0: {  	p0 =	sne.s32 s28, $0x1FC0  }
.Ltmp1:
0xb1: {  	_ = 	snop;
	(pc) =	sbr.rel @p0 .LBB2_4-.Ltmp1, $4  }
0xb2: {  	_ = 	snop  }
0xb3: {  	s29 =	sshra.s32 s28, $0x2;
	v3 =	vmul.f32 v2, v1  }
0xb4: {  	v1 =	vld [tilespmem:s29+$0x1000]  }
0xb5: {  	s28 =	sadd.s32 $0x40, s28;
	v2 =	vld [tilespmem:s29+$0x2000];
	v0 =	vadd.f32 v3, v0  }
0xb6: {  	_ =	swait.ge [sflag:s2], $0x800  }
0xb7: {  	[sflag:s2] =	ssyncset.done $0x0  }
0xb8: {  	[sflag:s2] =	ssyncadd.s32 $0xFFFFF800  }
0xb9: {  	_ =	swait.ge [sflag:s2], $0x800  }
0xba: {  	[sflag:s2] =	ssyncset.done $0x0  }
0xbb: {  	[sflag:s2] =	ssyncadd.s32 $0xFFFFF800  }
0xbc: {  	[tilespmem:s16], [sflag:$0x1] =	stream.indirect.gather [hbm4b:s3+s14], $0x10, s21, s14, $0xb8;
	[tilespmem:$0x2E10] =	vst v63  }
0xbd: {  	s29 =	simm.s32 $0x0  }
0xbe: {  	v2 =	vmul.f32 v2, v1;
	[tilespmem:s18], [sflag:$0x1] =	stream.indirect.gather [hbm4b:s5+s14], $0x10, s22, s14, $0xb8;
	[tilespmem:$0x2E10] =	vst v63  }
0xbf: {  	v1 =	vld [tilespmem:s29+$0x800]  }
0xc0: {  	s28 =	simm.s32 $0x40;
	v0 =	vadd.f32 v2, v0;
	v2 =	vld [tilespmem:s29+$0x1800]  }
.LBB2_6:
0xc1: {  	_ = 	snop  }
0xc2: {  	p0 =	sne.s32 s28, $0x1FC0  }
.Ltmp2:
0xc3: {  	_ = 	snop;
	(pc) =	sbr.rel @p0 .LBB2_6-.Ltmp2, $4  }
0xc4: {  	_ = 	snop  }
0xc5: {  	s29 =	sshra.s32 s28, $0x2;
	v3 =	vmul.f32 v2, v1  }
0xc6: {  	v1 =	vld [tilespmem:s29+$0x800]  }
0xc7: {  	s28 =	sadd.s32 $0x40, s28;
	v2 =	vld [tilespmem:s29+$0x1800];
	v0 =	vadd.f32 v3, v0  }
0xc8: {  	_ =	swait.ge [sflag:s2], $0x800  }
0xc9: {  	[sflag:s2] =	ssyncset.done $0x0  }
0xca: {  	[sflag:s2] =	ssyncadd.s32 $0xFFFFF800  }
0xcb: {  	_ =	swait.ge [sflag:s2], $0x800  }
0xcc: {  	[sflag:s2] =	ssyncset.done $0x0  }
0xcd: {  	s29 =	simm.s32 $0x0;
	v2 =	vmul.f32 v2, v1;
	[sflag:s2] =	ssyncadd.s32 $0xFFFFF800  }
0xce: {  	v1 =	vld [tilespmem:s29+$0x1000]  }
0xcf: {  	s28 =	simm.s32 $0x40;
	v0 =	vadd.f32 v2, v0;
	v2 =	vld [tilespmem:s29+$0x2000]  }
.LBB2_8:
0xd0: {  	_ = 	snop  }
0xd1: {  	p0 =	sne.s32 s28, $0x1FC0  }
.Ltmp3:
0xd2: {  	_ = 	snop;
	(pc) =	sbr.rel @p0 .LBB2_8-.Ltmp3, $4  }
0xd3: {  	_ = 	snop  }
0xd4: {  	s29 =	sshra.s32 s28, $0x2;
	v3 =	vmul.f32 v2, v1  }
0xd5: {  	v1 =	vld [tilespmem:s29+$0x1000]  }
0xd6: {  	s28 =	sadd.s32 $0x40, s28;
	v2 =	vld [tilespmem:s29+$0x2000];
	v0 =	vadd.f32 v3, v0  }
0xd7: {  	_ =	sdelay $0x3  }
0xd8: {  	v1 =	vmul.f32 v2, v1;
	_ =	sdelay $0x1  }
0xd9: {  	v0 =	vadd.f32 v1, v0;
	_ =	sdelay $0x1  }
0xda: {  	[tilespmem:$0x2E00] =	vst v0  }
0xdb: {  	[hbm4b:s9+s1] =	stream.linear.scatter [tilespmem:s23], [sflag:$0x3], $0x10, $0x38;
	[tilespmem:$0x2E10] =	vst v63  }
0xdc: {  	_ =	swait.ge [sflag:s12], $0x10  }
0xdd: {  	[sflag:s12] =	ssyncset.done $0x0  }
0xde: {  	[sflag:s12] =	ssyncadd.s32 $0xFFFFFFF0  }
0xdf: {  	_ =	swait.ge [sflag:s24], $0x80  }
0xe0: {  	[sflag:s24] =	ssyncset.done $0x0  }
0xe1: {  	[sflag:s24] =	ssyncadd.s32 $0xFFFFFF80  }
0xe2: {  	_ =	swait.ge [sflag:s24], $0x80  }
0xe3: {  	[sflag:s24] =	ssyncset.done $0x0  }
0xe4: {  	[sflag:s24] =	ssyncadd.s32 $0xFFFFFF80  }
0xe5: {  	_ =	swait.ge [sflag:s24], $0x80  }
0xe6: {  	[sflag:s24] =	ssyncset.done $0x0  }
0xe7: {  	[sflag:s24] =	ssyncadd.s32 $0xFFFFFF80  }
0xe8: {  	_ =	swait.ge [sflag:s24], $0x80  }
0xe9: {  	[sflag:s24] =	ssyncset.done $0x0  }
0xea: {  	[sflag:s24] =	ssyncadd.s32 $0xFFFFFF80  }
0xeb: {  	_ =	swait.ge [sflag:s24], $0x80  }
0xec: {  	[sflag:s24] =	ssyncset.done $0x0  }
0xed: {  	[sflag:s24] =	ssyncadd.s32 $0xFFFFFF80  }
0xee: {  	_ =	swait.ge [sflag:s24], $0x80  }
0xef: {  	[sflag:s24] =	ssyncset.done $0x0  }
0xf0: {  	[sflag:s24] =	ssyncadd.s32 $0xFFFFFF80  }
0xf1: {  	_ =	swait.ge [sflag:s24], $0x80  }
0xf2: {  	[sflag:s24] =	ssyncset.done $0x0  }
0xf3: {  	[sflag:s24] =	ssyncadd.s32 $0xFFFFFF80  }
0xf4: {  	_ =	swait.ge [sflag:s24], $0x80  }
0xf5: {  	[sflag:s24] =	ssyncset.done $0x0  }
0xf6: {  	[sflag:s24] =	ssyncadd.s32 $0xFFFFFF80  }
0xf7: {  	v43 =	vld [tilespmem:$0x2800]  }
0xf8: {  	v44 =	vld [tilespmem:$0x2A00]  }
0xf9: {  	v45 =	vld [tilespmem:$0x2810]  }
0xfa: {  	v3 =	vld [tilespmem:$0x2A10]  }
0xfb: {  	v4 =	vld [tilespmem:$0x2820]  }
0xfc: {  	v5 =	vld [tilespmem:$0x2A20]  }
0xfd: {  	v6 =	vld [tilespmem:$0x2830]  }
0xfe: {  	v7 =	vld [tilespmem:$0x2A30]  }
0xff: {  	v8 =	vld [tilespmem:$0x2840]  }
0x100: {  	v9 =	vld [tilespmem:$0x2A40]  }
0x101: {  	v10 =	vld [tilespmem:$0x2850]  }
0x102: {  	v11 =	vld [tilespmem:$0x2A50]  }
0x103: {  	v12 =	vld [tilespmem:$0x2860]  }
0x104: {  	v13 =	vld [tilespmem:$0x2A60]  }
0x105: {  	v14 =	vld [tilespmem:$0x2870]  }
0x106: {  	v15 =	vld [tilespmem:$0x2A70]  }
0x107: {  	v16 =	vld [tilespmem:$0x2880]  }
0x108: {  	v17 =	vld [tilespmem:$0x2A80]  }
0x109: {  	v18 =	vld [tilespmem:$0x2890]  }
0x10a: {  	v19 =	vld [tilespmem:$0x2A90]  }
0x10b: {  	v20 =	vld [tilespmem:$0x28A0]  }
0x10c: {  	v21 =	vld [tilespmem:$0x2AA0]  }
0x10d: {  	v22 =	vld [tilespmem:$0x28B0]  }
0x10e: {  	v23 =	vld [tilespmem:$0x2AB0]  }
0x10f: {  	v24 =	vld [tilespmem:$0x28C0]  }
0x110: {  	v25 =	vld [tilespmem:$0x2AC0]  }
0x111: {  	v26 =	vld [tilespmem:$0x28D0]  }
0x112: {  	v27 =	vld [tilespmem:$0x2AD0]  }
0x113: {  	v28 =	vld [tilespmem:$0x28E0]  }
0x114: {  	v29 =	vld [tilespmem:$0x2AE0]  }
0x115: {  	v30 =	vld [tilespmem:$0x28F0]  }
0x116: {  	v31 =	vld [tilespmem:$0x2AF0]  }
0x117: {  	v32 =	vld [tilespmem:$0x2900]  }
0x118: {  	v33 =	vld [tilespmem:$0x2B00]  }
0x119: {  	v34 =	vld [tilespmem:$0x2910]  }
0x11a: {  	v35 =	vld [tilespmem:$0x2B10]  }
0x11b: {  	v36 =	vld [tilespmem:$0x2920]  }
0x11c: {  	v46 =	vld [tilespmem:$0x2B20];
	v0 =	vadd.f32 v44, v43  }
0x11d: {  	v47 =	vld [tilespmem:$0x2930];
	v2 =	vadd.f32 v3, v45  }
0x11e: {  	v49 =	vld [tilespmem:$0x2B30];
	v48 =	vadd.f32 v5, v4;
	[tilespmem:$0x2C00] =	vst v0  }
0x11f: {  	v51 =	vld [tilespmem:$0x2940];
	v50 =	vadd.f32 v7, v6;
	[tilespmem:$0x2C10] =	vst v2  }
0x120: {  	v53 =	vld [tilespmem:$0x2B40];
	v52 =	vadd.f32 v9, v8;
	[tilespmem:$0x2C20] =	vst v48  }
0x121: {  	v55 =	vld [tilespmem:$0x2950];
	v54 =	vadd.f32 v11, v10;
	[tilespmem:$0x2C30] =	vst v50  }
0x122: {  	v57 =	vld [tilespmem:$0x2B50];
	v56 =	vadd.f32 v13, v12;
	[tilespmem:$0x2C40] =	vst v52  }
0x123: {  	v59 =	vld [tilespmem:$0x2960];
	v58 =	vadd.f32 v15, v14;
	[tilespmem:$0x2C50] =	vst v54  }
0x124: {  	v61 =	vld [tilespmem:$0x2B60];
	v60 =	vadd.f32 v17, v16;
	[tilespmem:$0x2C60] =	vst v56  }
0x125: {  	v63 =	vld [tilespmem:$0x2970];
	v62 =	vadd.f32 v19, v18;
	[tilespmem:$0x2C70] =	vst v58  }
0x126: {  	v37 =	vld [tilespmem:$0x29A0];
	v20 =	vadd.f32 v21, v20;
	[tilespmem:$0x2C80] =	vst v60  }
0x127: {  	v39 =	vld [tilespmem:$0x2BA0];
	v22 =	vadd.f32 v23, v22;
	[tilespmem:$0x2C90] =	vst v62  }
0x128: {  	v41 =	vld [tilespmem:$0x29B0];
	v24 =	vadd.f32 v25, v24;
	[tilespmem:$0x2CA0] =	vst v20  }
0x129: {  	v21 =	vld [tilespmem:$0x2B70];
	v26 =	vadd.f32 v27, v26;
	[tilespmem:$0x2CB0] =	vst v22  }
0x12a: {  	v23 =	vld [tilespmem:$0x2980];
	v28 =	vadd.f32 v29, v28;
	[tilespmem:$0x2CC0] =	vst v24  }
0x12b: {  	v25 =	vld [tilespmem:$0x2B80];
	v31 =	vadd.f32 v31, v30;
	[tilespmem:$0x2CD0] =	vst v26  }
0x12c: {  	v27 =	vld [tilespmem:$0x2990];
	v38 =	vadd.f32 v33, v32;
	[tilespmem:$0x2CE0] =	vst v28  }
0x12d: {  	v29 =	vld [tilespmem:$0x2B90];
	v40 =	vadd.f32 v35, v34;
	[tilespmem:$0x2CF0] =	vst v31  }
0x12e: {  	v42 =	vadd.f32 v46, v36;
	v43 =	vld [tilespmem:$0x2BB0];
	[tilespmem:$0x2D00] =	vst v38  }
0x12f: {  	v44 =	vadd.f32 v49, v47;
	v45 =	vld [tilespmem:$0x29C0];
	[tilespmem:$0x2D10] =	vst v40  }
0x130: {  	v46 =	vadd.f32 v53, v51;
	v47 =	vld [tilespmem:$0x2BC0];
	[tilespmem:$0x2D20] =	vst v42  }
0x131: {  	v49 =	vld [tilespmem:$0x29D0];
	[tilespmem:$0x2D30] =	vst v44;
	v48 =	vadd.f32 v57, v55  }
0x132: {  	v51 =	vld [tilespmem:$0x2BD0];
	[tilespmem:$0x2D40] =	vst v46;
	v50 =	vadd.f32 v61, v59  }
0x133: {  	v53 =	vld [tilespmem:$0x29E0];
	v58 =	vadd.f32 v39, v37;
	[tilespmem:$0x2D50] =	vst v48  }
0x134: {  	v55 =	vld [tilespmem:$0x2BE0];
	[tilespmem:$0x2D60] =	vst v50;
	v52 =	vadd.f32 v21, v63  }
0x135: {  	v57 =	vld [tilespmem:$0x29F0];
	[tilespmem:$0x2DA0] =	vst v58;
	v54 =	vadd.f32 v25, v23  }
0x136: {  	v59 =	vld [tilespmem:$0x2BF0];
	v56 =	vadd.f32 v29, v27;
	[tilespmem:$0x2D70] =	vst v52  }
0x137: {  	v1 =	vadd.f32 v43, v41;
	[tilespmem:$0x2D80] =	vst v54  }
0x138: {  	v60 =	vadd.f32 v47, v45;
	[tilespmem:$0x2D90] =	vst v56  }
0x139: {  	v61 =	vadd.f32 v51, v49;
	[tilespmem:$0x2DB0] =	vst v1  }
0x13a: {  	[tilespmem:$0x2DC0] =	vst v60;
	v62 =	vadd.f32 v55, v53  }
0x13b: {  	s26 =	sadd.s32 $0x1, s26;
	[tilespmem:$0x2DD0] =	vst v61;
	v63 =	vadd.f32 v59, v57  }
0x13c: {  	p0 =	sne.s32 s26, s11;
	[tilespmem:$0x2DE0] =	vst v62  }
.Ltmp4:
0x13d: {  	[tilespmem:$0x2DF0] =	vst v63;
	(pc) =	sbr.rel @p0 .LBB2_1-.Ltmp4, $4  }
0x13e: {  	[hbm4b:s10+s1] =	stream.linear.scatter [tilespmem:s25], [sflag:$0x3], $0x200, $0x38;
	[tilespmem:$0x2E10] =	vst v63  }
0x13f: {  	_ =	swait.ge [sflag:s12], $0x200  }
0x140: {  	[sflag:s12] =	ssyncset.done $0x0  }
0x141: {  	[sflag:s12] =	ssyncadd.s32 $0xFFFFFE00  }
0x142: {  	_ =	sfence.sel $0x180000  }
0x143: {  	[bflag:$0x0] =	sbarrier.arrive $0xFFFF  }
0x144: {  	_ =	strace $0x90000047  }
0x145: {  	s0 =	stileid.u32;
	[bflag:$0x2] =	sbarrier.arrive $0xFFFF  }
0x146: {  	p0 =	sne.s32 s0, $0x0;
	s0 =	rddreg [dreg:$0x2]  }
0x147: {  	s0 =	sadd.s32 @!p0 $0x100000, s0  }
0x148: {  	[sflag:s0] =	ssyncadd.tile.s32 @!p0 $0x1;
	_ =	shalt  }
.Lfunc_end2:
_tile_overlayer_lowered:
.L_overlay_start_2:
0x149: {  	(tag) =	ssettag $0x2  }
0x14a: {  	s0 =	rddreg [dreg:$0x0];
	s2 =	stileid.u32  }
0x14b: {  	s1 =	rddreg [dreg:$0x1];
	p0 =	sne.s32 s2, $0x0  }
0x14c: {  	s3 =	rddreg [dreg:$0x2];
	[bflag:$0x3] =	sbarrier.arrive $0xFFFF;
	s2 =	simm.s32 @!p0 $0x1C03  }
0x14d: {  	[timem:s3], [sflag:s2] =	dma.local @!p0 [hbm:s0], s1  }
0x14e: {  	s0 =	simm.s32 @!p0 $0x3  }
0x14f: {  	_ =	swait.ge @!p0 [sflag:s0], s1  }
0x150: {  	s1 =	ssub.s32 @!p0 $0x0, s1;
	[sflag:s0] =	ssyncset.done @!p0 $0x0  }
0x151: {  	[sflag:s0] =	ssyncadd.s32 @!p0 s1  }
0x152: {  	[bflag:$0x3] =	sbarrier.arrive $0xFFFF  }
0x153: {  	_ =	shalt  }

</sc_bundles>
